<compile_context>
chip_gen: v7x
topology: tpu7x:2x2x1
jax: 0.10.2.dev20260603
libtpu: 0.0.44.dev20260713+nightly
codegen_flags: <defaults>
</compile_context>

<pallas_src>
import functools

import jax
import jax.numpy as jnp
from jax import lax
from jax.experimental import pallas as pl
from jax.experimental.pallas import tpu as pltpu
from jax.experimental.pallas import tpu_sc as plsc

IMG_NUM = 100000
EMBED_DIM = 6
BATCH = 16384

_info = plsc.get_sparse_core_info()
_NC = _info.num_cores
_NS = _info.num_subcores
_NW = _NC * _NS
_B_PER_W = BATCH // _NW
_W_PER_W = _B_PER_W * EMBED_DIM
_L = 16

_SEG = 128
_NSEG = _W_PER_W // _SEG

_mesh = plsc.VectorSubcoreMesh(core_axis_name="c", subcore_axis_name="s")


@functools.partial(
    pl.kernel,
    mesh=_mesh,
    out_type=jax.ShapeDtypeStruct((EMBED_DIM, BATCH), jnp.float32),
    scratch_types=[
        pltpu.VMEM_SHARED((IMG_NUM * EMBED_DIM,), jnp.float32),
        pltpu.VMEM((_B_PER_W,), jnp.int32),
        pltpu.VMEM((_W_PER_W,), jnp.int32),
        pltpu.VMEM((_W_PER_W,), jnp.float32),
        pltpu.VMEM((EMBED_DIM, _B_PER_W), jnp.float32),
        pltpu.SemaphoreType.DMA,
    ],
    compiler_params=pltpu.CompilerParams(needs_layout_passes=False),
)
def _se3_lookup(idx_hbm, table_hbm, out_hbm, spmem_v, idx_v, widx_v, gath_v,
                rows_t, sem):
    cid = lax.axis_index("c")
    sid = lax.axis_index("s")
    wid = sid * _NC + cid
    base = wid * _B_PER_W

    @pl.when(sid == 0)
    def _():
        pltpu.sync_copy(table_hbm, spmem_v)

    pltpu.sync_copy(idx_hbm.at[pl.ds(base, _B_PER_W)], idx_v)
    for d in range(EMBED_DIM):
        for g in range(_B_PER_W // _L):
            row = idx_v[pl.ds(g * _L, _L)]
            widx_v[pl.ds(d * _B_PER_W + g * _L, _L)] = row + d * IMG_NUM
    plsc.subcore_barrier()

    copies = [
        pltpu.async_copy(
            spmem_v.at[widx_v.at[pl.ds(j * _SEG, _SEG)]],
            gath_v.at[pl.ds(j * _SEG, _SEG)],
            sem,
        )
        for j in range(_NSEG)
    ]
    for c in copies:
        c.wait()

    @plsc.parallel_loop(0, _W_PER_W // _L, 1, unroll=8)
    def _tr_body(g):
        k = lax.iota(jnp.int32, _L) + g * _L
        d = lax.shift_right_logical(k, 9)
        c = k - d * _B_PER_W
        w = gath_v[pl.ds(g * _L, _L)]
        plsc.store_scatter(rows_t, [d, c], w)

    pltpu.sync_copy(rows_t, out_hbm.at[:, pl.ds(base, _B_PER_W)])


def kernel(indices, weight):
    flat = weight.T.reshape(-1)
    out_t = _se3_lookup(indices.astype(jnp.int32), flat)
    return out_t.T

# --- scband reference (transcript-rebuilt; emitter-appended) ---
"""Pipeline reference for scband-se3-8392366097079 (READ-ONLY COPY).

The authoritative reference and input builder live on the scoring server;
editing this copy changes nothing except your own understanding.
"""

import jax, jax.numpy as jnp
import numpy as np

IMG_NUM = 100000
EMBED_DIM = 6
BATCH = 16384

def setup_inputs(seed: int = 0) -> dict:
    key = jax.random.key(seed)
    k_idx, k_w = jax.random.split(key)
    indices = jax.random.randint(k_idx, (BATCH,), 0, IMG_NUM, dtype=jnp.int64 if jax.config.jax_enable_x64 else jnp.int32)
    weight = jax.random.normal(k_w, (IMG_NUM, EMBED_DIM), dtype=jnp.float32)
    return {"indices": indices, "weight": weight}

def reference(indices, weight):
    # SE3.params is an nn.Embedding(img_num, 6); forward is a table lookup
    # returning the 6-DoF pose parameters for each requested image index.
    return jnp.take(weight, indices, axis=0)

if __name__ == "__main__":
    import jax
    _d = setup_inputs()
    print(jax.jit(kernel)(*tuple(_d.values())))

</pallas_src>

<mosaic_0001>
#map = affine_map<(d0, d1) -> (0)>
#map1 = affine_map<(d0, d1) -> (0, 0)>
module attributes {stable_mosaic.version = 14 : i64} {
  func.func @_se3_lookup(%arg0: i32, %arg1: i32, %arg2: memref<16384xi32, #tpu.memory_space<hbm>>, %arg3: memref<600000xf32, #tpu.memory_space<hbm>>, %arg4: memref<6x16384xf32, #tpu.memory_space<hbm>>, %arg5: memref<600000xf32, #tpu.memory_space<vmem_shared>>, %arg6: memref<512xi32, #tpu.memory_space<vmem>>, %arg7: memref<3072xi32, #tpu.memory_space<vmem>>, %arg8: memref<3072xf32, #tpu.memory_space<vmem>>, %arg9: memref<6x512xf32, #tpu.memory_space<vmem>>, %arg10: memref<!tpu.dma_semaphore, #tpu.memory_space<semaphore_mem>>) attributes {dimension_semantics = [#tpu.dimension_semantics<core_parallel>, #tpu.dimension_semantics<subcore_parallel>], iteration_bounds = array<i64: 2, 16>, scalar_prefetch = 0 : i64, scratch_operands = 6 : i64, tpu.core_type = #tpu.core_type<sc_vector_subcore>, window_params = [{transform_indices = #map}, {transform_indices = #map}, {transform_indices = #map1}]} {
    %mul3A = arith.constant 2 : i32
    %mul3A_0 = arith.muli %arg1, %mul3A : i32
    %add3A = arith.addi %mul3A_0, %arg0 : i32
    %mul3A_1 = arith.constant 512 : i32
    %mul3A_2 = arith.muli %add3A, %mul3A_1 : i32
    %eq3A = arith.constant 0 : i32
    %eq3A_3 = arith.cmpi eq, %arg1, %eq3A : i32
    %convert_element_type3A = arith.extui %eq3A_3 : i1 to i32
    %cond3A = arith.constant 0 : i32
    %cond3A_4 = arith.cmpi ne, %convert_element_type3A, %cond3A : i32
    scf.if %cond3A_4 {
      "tpu.region"() ({
        %run_scoped3A = tpu.sem_alloc : memref<!tpu.dma_semaphore, #tpu.memory_space<semaphore_mem>>
        tpu.enqueue_dma source(%arg3 : memref<600000xf32, #tpu.memory_space<hbm>>) target(%arg5 : memref<600000xf32, #tpu.memory_space<vmem_shared>>) target_semaphore(%run_scoped3A : memref<!tpu.dma_semaphore, #tpu.memory_space<semaphore_mem>>)
        tpu.wait_dma2 semaphore(%run_scoped3A : memref<!tpu.dma_semaphore, #tpu.memory_space<semaphore_mem>>) src(%arg3 : memref<600000xf32, #tpu.memory_space<hbm>>) dst(%arg5 : memref<600000xf32, #tpu.memory_space<vmem_shared>>)
        tpu.yield
      }) : () -> ()
    } else {
    }
    "tpu.region"() ({
      %run_scoped3A = tpu.sem_alloc : memref<!tpu.dma_semaphore, #tpu.memory_space<semaphore_mem>>
      %dma_start3A_1635 = tpu.memref_slice %arg2[%mul3A_2] : memref<16384xi32, #tpu.memory_space<hbm>> -> memref<512xi32, #tpu.memory_space<hbm>>
      %dma_start3A_1636 = tpu.memref_slice %arg2[%mul3A_2] : memref<16384xi32, #tpu.memory_space<hbm>> -> memref<512xi32, #tpu.memory_space<hbm>>
      tpu.enqueue_dma source(%dma_start3A_1636 : memref<512xi32, #tpu.memory_space<hbm>>) target(%arg6 : memref<512xi32, #tpu.memory_space<vmem>>) target_semaphore(%run_scoped3A : memref<!tpu.dma_semaphore, #tpu.memory_space<semaphore_mem>>)
      %dma_wait3A_1637 = tpu.memref_slice %arg2[%mul3A_2] : memref<16384xi32, #tpu.memory_space<hbm>> -> memref<512xi32, #tpu.memory_space<hbm>>
      %dma_wait3A_1638 = tpu.memref_slice %arg2[%mul3A_2] : memref<16384xi32, #tpu.memory_space<hbm>> -> memref<512xi32, #tpu.memory_space<hbm>>
      tpu.wait_dma2 semaphore(%run_scoped3A : memref<!tpu.dma_semaphore, #tpu.memory_space<semaphore_mem>>) src(%dma_wait3A_1638 : memref<512xi32, #tpu.memory_space<hbm>>) dst(%arg6 : memref<512xi32, #tpu.memory_space<vmem>>)
      tpu.yield
    }) : () -> ()
    %get3A = arith.constant 0 : index
    %get3A_5 = tpu.vector_load %arg6[%get3A] {strides = array<i32>} : memref<512xi32, #tpu.memory_space<vmem>>, vector<16xi32>,
    %add3A_6 = arith.constant 0 : i32
    %add3A_7 = vector.broadcast %add3A_6 : i32 to vector<16xi32>
    %add3A_8 = arith.addi %get3A_5, %add3A_7 : vector<16xi32>
    %swap3A = arith.constant 0 : index
    %swap3A_9 = tpu.vector_load %arg7[%swap3A] {strides = array<i32>} : memref<3072xi32, #tpu.memory_space<vmem>>, vector<16xi32>,
    tpu.vector_store %arg7[%swap3A], %add3A_8 {strides = array<i32>} : memref<3072xi32, #tpu.memory_space<vmem>>, vector<16xi32>,
    %get3A_10 = arith.constant 16 : index
    %get3A_11 = tpu.vector_load %arg6[%get3A_10] {strides = array<i32>} : memref<512xi32, #tpu.memory_space<vmem>>, vector<16xi32>,
    %add3A_12 = arith.constant 0 : i32
    %add3A_13 = vector.broadcast %add3A_12 : i32 to vector<16xi32>
    %add3A_14 = arith.addi %get3A_11, %add3A_13 : vector<16xi32>
    %swap3A_15 = arith.constant 16 : index
    %swap3A_16 = tpu.vector_load %arg7[%swap3A_15] {strides = array<i32>} : memref<3072xi32, #tpu.memory_space<vmem>>, vector<16xi32>,
    tpu.vector_store %arg7[%swap3A_15], %add3A_14 {strides = array<i32>} : memref<3072xi32, #tpu.memory_space<vmem>>, vector<16xi32>,
    %get3A_17 = arith.constant 32 : index
    %get3A_18 = tpu.vector_load %arg6[%get3A_17] {strides = array<i32>} : memref<512xi32, #tpu.memory_space<vmem>>, vector<16xi32>,
    %add3A_19 = arith.constant 0 : i32
    %add3A_20 = vector.broadcast %add3A_19 : i32 to vector<16xi32>
    %add3A_21 = arith.addi %get3A_18, %add3A_20 : vector<16xi32>
    %swap3A_22 = arith.constant 32 : index
    %swap3A_23 = tpu.vector_load %arg7[%swap3A_22] {strides = array<i32>} : memref<3072xi32, #tpu.memory_space<vmem>>, vector<16xi32>,
    tpu.vector_store %arg7[%swap3A_22], %add3A_21 {strides = array<i32>} : memref<3072xi32, #tpu.memory_space<vmem>>, vector<16xi32>,
    %get3A_24 = arith.constant 48 : index
    %get3A_25 = tpu.vector_load %arg6[%get3A_24] {strides = array<i32>} : memref<512xi32, #tpu.memory_space<vmem>>, vector<16xi32>,
    %add3A_26 = arith.constant 0 : i32
    %add3A_27 = vector.broadcast %add3A_26 : i32 to vector<16xi32>
    %add3A_28 = arith.addi %get3A_25, %add3A_27 : vector<16xi32>
    %swap3A_29 = arith.constant 48 : index
    %swap3A_30 = tpu.vector_load %arg7[%swap3A_29] {strides = array<i32>} : memref<3072xi32, #tpu.memory_space<vmem>>, vector<16xi32>,
    tpu.vector_store %arg7[%swap3A_29], %add3A_28 {strides = array<i32>} : memref<3072xi32, #tpu.memory_space<vmem>>, vector<16xi32>,
    %get3A_31 = arith.constant 64 : index
    %get3A_32 = tpu.vector_load %arg6[%get3A_31] {strides = array<i32>} : memref<512xi32, #tpu.memory_space<vmem>>, vector<16xi32>,
    %add3A_33 = arith.constant 0 : i32
    %add3A_34 = vector.broadcast %add3A_33 : i32 to vector<16xi32>
    %add3A_35 = arith.addi %get3A_32, %add3A_34 : vector<16xi32>
    %swap3A_36 = arith.constant 64 : index
    %swap3A_37 = tpu.vector_load %arg7[%swap3A_36] {strides = array<i32>} : memref<3072xi32, #tpu.memory_space<vmem>>, vector<16xi32>,
    tpu.vector_store %arg7[%swap3A_36], %add3A_35 {strides = array<i32>} : memref<3072xi32, #tpu.memory_space<vmem>>, vector<16xi32>,
    %get3A_38 = arith.constant 80 : index
    %get3A_39 = tpu.vector_load %arg6[%get3A_38] {strides = array<i32>} : memref<512xi32, #tpu.memory_space<vmem>>, vector<16xi32>,
    %add3A_40 = arith.constant 0 : i32
    %add3A_41 = vector.broadcast %add3A_40 : i32 to vector<16xi32>
    %add3A_42 = arith.addi %get3A_39, %add3A_41 : vector<16xi32>
    %swap3A_43 = arith.constant 80 : index
    %swap3A_44 = tpu.vector_load %arg7[%swap3A_43] {strides = array<i32>} : memref<3072xi32, #tpu.memory_space<vmem>>, vector<16xi32>,
    tpu.vector_store %arg7[%swap3A_43], %add3A_42 {strides = array<i32>} : memref<3072xi32, #tpu.memory_space<vmem>>, vector<16xi32>,
    %get3A_45 = arith.constant 96 : index
    %get3A_46 = tpu.vector_load %arg6[%get3A_45] {strides = array<i32>} : memref<512xi32, #tpu.memory_space<vmem>>, vector<16xi32>,
    %add3A_47 = arith.constant 0 : i32
    %add3A_48 = vector.broadcast %add3A_47 : i32 to vector<16xi32>
    %add3A_49 = arith.addi %get3A_46, %add3A_48 : vector<16xi32>
    %swap3A_50 = arith.constant 96 : index
    %swap3A_51 = tpu.vector_load %arg7[%swap3A_50] {strides = array<i32>} : memref<3072xi32, #tpu.memory_space<vmem>>, vector<16xi32>,
    tpu.vector_store %arg7[%swap3A_50], %add3A_49 {strides = array<i32>} : memref<3072xi32, #tpu.memory_space<vmem>>, vector<16xi32>,
    %get3A_52 = arith.constant 112 : index
    %get3A_53 = tpu.vector_load %arg6[%get3A_52] {strides = array<i32>} : memref<512xi32, #tpu.memory_space<vmem>>, vector<16xi32>,
    %add3A_54 = arith.constant 0 : i32
    %add3A_55 = vector.broadcast %add3A_54 : i32 to vector<16xi32>
    %add3A_56 = arith.addi %get3A_53, %add3A_55 : vector<16xi32>
    %swap3A_57 = arith.constant 112 : index
    %swap3A_58 = tpu.vector_load %arg7[%swap3A_57] {strides = array<i32>} : memref<3072xi32, #tpu.memory_space<vmem>>, vector<16xi32>,
    tpu.vector_store %arg7[%swap3A_57], %add3A_56 {strides = array<i32>} : memref<3072xi32, #tpu.memory_space<vmem>>, vector<16xi32>,
    %get3A_59 = arith.constant 128 : index
    %get3A_60 = tpu.vector_load %arg6[%get3A_59] {strides = array<i32>} : memref<512xi32, #tpu.memory_space<vmem>>, vector<16xi32>,
    %add3A_61 = arith.constant 0 : i32
    %add3A_62 = vector.broadcast %add3A_61 : i32 to vector<16xi32>
    %add3A_63 = arith.addi %get3A_60, %add3A_62 : vector<16xi32>
    %swap3A_64 = arith.constant 128 : index
    %swap3A_65 = tpu.vector_load %arg7[%swap3A_64] {strides = array<i32>} : memref<3072xi32, #tpu.memory_space<vmem>>, vector<16xi32>,
    tpu.vector_store %arg7[%swap3A_64], %add3A_63 {strides = array<i32>} : memref<3072xi32, #tpu.memory_space<vmem>>, vector<16xi32>,
    %get3A_66 = arith.constant 144 : index
    %get3A_67 = tpu.vector_load %arg6[%get3A_66] {strides = array<i32>} : memref<512xi32, #tpu.memory_space<vmem>>, vector<16xi32>,
    %add3A_68 = arith.constant 0 : i32
    %add3A_69 = vector.broadcast %add3A_68 : i32 to vector<16xi32>
    %add3A_70 = arith.addi %get3A_67, %add3A_69 : vector<16xi32>
    %swap3A_71 = arith.constant 144 : index
    %swap3A_72 = tpu.vector_load %arg7[%swap3A_71] {strides = array<i32>} : memref<3072xi32, #tpu.memory_space<vmem>>, vector<16xi32>,
    tpu.vector_store %arg7[%swap3A_71], %add3A_70 {strides = array<i32>} : memref<3072xi32, #tpu.memory_space<vmem>>, vector<16xi32>,
    %get3A_73 = arith.constant 160 : index
    %get3A_74 = tpu.vector_load %arg6[%get3A_73] {strides = array<i32>} : memref<512xi32, #tpu.memory_space<vmem>>, vector<16xi32>,
    %add3A_75 = arith.constant 0 : i32
    %add3A_76 = vector.broadcast %add3A_75 : i32 to vector<16xi32>
    %add3A_77 = arith.addi %get3A_74, %add3A_76 : vector<16xi32>
    %swap3A_78 = arith.constant 160 : index
    %swap3A_79 = tpu.vector_load %arg7[%swap3A_78] {strides = array<i32>} : memref<3072xi32, #tpu.memory_space<vmem>>, vector<16xi32>,
    tpu.vector_store %arg7[%swap3A_78], %add3A_77 {strides = array<i32>} : memref<3072xi32, #tpu.memory_space<vmem>>, vector<16xi32>,
    %get3A_80 = arith.constant 176 : index
    %get3A_81 = tpu.vector_load %arg6[%get3A_80] {strides = array<i32>} : memref<512xi32, #tpu.memory_space<vmem>>, vector<16xi32>,
    %add3A_82 = arith.constant 0 : i32
    %add3A_83 = vector.broadcast %add3A_82 : i32 to vector<16xi32>
    %add3A_84 = arith.addi %get3A_81, %add3A_83 : vector<16xi32>
    %swap3A_85 = arith.constant 176 : index
    %swap3A_86 = tpu.vector_load %arg7[%swap3A_85] {strides = array<i32>} : memref<3072xi32, #tpu.memory_space<vmem>>, vector<16xi32>,
    tpu.vector_store %arg7[%swap3A_85], %add3A_84 {strides = array<i32>} : memref<3072xi32, #tpu.memory_space<vmem>>, vector<16xi32>,
    %get3A_87 = arith.constant 192 : index
    %get3A_88 = tpu.vector_load %arg6[%get3A_87] {strides = array<i32>} : memref<512xi32, #tpu.memory_space<vmem>>, vector<16xi32>,
    %add3A_89 = arith.constant 0 : i32
    %add3A_90 = vector.broadcast %add3A_89 : i32 to vector<16xi32>
    %add3A_91 = arith.addi %get3A_88, %add3A_90 : vector<16xi32>
    %swap3A_92 = arith.constant 192 : index
    %swap3A_93 = tpu.vector_load %arg7[%swap3A_92] {strides = array<i32>} : memref<3072xi32, #tpu.memory_space<vmem>>, vector<16xi32>,
    tpu.vector_store %arg7[%swap3A_92], %add3A_91 {strides = array<i32>} : memref<3072xi32, #tpu.memory_space<vmem>>, vector<16xi32>,
    %get3A_94 = arith.constant 208 : index
    %get3A_95 = tpu.vector_load %arg6[%get3A_94] {strides = array<i32>} : memref<512xi32, #tpu.memory_space<vmem>>, vector<16xi32>,
    %add3A_96 = arith.constant 0 : i32
    %add3A_97 = vector.broadcast %add3A_96 : i32 to vector<16xi32>
    %add3A_98 = arith.addi %get3A_95, %add3A_97 : vector<16xi32>
    %swap3A_99 = arith.constant 208 : index
    %swap3A_100 = tpu.vector_load %arg7[%swap3A_99] {strides = array<i32>} : memref<3072xi32, #tpu.memory_space<vmem>>, vector<16xi32>,
    tpu.vector_store %arg7[%swap3A_99], %add3A_98 {strides = array<i32>} : memref<3072xi32, #tpu.memory_space<vmem>>, vector<16xi32>,
    %get3A_101 = arith.constant 224 : index
    %get3A_102 = tpu.vector_load %arg6[%get3A_101] {strides = array<i32>} : memref<512xi32, #tpu.memory_space<vmem>>, vector<16xi32>,
    %add3A_103 = arith.constant 0 : i32
    %add3A_104 = vector.broadcast %add3A_103 : i32 to vector<16xi32>
    %add3A_105 = arith.addi %get3A_102, %add3A_104 : vector<16xi32>
    %swap3A_106 = arith.constant 224 : index
    %swap3A_107 = tpu.vector_load %arg7[%swap3A_106] {strides = array<i32>} : memref<3072xi32, #tpu.memory_space<vmem>>, vector<16xi32>,
    tpu.vector_store %arg7[%swap3A_106], %add3A_105 {strides = array<i32>} : memref<3072xi32, #tpu.memory_space<vmem>>, vector<16xi32>,
    %get3A_108 = arith.constant 240 : index
    %get3A_109 = tpu.vector_load %arg6[%get3A_108] {strides = array<i32>} : memref<512xi32, #tpu.memory_space<vmem>>, vector<16xi32>,
    %add3A_110 = arith.constant 0 : i32
    %add3A_111 = vector.broadcast %add3A_110 : i32 to vector<16xi32>
    %add3A_112 = arith.addi %get3A_109, %add3A_111 : vector<16xi32>
    %swap3A_113 = arith.constant 240 : index
    %swap3A_114 = tpu.vector_load %arg7[%swap3A_113] {strides = array<i32>} : memref<3072xi32, #tpu.memory_space<vmem>>, vector<16xi32>,
    tpu.vector_store %arg7[%swap3A_113], %add3A_112 {strides = array<i32>} : memref<3072xi32, #tpu.memory_space<vmem>>, vector<16xi32>,
    %get3A_115 = arith.constant 256 : index
    %get3A_116 = tpu.vector_load %arg6[%get3A_115] {strides = array<i32>} : memref<512xi32, #tpu.memory_space<vmem>>, vector<16xi32>,
    %add3A_117 = arith.constant 0 : i32
    %add3A_118 = vector.broadcast %add3A_117 : i32 to vector<16xi32>
    %add3A_119 = arith.addi %get3A_116, %add3A_118 : vector<16xi32>
    %swap3A_120 = arith.constant 256 : index
    %swap3A_121 = tpu.vector_load %arg7[%swap3A_120] {strides = array<i32>} : memref<3072xi32, #tpu.memory_space<vmem>>, vector<16xi32>,
    tpu.vector_store %arg7[%swap3A_120], %add3A_119 {strides = array<i32>} : memref<3072xi32, #tpu.memory_space<vmem>>, vector<16xi32>,
    %get3A_122 = arith.constant 272 : index
    %get3A_123 = tpu.vector_load %arg6[%get3A_122] {strides = array<i32>} : memref<512xi32, #tpu.memory_space<vmem>>, vector<16xi32>,
    %add3A_124 = arith.constant 0 : i32
    %add3A_125 = vector.broadcast %add3A_124 : i32 to vector<16xi32>
    %add3A_126 = arith.addi %get3A_123, %add3A_125 : vector<16xi32>
    %swap3A_127 = arith.constant 272 : index
    %swap3A_128 = tpu.vector_load %arg7[%swap3A_127] {strides = array<i32>} : memref<3072xi32, #tpu.memory_space<vmem>>, vector<16xi32>,
    tpu.vector_store %arg7[%swap3A_127], %add3A_126 {strides = array<i32>} : memref<3072xi32, #tpu.memory_space<vmem>>, vector<16xi32>,
    %get3A_129 = arith.constant 288 : index
    %get3A_130 = tpu.vector_load %arg6[%get3A_129] {strides = array<i32>} : memref<512xi32, #tpu.memory_space<vmem>>, vector<16xi32>,
    %add3A_131 = arith.constant 0 : i32
    %add3A_132 = vector.broadcast %add3A_131 : i32 to vector<16xi32>
    %add3A_133 = arith.addi %get3A_130, %add3A_132 : vector<16xi32>
    %swap3A_134 = arith.constant 288 : index
    %swap3A_135 = tpu.vector_load %arg7[%swap3A_134] {strides = array<i32>} : memref<3072xi32, #tpu.memory_space<vmem>>, vector<16xi32>,
    tpu.vector_store %arg7[%swap3A_134], %add3A_133 {strides = array<i32>} : memref<3072xi32, #tpu.memory_space<vmem>>, vector<16xi32>,
    %get3A_136 = arith.constant 304 : index
    %get3A_137 = tpu.vector_load %arg6[%get3A_136] {strides = array<i32>} : memref<512xi32, #tpu.memory_space<vmem>>, vector<16xi32>,
    %add3A_138 = arith.constant 0 : i32
    %add3A_139 = vector.broadcast %add3A_138 : i32 to vector<16xi32>
    %add3A_140 = arith.addi %get3A_137, %add3A_139 : vector<16xi32>
    %swap3A_141 = arith.constant 304 : index
    %swap3A_142 = tpu.vector_load %arg7[%swap3A_141] {strides = array<i32>} : memref<3072xi32, #tpu.memory_space<vmem>>, vector<16xi32>,
    tpu.vector_store %arg7[%swap3A_141], %add3A_140 {strides = array<i32>} : memref<3072xi32, #tpu.memory_space<vmem>>, vector<16xi32>,
    %get3A_143 = arith.constant 320 : index
    %get3A_144 = tpu.vector_load %arg6[%get3A_143] {strides = array<i32>} : memref<512xi32, #tpu.memory_space<vmem>>, vector<16xi32>,
    %add3A_145 = arith.constant 0 : i32
    %add3A_146 = vector.broadcast %add3A_145 : i32 to vector<16xi32>
    %add3A_147 = arith.addi %get3A_144, %add3A_146 : vector<16xi32>
    %swap3A_148 = arith.constant 320 : index
    %swap3A_149 = tpu.vector_load %arg7[%swap3A_148] {strides = array<i32>} : memref<3072xi32, #tpu.memory_space<vmem>>, vector<16xi32>,
    tpu.vector_store %arg7[%swap3A_148], %add3A_147 {strides = array<i32>} : memref<3072xi32, #tpu.memory_space<vmem>>, vector<16xi32>,
    %get3A_150 = arith.constant 336 : index
    %get3A_151 = tpu.vector_load %arg6[%get3A_150] {strides = array<i32>} : memref<512xi32, #tpu.memory_space<vmem>>, vector<16xi32>,
    %add3A_152 = arith.constant 0 : i32
    %add3A_153 = vector.broadcast %add3A_152 : i32 to vector<16xi32>
    %add3A_154 = arith.addi %get3A_151, %add3A_153 : vector<16xi32>
    %swap3A_155 = arith.constant 336 : index
    %swap3A_156 = tpu.vector_load %arg7[%swap3A_155] {strides = array<i32>} : memref<3072xi32, #tpu.memory_space<vmem>>, vector<16xi32>,
    tpu.vector_store %arg7[%swap3A_155], %add3A_154 {strides = array<i32>} : memref<3072xi32, #tpu.memory_space<vmem>>, vector<16xi32>,
    %get3A_157 = arith.constant 352 : index
    %get3A_158 = tpu.vector_load %arg6[%get3A_157] {strides = array<i32>} : memref<512xi32, #tpu.memory_space<vmem>>, vector<16xi32>,
    %add3A_159 = arith.constant 0 : i32
    %add3A_160 = vector.broadcast %add3A_159 : i32 to vector<16xi32>
    %add3A_161 = arith.addi %get3A_158, %add3A_160 : vector<16xi32>
    %swap3A_162 = arith.constant 352 : index
    %swap3A_163 = tpu.vector_load %arg7[%swap3A_162] {strides = array<i32>} : memref<3072xi32, #tpu.memory_space<vmem>>, vector<16xi32>,
    tpu.vector_store %arg7[%swap3A_162], %add3A_161 {strides = array<i32>} : memref<3072xi32, #tpu.memory_space<vmem>>, vector<16xi32>,
    %get3A_164 = arith.constant 368 : index
    %get3A_165 = tpu.vector_load %arg6[%get3A_164] {strides = array<i32>} : memref<512xi32, #tpu.memory_space<vmem>>, vector<16xi32>,
    %add3A_166 = arith.constant 0 : i32
    %add3A_167 = vector.broadcast %add3A_166 : i32 to vector<16xi32>
    %add3A_168 = arith.addi %get3A_165, %add3A_167 : vector<16xi32>
    %swap3A_169 = arith.constant 368 : index
    %swap3A_170 = tpu.vector_load %arg7[%swap3A_169] {strides = array<i32>} : memref<3072xi32, #tpu.memory_space<vmem>>, vector<16xi32>,
    tpu.vector_store %arg7[%swap3A_169], %add3A_168 {strides = array<i32>} : memref<3072xi32, #tpu.memory_space<vmem>>, vector<16xi32>,
    %get3A_171 = arith.constant 384 : index
    %get3A_172 = tpu.vector_load %arg6[%get3A_171] {strides = array<i32>} : memref<512xi32, #tpu.memory_space<vmem>>, vector<16xi32>,
    %add3A_173 = arith.constant 0 : i32
    %add3A_174 = vector.broadcast %add3A_173 : i32 to vector<16xi32>
    %add3A_175 = arith.addi %get3A_172, %add3A_174 : vector<16xi32>
    %swap3A_176 = arith.constant 384 : index
    %swap3A_177 = tpu.vector_load %arg7[%swap3A_176] {strides = array<i32>} : memref<3072xi32, #tpu.memory_space<vmem>>, vector<16xi32>,
    tpu.vector_store %arg7[%swap3A_176], %add3A_175 {strides = array<i32>} : memref<3072xi32, #tpu.memory_space<vmem>>, vector<16xi32>,
    %get3A_178 = arith.constant 400 : index
    %get3A_179 = tpu.vector_load %arg6[%get3A_178] {strides = array<i32>} : memref<512xi32, #tpu.memory_space<vmem>>, vector<16xi32>,
    %add3A_180 = arith.constant 0 : i32
    %add3A_181 = vector.broadcast %add3A_180 : i32 to vector<16xi32>
    %add3A_182 = arith.addi %get3A_179, %add3A_181 : vector<16xi32>
    %swap3A_183 = arith.constant 400 : index
    %swap3A_184 = tpu.vector_load %arg7[%swap3A_183] {strides = array<i32>} : memref<3072xi32, #tpu.memory_space<vmem>>, vector<16xi32>,
    tpu.vector_store %arg7[%swap3A_183], %add3A_182 {strides = array<i32>} : memref<3072xi32, #tpu.memory_space<vmem>>, vector<16xi32>,
    %get3A_185 = arith.constant 416 : index
    %get3A_186 = tpu.vector_load %arg6[%get3A_185] {strides = array<i32>} : memref<512xi32, #tpu.memory_space<vmem>>, vector<16xi32>,
    %add3A_187 = arith.constant 0 : i32
    %add3A_188 = vector.broadcast %add3A_187 : i32 to vector<16xi32>
    %add3A_189 = arith.addi %get3A_186, %add3A_188 : vector<16xi32>
    %swap3A_190 = arith.constant 416 : index
    %swap3A_191 = tpu.vector_load %arg7[%swap3A_190] {strides = array<i32>} : memref<3072xi32, #tpu.memory_space<vmem>>, vector<16xi32>,
    tpu.vector_store %arg7[%swap3A_190], %add3A_189 {strides = array<i32>} : memref<3072xi32, #tpu.memory_space<vmem>>, vector<16xi32>,
    %get3A_192 = arith.constant 432 : index
    %get3A_193 = tpu.vector_load %arg6[%get3A_192] {strides = array<i32>} : memref<512xi32, #tpu.memory_space<vmem>>, vector<16xi32>,
    %add3A_194 = arith.constant 0 : i32
    %add3A_195 = vector.broadcast %add3A_194 : i32 to vector<16xi32>
    %add3A_196 = arith.addi %get3A_193, %add3A_195 : vector<16xi32>
    %swap3A_197 = arith.constant 432 : index
    %swap3A_198 = tpu.vector_load %arg7[%swap3A_197] {strides = array<i32>} : memref<3072xi32, #tpu.memory_space<vmem>>, vector<16xi32>,
    tpu.vector_store %arg7[%swap3A_197], %add3A_196 {strides = array<i32>} : memref<3072xi32, #tpu.memory_space<vmem>>, vector<16xi32>,
    %get3A_199 = arith.constant 448 : index
    %get3A_200 = tpu.vector_load %arg6[%get3A_199] {strides = array<i32>} : memref<512xi32, #tpu.memory_space<vmem>>, vector<16xi32>,
    %add3A_201 = arith.constant 0 : i32
    %add3A_202 = vector.broadcast %add3A_201 : i32 to vector<16xi32>
    %add3A_203 = arith.addi %get3A_200, %add3A_202 : vector<16xi32>
    %swap3A_204 = arith.constant 448 : index
    %swap3A_205 = tpu.vector_load %arg7[%swap3A_204] {strides = array<i32>} : memref<3072xi32, #tpu.memory_space<vmem>>, vector<16xi32>,
    tpu.vector_store %arg7[%swap3A_204], %add3A_203 {strides = array<i32>} : memref<3072xi32, #tpu.memory_space<vmem>>, vector<16xi32>,
    %get3A_206 = arith.constant 464 : index
    %get3A_207 = tpu.vector_load %arg6[%get3A_206] {strides = array<i32>} : memref<512xi32, #tpu.memory_space<vmem>>, vector<16xi32>,
    %add3A_208 = arith.constant 0 : i32
    %add3A_209 = vector.broadcast %add3A_208 : i32 to vector<16xi32>
    %add3A_210 = arith.addi %get3A_207, %add3A_209 : vector<16xi32>
    %swap3A_211 = arith.constant 464 : index
    %swap3A_212 = tpu.vector_load %arg7[%swap3A_211] {strides = array<i32>} : memref<3072xi32, #tpu.memory_space<vmem>>, vector<16xi32>,
    tpu.vector_store %arg7[%swap3A_211], %add3A_210 {strides = array<i32>} : memref<3072xi32, #tpu.memory_space<vmem>>, vector<16xi32>,
    %get3A_213 = arith.constant 480 : index
    %get3A_214 = tpu.vector_load %arg6[%get3A_213] {strides = array<i32>} : memref<512xi32, #tpu.memory_space<vmem>>, vector<16xi32>,
    %add3A_215 = arith.constant 0 : i32
    %add3A_216 = vector.broadcast %add3A_215 : i32 to vector<16xi32>
    %add3A_217 = arith.addi %get3A_214, %add3A_216 : vector<16xi32>
    %swap3A_218 = arith.constant 480 : index
    %swap3A_219 = tpu.vector_load %arg7[%swap3A_218] {strides = array<i32>} : memref<3072xi32, #tpu.memory_space<vmem>>, vector<16xi32>,
    tpu.vector_store %arg7[%swap3A_218], %add3A_217 {strides = array<i32>} : memref<3072xi32, #tpu.memory_space<vmem>>, vector<16xi32>,
    %get3A_220 = arith.constant 496 : index
    %get3A_221 = tpu.vector_load %arg6[%get3A_220] {strides = array<i32>} : memref<512xi32, #tpu.memory_space<vmem>>, vector<16xi32>,
    %add3A_222 = arith.constant 0 : i32
    %add3A_223 = vector.broadcast %add3A_222 : i32 to vector<16xi32>
    %add3A_224 = arith.addi %get3A_221, %add3A_223 : vector<16xi32>
    %swap3A_225 = arith.constant 496 : index
    %swap3A_226 = tpu.vector_load %arg7[%swap3A_225] {strides = array<i32>} : memref<3072xi32, #tpu.memory_space<vmem>>, vector<16xi32>,
    tpu.vector_store %arg7[%swap3A_225], %add3A_224 {strides = array<i32>} : memref<3072xi32, #tpu.memory_space<vmem>>, vector<16xi32>,
    %get3A_227 = arith.constant 0 : index
    %get3A_228 = tpu.vector_load %arg6[%get3A_227] {strides = array<i32>} : memref<512xi32, #tpu.memory_space<vmem>>, vector<16xi32>,
    %add3A_229 = arith.constant 100000 : i32
    %add3A_230 = vector.broadcast %add3A_229 : i32 to vector<16xi32>
    %add3A_231 = arith.addi %get3A_228, %add3A_230 : vector<16xi32>
    %swap3A_232 = arith.constant 512 : index
    %swap3A_233 = tpu.vector_load %arg7[%swap3A_232] {strides = array<i32>} : memref<3072xi32, #tpu.memory_space<vmem>>, vector<16xi32>,
    tpu.vector_store %arg7[%swap3A_232], %add3A_231 {strides = array<i32>} : memref<3072xi32, #tpu.memory_space<vmem>>, vector<16xi32>,
    %get3A_234 = arith.constant 16 : index
    %get3A_235 = tpu.vector_load %arg6[%get3A_234] {strides = array<i32>} : memref<512xi32, #tpu.memory_space<vmem>>, vector<16xi32>,
    %add3A_236 = arith.constant 100000 : i32
    %add3A_237 = vector.broadcast %add3A_236 : i32 to vector<16xi32>
    %add3A_238 = arith.addi %get3A_235, %add3A_237 : vector<16xi32>
    %swap3A_239 = arith.constant 528 : index
    %swap3A_240 = tpu.vector_load %arg7[%swap3A_239] {strides = array<i32>} : memref<3072xi32, #tpu.memory_space<vmem>>, vector<16xi32>,
    tpu.vector_store %arg7[%swap3A_239], %add3A_238 {strides = array<i32>} : memref<3072xi32, #tpu.memory_space<vmem>>, vector<16xi32>,
    %get3A_241 = arith.constant 32 : index
    %get3A_242 = tpu.vector_load %arg6[%get3A_241] {strides = array<i32>} : memref<512xi32, #tpu.memory_space<vmem>>, vector<16xi32>,
    %add3A_243 = arith.constant 100000 : i32
    %add3A_244 = vector.broadcast %add3A_243 : i32 to vector<16xi32>
    %add3A_245 = arith.addi %get3A_242, %add3A_244 : vector<16xi32>
    %swap3A_246 = arith.constant 544 : index
    %swap3A_247 = tpu.vector_load %arg7[%swap3A_246] {strides = array<i32>} : memref<3072xi32, #tpu.memory_space<vmem>>, vector<16xi32>,
    tpu.vector_store %arg7[%swap3A_246], %add3A_245 {strides = array<i32>} : memref<3072xi32, #tpu.memory_space<vmem>>, vector<16xi32>,
    %get3A_248 = arith.constant 48 : index
    %get3A_249 = tpu.vector_load %arg6[%get3A_248] {strides = array<i32>} : memref<512xi32, #tpu.memory_space<vmem>>, vector<16xi32>,
    %add3A_250 = arith.constant 100000 : i32
    %add3A_251 = vector.broadcast %add3A_250 : i32 to vector<16xi32>
    %add3A_252 = arith.addi %get3A_249, %add3A_251 : vector<16xi32>
    %swap3A_253 = arith.constant 560 : index
    %swap3A_254 = tpu.vector_load %arg7[%swap3A_253] {strides = array<i32>} : memref<3072xi32, #tpu.memory_space<vmem>>, vector<16xi32>,
    tpu.vector_store %arg7[%swap3A_253], %add3A_252 {strides = array<i32>} : memref<3072xi32, #tpu.memory_space<vmem>>, vector<16xi32>,
    %get3A_255 = arith.constant 64 : index
    %get3A_256 = tpu.vector_load %arg6[%get3A_255] {strides = array<i32>} : memref<512xi32, #tpu.memory_space<vmem>>, vector<16xi32>,
    %add3A_257 = arith.constant 100000 : i32
    %add3A_258 = vector.broadcast %add3A_257 : i32 to vector<16xi32>
    %add3A_259 = arith.addi %get3A_256, %add3A_258 : vector<16xi32>
    %swap3A_260 = arith.constant 576 : index
    %swap3A_261 = tpu.vector_load %arg7[%swap3A_260] {strides = array<i32>} : memref<3072xi32, #tpu.memory_space<vmem>>, vector<16xi32>,
    tpu.vector_store %arg7[%swap3A_260], %add3A_259 {strides = array<i32>} : memref<3072xi32, #tpu.memory_space<vmem>>, vector<16xi32>,
    %get3A_262 = arith.constant 80 : index
    %get3A_263 = tpu.vector_load %arg6[%get3A_262] {strides = array<i32>} : memref<512xi32, #tpu.memory_space<vmem>>, vector<16xi32>,
    %add3A_264 = arith.constant 100000 : i32
    %add3A_265 = vector.broadcast %add3A_264 : i32 to vector<16xi32>
    %add3A_266 = arith.addi %get3A_263, %add3A_265 : vector<16xi32>
    %swap3A_267 = arith.constant 592 : index
    %swap3A_268 = tpu.vector_load %arg7[%swap3A_267] {strides = array<i32>} : memref<3072xi32, #tpu.memory_space<vmem>>, vector<16xi32>,
    tpu.vector_store %arg7[%swap3A_267], %add3A_266 {strides = array<i32>} : memref<3072xi32, #tpu.memory_space<vmem>>, vector<16xi32>,
    %get3A_269 = arith.constant 96 : index
    %get3A_270 = tpu.vector_load %arg6[%get3A_269] {strides = array<i32>} : memref<512xi32, #tpu.memory_space<vmem>>, vector<16xi32>,
    %add3A_271 = arith.constant 100000 : i32
    %add3A_272 = vector.broadcast %add3A_271 : i32 to vector<16xi32>
    %add3A_273 = arith.addi %get3A_270, %add3A_272 : vector<16xi32>
    %swap3A_274 = arith.constant 608 : index
    %swap3A_275 = tpu.vector_load %arg7[%swap3A_274] {strides = array<i32>} : memref<3072xi32, #tpu.memory_space<vmem>>, vector<16xi32>,
    tpu.vector_store %arg7[%swap3A_274], %add3A_273 {strides = array<i32>} : memref<3072xi32, #tpu.memory_space<vmem>>, vector<16xi32>,
    %get3A_276 = arith.constant 112 : index
    %get3A_277 = tpu.vector_load %arg6[%get3A_276] {strides = array<i32>} : memref<512xi32, #tpu.memory_space<vmem>>, vector<16xi32>,
    %add3A_278 = arith.constant 100000 : i32
    %add3A_279 = vector.broadcast %add3A_278 : i32 to vector<16xi32>
    %add3A_280 = arith.addi %get3A_277, %add3A_279 : vector<16xi32>
    %swap3A_281 = arith.constant 624 : index
    %swap3A_282 = tpu.vector_load %arg7[%swap3A_281] {strides = array<i32>} : memref<3072xi32, #tpu.memory_space<vmem>>, vector<16xi32>,
    tpu.vector_store %arg7[%swap3A_281], %add3A_280 {strides = array<i32>} : memref<3072xi32, #tpu.memory_space<vmem>>, vector<16xi32>,
    %get3A_283 = arith.constant 128 : index
    %get3A_284 = tpu.vector_load %arg6[%get3A_283] {strides = array<i32>} : memref<512xi32, #tpu.memory_space<vmem>>, vector<16xi32>,
    %add3A_285 = arith.constant 100000 : i32
    %add3A_286 = vector.broadcast %add3A_285 : i32 to vector<16xi32>
    %add3A_287 = arith.addi %get3A_284, %add3A_286 : vector<16xi32>
    %swap3A_288 = arith.constant 640 : index
    %swap3A_289 = tpu.vector_load %arg7[%swap3A_288] {strides = array<i32>} : memref<3072xi32, #tpu.memory_space<vmem>>, vector<16xi32>,
    tpu.vector_store %arg7[%swap3A_288], %add3A_287 {strides = array<i32>} : memref<3072xi32, #tpu.memory_space<vmem>>, vector<16xi32>,
    %get3A_290 = arith.constant 144 : index
    %get3A_291 = tpu.vector_load %arg6[%get3A_290] {strides = array<i32>} : memref<512xi32, #tpu.memory_space<vmem>>, vector<16xi32>,
    %add3A_292 = arith.constant 100000 : i32
    %add3A_293 = vector.broadcast %add3A_292 : i32 to vector<16xi32>
    %add3A_294 = arith.addi %get3A_291, %add3A_293 : vector<16xi32>
    %swap3A_295 = arith.constant 656 : index
    %swap3A_296 = tpu.vector_load %arg7[%swap3A_295] {strides = array<i32>} : memref<3072xi32, #tpu.memory_space<vmem>>, vector<16xi32>,
    tpu.vector_store %arg7[%swap3A_295], %add3A_294 {strides = array<i32>} : memref<3072xi32, #tpu.memory_space<vmem>>, vector<16xi32>,
    %get3A_297 = arith.constant 160 : index
    %get3A_298 = tpu.vector_load %arg6[%get3A_297] {strides = array<i32>} : memref<512xi32, #tpu.memory_space<vmem>>, vector<16xi32>,
    %add3A_299 = arith.constant 100000 : i32
    %add3A_300 = vector.broadcast %add3A_299 : i32 to vector<16xi32>
    %add3A_301 = arith.addi %get3A_298, %add3A_300 : vector<16xi32>
    %swap3A_302 = arith.constant 672 : index
    %swap3A_303 = tpu.vector_load %arg7[%swap3A_302] {strides = array<i32>} : memref<3072xi32, #tpu.memory_space<vmem>>, vector<16xi32>,
    tpu.vector_store %arg7[%swap3A_302], %add3A_301 {strides = array<i32>} : memref<3072xi32, #tpu.memory_space<vmem>>, vector<16xi32>,
    %get3A_304 = arith.constant 176 : index
    %get3A_305 = tpu.vector_load %arg6[%get3A_304] {strides = array<i32>} : memref<512xi32, #tpu.memory_space<vmem>>, vector<16xi32>,
    %add3A_306 = arith.constant 100000 : i32
    %add3A_307 = vector.broadcast %add3A_306 : i32 to vector<16xi32>
    %add3A_308 = arith.addi %get3A_305, %add3A_307 : vector<16xi32>
    %swap3A_309 = arith.constant 688 : index
    %swap3A_310 = tpu.vector_load %arg7[%swap3A_309] {strides = array<i32>} : memref<3072xi32, #tpu.memory_space<vmem>>, vector<16xi32>,
    tpu.vector_store %arg7[%swap3A_309], %add3A_308 {strides = array<i32>} : memref<3072xi32, #tpu.memory_space<vmem>>, vector<16xi32>,
    %get3A_311 = arith.constant 192 : index
    %get3A_312 = tpu.vector_load %arg6[%get3A_311] {strides = array<i32>} : memref<512xi32, #tpu.memory_space<vmem>>, vector<16xi32>,
    %add3A_313 = arith.constant 100000 : i32
    %add3A_314 = vector.broadcast %add3A_313 : i32 to vector<16xi32>
    %add3A_315 = arith.addi %get3A_312, %add3A_314 : vector<16xi32>
    %swap3A_316 = arith.constant 704 : index
    %swap3A_317 = tpu.vector_load %arg7[%swap3A_316] {strides = array<i32>} : memref<3072xi32, #tpu.memory_space<vmem>>, vector<16xi32>,
    tpu.vector_store %arg7[%swap3A_316], %add3A_315 {strides = array<i32>} : memref<3072xi32, #tpu.memory_space<vmem>>, vector<16xi32>,
    %get3A_318 = arith.constant 208 : index
    %get3A_319 = tpu.vector_load %arg6[%get3A_318] {strides = array<i32>} : memref<512xi32, #tpu.memory_space<vmem>>, vector<16xi32>,
    %add3A_320 = arith.constant 100000 : i32
    %add3A_321 = vector.broadcast %add3A_320 : i32 to vector<16xi32>
    %add3A_322 = arith.addi %get3A_319, %add3A_321 : vector<16xi32>
    %swap3A_323 = arith.constant 720 : index
    %swap3A_324 = tpu.vector_load %arg7[%swap3A_323] {strides = array<i32>} : memref<3072xi32, #tpu.memory_space<vmem>>, vector<16xi32>,
    tpu.vector_store %arg7[%swap3A_323], %add3A_322 {strides = array<i32>} : memref<3072xi32, #tpu.memory_space<vmem>>, vector<16xi32>,
    %get3A_325 = arith.constant 224 : index
    %get3A_326 = tpu.vector_load %arg6[%get3A_325] {strides = array<i32>} : memref<512xi32, #tpu.memory_space<vmem>>, vector<16xi32>,
    %add3A_327 = arith.constant 100000 : i32
    %add3A_328 = vector.broadcast %add3A_327 : i32 to vector<16xi32>
    %add3A_329 = arith.addi %get3A_326, %add3A_328 : vector<16xi32>
    %swap3A_330 = arith.constant 736 : index
    %swap3A_331 = tpu.vector_load %arg7[%swap3A_330] {strides = array<i32>} : memref<3072xi32, #tpu.memory_space<vmem>>, vector<16xi32>,
    tpu.vector_store %arg7[%swap3A_330], %add3A_329 {strides = array<i32>} : memref<3072xi32, #tpu.memory_space<vmem>>, vector<16xi32>,
    %get3A_332 = arith.constant 240 : index
    %get3A_333 = tpu.vector_load %arg6[%get3A_332] {strides = array<i32>} : memref<512xi32, #tpu.memory_space<vmem>>, vector<16xi32>,
    %add3A_334 = arith.constant 100000 : i32
    %add3A_335 = vector.broadcast %add3A_334 : i32 to vector<16xi32>
    %add3A_336 = arith.addi %get3A_333, %add3A_335 : vector<16xi32>
    %swap3A_337 = arith.constant 752 : index
    %swap3A_338 = tpu.vector_load %arg7[%swap3A_337] {strides = array<i32>} : memref<3072xi32, #tpu.memory_space<vmem>>, vector<16xi32>,
    tpu.vector_store %arg7[%swap3A_337], %add3A_336 {strides = array<i32>} : memref<3072xi32, #tpu.memory_space<vmem>>, vector<16xi32>,
    %get3A_339 = arith.constant 256 : index
    %get3A_340 = tpu.vector_load %arg6[%get3A_339] {strides = array<i32>} : memref<512xi32, #tpu.memory_space<vmem>>, vector<16xi32>,
    %add3A_341 = arith.constant 100000 : i32
    %add3A_342 = vector.broadcast %add3A_341 : i32 to vector<16xi32>
    %add3A_343 = arith.addi %get3A_340, %add3A_342 : vector<16xi32>
    %swap3A_344 = arith.constant 768 : index
    %swap3A_345 = tpu.vector_load %arg7[%swap3A_344] {strides = array<i32>} : memref<3072xi32, #tpu.memory_space<vmem>>, vector<16xi32>,
    tpu.vector_store %arg7[%swap3A_344], %add3A_343 {strides = array<i32>} : memref<3072xi32, #tpu.memory_space<vmem>>, vector<16xi32>,
    %get3A_346 = arith.constant 272 : index
    %get3A_347 = tpu.vector_load %arg6[%get3A_346] {strides = array<i32>} : memref<512xi32, #tpu.memory_space<vmem>>, vector<16xi32>,
    %add3A_348 = arith.constant 100000 : i32
    %add3A_349 = vector.broadcast %add3A_348 : i32 to vector<16xi32>
    %add3A_350 = arith.addi %get3A_347, %add3A_349 : vector<16xi32>
    %swap3A_351 = arith.constant 784 : index
    %swap3A_352 = tpu.vector_load %arg7[%swap3A_351] {strides = array<i32>} : memref<3072xi32, #tpu.memory_space<vmem>>, vector<16xi32>,
    tpu.vector_store %arg7[%swap3A_351], %add3A_350 {strides = array<i32>} : memref<3072xi32, #tpu.memory_space<vmem>>, vector<16xi32>,
    %get3A_353 = arith.constant 288 : index
    %get3A_354 = tpu.vector_load %arg6[%get3A_353] {strides = array<i32>} : memref<512xi32, #tpu.memory_space<vmem>>, vector<16xi32>,
    %add3A_355 = arith.constant 100000 : i32
    %add3A_356 = vector.broadcast %add3A_355 : i32 to vector<16xi32>
    %add3A_357 = arith.addi %get3A_354, %add3A_356 : vector<16xi32>
    %swap3A_358 = arith.constant 800 : index
    %swap3A_359 = tpu.vector_load %arg7[%swap3A_358] {strides = array<i32>} : memref<3072xi32, #tpu.memory_space<vmem>>, vector<16xi32>,
    tpu.vector_store %arg7[%swap3A_358], %add3A_357 {strides = array<i32>} : memref<3072xi32, #tpu.memory_space<vmem>>, vector<16xi32>,
    %get3A_360 = arith.constant 304 : index
    %get3A_361 = tpu.vector_load %arg6[%get3A_360] {strides = array<i32>} : memref<512xi32, #tpu.memory_space<vmem>>, vector<16xi32>,
    %add3A_362 = arith.constant 100000 : i32
    %add3A_363 = vector.broadcast %add3A_362 : i32 to vector<16xi32>
    %add3A_364 = arith.addi %get3A_361, %add3A_363 : vector<16xi32>
    %swap3A_365 = arith.constant 816 : index
    %swap3A_366 = tpu.vector_load %arg7[%swap3A_365] {strides = array<i32>} : memref<3072xi32, #tpu.memory_space<vmem>>, vector<16xi32>,
    tpu.vector_store %arg7[%swap3A_365], %add3A_364 {strides = array<i32>} : memref<3072xi32, #tpu.memory_space<vmem>>, vector<16xi32>,
    %get3A_367 = arith.constant 320 : index
    %get3A_368 = tpu.vector_load %arg6[%get3A_367] {strides = array<i32>} : memref<512xi32, #tpu.memory_space<vmem>>, vector<16xi32>,
    %add3A_369 = arith.constant 100000 : i32
    %add3A_370 = vector.broadcast %add3A_369 : i32 to vector<16xi32>
    %add3A_371 = arith.addi %get3A_368, %add3A_370 : vector<16xi32>
    %swap3A_372 = arith.constant 832 : index
    %swap3A_373 = tpu.vector_load %arg7[%swap3A_372] {strides = array<i32>} : memref<3072xi32, #tpu.memory_space<vmem>>, vector<16xi32>,
    tpu.vector_store %arg7[%swap3A_372], %add3A_371 {strides = array<i32>} : memref<3072xi32, #tpu.memory_space<vmem>>, vector<16xi32>,
    %get3A_374 = arith.constant 336 : index
    %get3A_375 = tpu.vector_load %arg6[%get3A_374] {strides = array<i32>} : memref<512xi32, #tpu.memory_space<vmem>>, vector<16xi32>,
    %add3A_376 = arith.constant 100000 : i32
    %add3A_377 = vector.broadcast %add3A_376 : i32 to vector<16xi32>
    %add3A_378 = arith.addi %get3A_375, %add3A_377 : vector<16xi32>
    %swap3A_379 = arith.constant 848 : index
    %swap3A_380 = tpu.vector_load %arg7[%swap3A_379] {strides = array<i32>} : memref<3072xi32, #tpu.memory_space<vmem>>, vector<16xi32>,
    tpu.vector_store %arg7[%swap3A_379], %add3A_378 {strides = array<i32>} : memref<3072xi32, #tpu.memory_space<vmem>>, vector<16xi32>,
    %get3A_381 = arith.constant 352 : index
    %get3A_382 = tpu.vector_load %arg6[%get3A_381] {strides = array<i32>} : memref<512xi32, #tpu.memory_space<vmem>>, vector<16xi32>,
    %add3A_383 = arith.constant 100000 : i32
    %add3A_384 = vector.broadcast %add3A_383 : i32 to vector<16xi32>
    %add3A_385 = arith.addi %get3A_382, %add3A_384 : vector<16xi32>
    %swap3A_386 = arith.constant 864 : index
    %swap3A_387 = tpu.vector_load %arg7[%swap3A_386] {strides = array<i32>} : memref<3072xi32, #tpu.memory_space<vmem>>, vector<16xi32>,
    tpu.vector_store %arg7[%swap3A_386], %add3A_385 {strides = array<i32>} : memref<3072xi32, #tpu.memory_space<vmem>>, vector<16xi32>,
    %get3A_388 = arith.constant 368 : index
    %get3A_389 = tpu.vector_load %arg6[%get3A_388] {strides = array<i32>} : memref<512xi32, #tpu.memory_space<vmem>>, vector<16xi32>,
    %add3A_390 = arith.constant 100000 : i32
    %add3A_391 = vector.broadcast %add3A_390 : i32 to vector<16xi32>
    %add3A_392 = arith.addi %get3A_389, %add3A_391 : vector<16xi32>
    %swap3A_393 = arith.constant 880 : index
    %swap3A_394 = tpu.vector_load %arg7[%swap3A_393] {strides = array<i32>} : memref<3072xi32, #tpu.memory_space<vmem>>, vector<16xi32>,
    tpu.vector_store %arg7[%swap3A_393], %add3A_392 {strides = array<i32>} : memref<3072xi32, #tpu.memory_space<vmem>>, vector<16xi32>,
    %get3A_395 = arith.constant 384 : index
    %get3A_396 = tpu.vector_load %arg6[%get3A_395] {strides = array<i32>} : memref<512xi32, #tpu.memory_space<vmem>>, vector<16xi32>,
    %add3A_397 = arith.constant 100000 : i32
    %add3A_398 = vector.broadcast %add3A_397 : i32 to vector<16xi32>
    %add3A_399 = arith.addi %get3A_396, %add3A_398 : vector<16xi32>
    %swap3A_400 = arith.constant 896 : index
    %swap3A_401 = tpu.vector_load %arg7[%swap3A_400] {strides = array<i32>} : memref<3072xi32, #tpu.memory_space<vmem>>, vector<16xi32>,
    tpu.vector_store %arg7[%swap3A_400], %add3A_399 {strides = array<i32>} : memref<3072xi32, #tpu.memory_space<vmem>>, vector<16xi32>,
    %get3A_402 = arith.constant 400 : index
    %get3A_403 = tpu.vector_load %arg6[%get3A_402] {strides = array<i32>} : memref<512xi32, #tpu.memory_space<vmem>>, vector<16xi32>,
    %add3A_404 = arith.constant 100000 : i32
    %add3A_405 = vector.broadcast %add3A_404 : i32 to vector<16xi32>
    %add3A_406 = arith.addi %get3A_403, %add3A_405 : vector<16xi32>
    %swap3A_407 = arith.constant 912 : index
    %swap3A_408 = tpu.vector_load %arg7[%swap3A_407] {strides = array<i32>} : memref<3072xi32, #tpu.memory_space<vmem>>, vector<16xi32>,
    tpu.vector_store %arg7[%swap3A_407], %add3A_406 {strides = array<i32>} : memref<3072xi32, #tpu.memory_space<vmem>>, vector<16xi32>,
    %get3A_409 = arith.constant 416 : index
    %get3A_410 = tpu.vector_load %arg6[%get3A_409] {strides = array<i32>} : memref<512xi32, #tpu.memory_space<vmem>>, vector<16xi32>,
    %add3A_411 = arith.constant 100000 : i32
    %add3A_412 = vector.broadcast %add3A_411 : i32 to vector<16xi32>
    %add3A_413 = arith.addi %get3A_410, %add3A_412 : vector<16xi32>
    %swap3A_414 = arith.constant 928 : index
    %swap3A_415 = tpu.vector_load %arg7[%swap3A_414] {strides = array<i32>} : memref<3072xi32, #tpu.memory_space<vmem>>, vector<16xi32>,
    tpu.vector_store %arg7[%swap3A_414], %add3A_413 {strides = array<i32>} : memref<3072xi32, #tpu.memory_space<vmem>>, vector<16xi32>,
    %get3A_416 = arith.constant 432 : index
    %get3A_417 = tpu.vector_load %arg6[%get3A_416] {strides = array<i32>} : memref<512xi32, #tpu.memory_space<vmem>>, vector<16xi32>,
    %add3A_418 = arith.constant 100000 : i32
    %add3A_419 = vector.broadcast %add3A_418 : i32 to vector<16xi32>
    %add3A_420 = arith.addi %get3A_417, %add3A_419 : vector<16xi32>
    %swap3A_421 = arith.constant 944 : index
    %swap3A_422 = tpu.vector_load %arg7[%swap3A_421] {strides = array<i32>} : memref<3072xi32, #tpu.memory_space<vmem>>, vector<16xi32>,
    tpu.vector_store %arg7[%swap3A_421], %add3A_420 {strides = array<i32>} : memref<3072xi32, #tpu.memory_space<vmem>>, vector<16xi32>,
    %get3A_423 = arith.constant 448 : index
    %get3A_424 = tpu.vector_load %arg6[%get3A_423] {strides = array<i32>} : memref<512xi32, #tpu.memory_space<vmem>>, vector<16xi32>,
    %add3A_425 = arith.constant 100000 : i32
    %add3A_426 = vector.broadcast %add3A_425 : i32 to vector<16xi32>
    %add3A_427 = arith.addi %get3A_424, %add3A_426 : vector<16xi32>
    %swap3A_428 = arith.constant 960 : index
    %swap3A_429 = tpu.vector_load %arg7[%swap3A_428] {strides = array<i32>} : memref<3072xi32, #tpu.memory_space<vmem>>, vector<16xi32>,
    tpu.vector_store %arg7[%swap3A_428], %add3A_427 {strides = array<i32>} : memref<3072xi32, #tpu.memory_space<vmem>>, vector<16xi32>,
    %get3A_430 = arith.constant 464 : index
    %get3A_431 = tpu.vector_load %arg6[%get3A_430] {strides = array<i32>} : memref<512xi32, #tpu.memory_space<vmem>>, vector<16xi32>,
    %add3A_432 = arith.constant 100000 : i32
    %add3A_433 = vector.broadcast %add3A_432 : i32 to vector<16xi32>
    %add3A_434 = arith.addi %get3A_431, %add3A_433 : vector<16xi32>
    %swap3A_435 = arith.constant 976 : index
    %swap3A_436 = tpu.vector_load %arg7[%swap3A_435] {strides = array<i32>} : memref<3072xi32, #tpu.memory_space<vmem>>, vector<16xi32>,
    tpu.vector_store %arg7[%swap3A_435], %add3A_434 {strides = array<i32>} : memref<3072xi32, #tpu.memory_space<vmem>>, vector<16xi32>,
    %get3A_437 = arith.constant 480 : index
    %get3A_438 = tpu.vector_load %arg6[%get3A_437] {strides = array<i32>} : memref<512xi32, #tpu.memory_space<vmem>>, vector<16xi32>,
    %add3A_439 = arith.constant 100000 : i32
    %add3A_440 = vector.broadcast %add3A_439 : i32 to vector<16xi32>
    %add3A_441 = arith.addi %get3A_438, %add3A_440 : vector<16xi32>
    %swap3A_442 = arith.constant 992 : index
    %swap3A_443 = tpu.vector_load %arg7[%swap3A_442] {strides = array<i32>} : memref<3072xi32, #tpu.memory_space<vmem>>, vector<16xi32>,
    tpu.vector_store %arg7[%swap3A_442], %add3A_441 {strides = array<i32>} : memref<3072xi32, #tpu.memory_space<vmem>>, vector<16xi32>,
    %get3A_444 = arith.constant 496 : index
    %get3A_445 = tpu.vector_load %arg6[%get3A_444] {strides = array<i32>} : memref<512xi32, #tpu.memory_space<vmem>>, vector<16xi32>,
    %add3A_446 = arith.constant 100000 : i32
    %add3A_447 = vector.broadcast %add3A_446 : i32 to vector<16xi32>
    %add3A_448 = arith.addi %get3A_445, %add3A_447 : vector<16xi32>
    %swap3A_449 = arith.constant 1008 : index
    %swap3A_450 = tpu.vector_load %arg7[%swap3A_449] {strides = array<i32>} : memref<3072xi32, #tpu.memory_space<vmem>>, vector<16xi32>,
    tpu.vector_store %arg7[%swap3A_449], %add3A_448 {strides = array<i32>} : memref<3072xi32, #tpu.memory_space<vmem>>, vector<16xi32>,
    %get3A_451 = arith.constant 0 : index
    %get3A_452 = tpu.vector_load %arg6[%get3A_451] {strides = array<i32>} : memref<512xi32, #tpu.memory_space<vmem>>, vector<16xi32>,
    %add3A_453 = arith.constant 200000 : i32
    %add3A_454 = vector.broadcast %add3A_453 : i32 to vector<16xi32>
    %add3A_455 = arith.addi %get3A_452, %add3A_454 : vector<16xi32>
    %swap3A_456 = arith.constant 1024 : index
    %swap3A_457 = tpu.vector_load %arg7[%swap3A_456] {strides = array<i32>} : memref<3072xi32, #tpu.memory_space<vmem>>, vector<16xi32>,
    tpu.vector_store %arg7[%swap3A_456], %add3A_455 {strides = array<i32>} : memref<3072xi32, #tpu.memory_space<vmem>>, vector<16xi32>,
    %get3A_458 = arith.constant 16 : index
    %get3A_459 = tpu.vector_load %arg6[%get3A_458] {strides = array<i32>} : memref<512xi32, #tpu.memory_space<vmem>>, vector<16xi32>,
    %add3A_460 = arith.constant 200000 : i32
    %add3A_461 = vector.broadcast %add3A_460 : i32 to vector<16xi32>
    %add3A_462 = arith.addi %get3A_459, %add3A_461 : vector<16xi32>
    %swap3A_463 = arith.constant 1040 : index
    %swap3A_464 = tpu.vector_load %arg7[%swap3A_463] {strides = array<i32>} : memref<3072xi32, #tpu.memory_space<vmem>>, vector<16xi32>,
    tpu.vector_store %arg7[%swap3A_463], %add3A_462 {strides = array<i32>} : memref<3072xi32, #tpu.memory_space<vmem>>, vector<16xi32>,
    %get3A_465 = arith.constant 32 : index
    %get3A_466 = tpu.vector_load %arg6[%get3A_465] {strides = array<i32>} : memref<512xi32, #tpu.memory_space<vmem>>, vector<16xi32>,
    %add3A_467 = arith.constant 200000 : i32
    %add3A_468 = vector.broadcast %add3A_467 : i32 to vector<16xi32>
    %add3A_469 = arith.addi %get3A_466, %add3A_468 : vector<16xi32>
    %swap3A_470 = arith.constant 1056 : index
    %swap3A_471 = tpu.vector_load %arg7[%swap3A_470] {strides = array<i32>} : memref<3072xi32, #tpu.memory_space<vmem>>, vector<16xi32>,
    tpu.vector_store %arg7[%swap3A_470], %add3A_469 {strides = array<i32>} : memref<3072xi32, #tpu.memory_space<vmem>>, vector<16xi32>,
    %get3A_472 = arith.constant 48 : index
    %get3A_473 = tpu.vector_load %arg6[%get3A_472] {strides = array<i32>} : memref<512xi32, #tpu.memory_space<vmem>>, vector<16xi32>,
    %add3A_474 = arith.constant 200000 : i32
    %add3A_475 = vector.broadcast %add3A_474 : i32 to vector<16xi32>
    %add3A_476 = arith.addi %get3A_473, %add3A_475 : vector<16xi32>
    %swap3A_477 = arith.constant 1072 : index
    %swap3A_478 = tpu.vector_load %arg7[%swap3A_477] {strides = array<i32>} : memref<3072xi32, #tpu.memory_space<vmem>>, vector<16xi32>,
    tpu.vector_store %arg7[%swap3A_477], %add3A_476 {strides = array<i32>} : memref<3072xi32, #tpu.memory_space<vmem>>, vector<16xi32>,
    %get3A_479 = arith.constant 64 : index
    %get3A_480 = tpu.vector_load %arg6[%get3A_479] {strides = array<i32>} : memref<512xi32, #tpu.memory_space<vmem>>, vector<16xi32>,
    %add3A_481 = arith.constant 200000 : i32
    %add3A_482 = vector.broadcast %add3A_481 : i32 to vector<16xi32>
    %add3A_483 = arith.addi %get3A_480, %add3A_482 : vector<16xi32>
    %swap3A_484 = arith.constant 1088 : index
    %swap3A_485 = tpu.vector_load %arg7[%swap3A_484] {strides = array<i32>} : memref<3072xi32, #tpu.memory_space<vmem>>, vector<16xi32>,
    tpu.vector_store %arg7[%swap3A_484], %add3A_483 {strides = array<i32>} : memref<3072xi32, #tpu.memory_space<vmem>>, vector<16xi32>,
    %get3A_486 = arith.constant 80 : index
    %get3A_487 = tpu.vector_load %arg6[%get3A_486] {strides = array<i32>} : memref<512xi32, #tpu.memory_space<vmem>>, vector<16xi32>,
    %add3A_488 = arith.constant 200000 : i32
    %add3A_489 = vector.broadcast %add3A_488 : i32 to vector<16xi32>
    %add3A_490 = arith.addi %get3A_487, %add3A_489 : vector<16xi32>
    %swap3A_491 = arith.constant 1104 : index
    %swap3A_492 = tpu.vector_load %arg7[%swap3A_491] {strides = array<i32>} : memref<3072xi32, #tpu.memory_space<vmem>>, vector<16xi32>,
    tpu.vector_store %arg7[%swap3A_491], %add3A_490 {strides = array<i32>} : memref<3072xi32, #tpu.memory_space<vmem>>, vector<16xi32>,
    %get3A_493 = arith.constant 96 : index
    %get3A_494 = tpu.vector_load %arg6[%get3A_493] {strides = array<i32>} : memref<512xi32, #tpu.memory_space<vmem>>, vector<16xi32>,
    %add3A_495 = arith.constant 200000 : i32
    %add3A_496 = vector.broadcast %add3A_495 : i32 to vector<16xi32>
    %add3A_497 = arith.addi %get3A_494, %add3A_496 : vector<16xi32>
    %swap3A_498 = arith.constant 1120 : index
    %swap3A_499 = tpu.vector_load %arg7[%swap3A_498] {strides = array<i32>} : memref<3072xi32, #tpu.memory_space<vmem>>, vector<16xi32>,
    tpu.vector_store %arg7[%swap3A_498], %add3A_497 {strides = array<i32>} : memref<3072xi32, #tpu.memory_space<vmem>>, vector<16xi32>,
    %get3A_500 = arith.constant 112 : index
    %get3A_501 = tpu.vector_load %arg6[%get3A_500] {strides = array<i32>} : memref<512xi32, #tpu.memory_space<vmem>>, vector<16xi32>,
    %add3A_502 = arith.constant 200000 : i32
    %add3A_503 = vector.broadcast %add3A_502 : i32 to vector<16xi32>
    %add3A_504 = arith.addi %get3A_501, %add3A_503 : vector<16xi32>
    %swap3A_505 = arith.constant 1136 : index
    %swap3A_506 = tpu.vector_load %arg7[%swap3A_505] {strides = array<i32>} : memref<3072xi32, #tpu.memory_space<vmem>>, vector<16xi32>,
    tpu.vector_store %arg7[%swap3A_505], %add3A_504 {strides = array<i32>} : memref<3072xi32, #tpu.memory_space<vmem>>, vector<16xi32>,
    %get3A_507 = arith.constant 128 : index
    %get3A_508 = tpu.vector_load %arg6[%get3A_507] {strides = array<i32>} : memref<512xi32, #tpu.memory_space<vmem>>, vector<16xi32>,
    %add3A_509 = arith.constant 200000 : i32
    %add3A_510 = vector.broadcast %add3A_509 : i32 to vector<16xi32>
    %add3A_511 = arith.addi %get3A_508, %add3A_510 : vector<16xi32>
    %swap3A_512 = arith.constant 1152 : index
    %swap3A_513 = tpu.vector_load %arg7[%swap3A_512] {strides = array<i32>} : memref<3072xi32, #tpu.memory_space<vmem>>, vector<16xi32>,
    tpu.vector_store %arg7[%swap3A_512], %add3A_511 {strides = array<i32>} : memref<3072xi32, #tpu.memory_space<vmem>>, vector<16xi32>,
    %get3A_514 = arith.constant 144 : index
    %get3A_515 = tpu.vector_load %arg6[%get3A_514] {strides = array<i32>} : memref<512xi32, #tpu.memory_space<vmem>>, vector<16xi32>,
    %add3A_516 = arith.constant 200000 : i32
    %add3A_517 = vector.broadcast %add3A_516 : i32 to vector<16xi32>
    %add3A_518 = arith.addi %get3A_515, %add3A_517 : vector<16xi32>
    %swap3A_519 = arith.constant 1168 : index
    %swap3A_520 = tpu.vector_load %arg7[%swap3A_519] {strides = array<i32>} : memref<3072xi32, #tpu.memory_space<vmem>>, vector<16xi32>,
    tpu.vector_store %arg7[%swap3A_519], %add3A_518 {strides = array<i32>} : memref<3072xi32, #tpu.memory_space<vmem>>, vector<16xi32>,
    %get3A_521 = arith.constant 160 : index
    %get3A_522 = tpu.vector_load %arg6[%get3A_521] {strides = array<i32>} : memref<512xi32, #tpu.memory_space<vmem>>, vector<16xi32>,
    %add3A_523 = arith.constant 200000 : i32
    %add3A_524 = vector.broadcast %add3A_523 : i32 to vector<16xi32>
    %add3A_525 = arith.addi %get3A_522, %add3A_524 : vector<16xi32>
    %swap3A_526 = arith.constant 1184 : index
    %swap3A_527 = tpu.vector_load %arg7[%swap3A_526] {strides = array<i32>} : memref<3072xi32, #tpu.memory_space<vmem>>, vector<16xi32>,
    tpu.vector_store %arg7[%swap3A_526], %add3A_525 {strides = array<i32>} : memref<3072xi32, #tpu.memory_space<vmem>>, vector<16xi32>,
    %get3A_528 = arith.constant 176 : index
    %get3A_529 = tpu.vector_load %arg6[%get3A_528] {strides = array<i32>} : memref<512xi32, #tpu.memory_space<vmem>>, vector<16xi32>,
    %add3A_530 = arith.constant 200000 : i32
    %add3A_531 = vector.broadcast %add3A_530 : i32 to vector<16xi32>
    %add3A_532 = arith.addi %get3A_529, %add3A_531 : vector<16xi32>
    %swap3A_533 = arith.constant 1200 : index
    %swap3A_534 = tpu.vector_load %arg7[%swap3A_533] {strides = array<i32>} : memref<3072xi32, #tpu.memory_space<vmem>>, vector<16xi32>,
    tpu.vector_store %arg7[%swap3A_533], %add3A_532 {strides = array<i32>} : memref<3072xi32, #tpu.memory_space<vmem>>, vector<16xi32>,
    %get3A_535 = arith.constant 192 : index
    %get3A_536 = tpu.vector_load %arg6[%get3A_535] {strides = array<i32>} : memref<512xi32, #tpu.memory_space<vmem>>, vector<16xi32>,
    %add3A_537 = arith.constant 200000 : i32
    %add3A_538 = vector.broadcast %add3A_537 : i32 to vector<16xi32>
    %add3A_539 = arith.addi %get3A_536, %add3A_538 : vector<16xi32>
    %swap3A_540 = arith.constant 1216 : index
    %swap3A_541 = tpu.vector_load %arg7[%swap3A_540] {strides = array<i32>} : memref<3072xi32, #tpu.memory_space<vmem>>, vector<16xi32>,
    tpu.vector_store %arg7[%swap3A_540], %add3A_539 {strides = array<i32>} : memref<3072xi32, #tpu.memory_space<vmem>>, vector<16xi32>,
    %get3A_542 = arith.constant 208 : index
    %get3A_543 = tpu.vector_load %arg6[%get3A_542] {strides = array<i32>} : memref<512xi32, #tpu.memory_space<vmem>>, vector<16xi32>,
    %add3A_544 = arith.constant 200000 : i32
    %add3A_545 = vector.broadcast %add3A_544 : i32 to vector<16xi32>
    %add3A_546 = arith.addi %get3A_543, %add3A_545 : vector<16xi32>
    %swap3A_547 = arith.constant 1232 : index
    %swap3A_548 = tpu.vector_load %arg7[%swap3A_547] {strides = array<i32>} : memref<3072xi32, #tpu.memory_space<vmem>>, vector<16xi32>,
    tpu.vector_store %arg7[%swap3A_547], %add3A_546 {strides = array<i32>} : memref<3072xi32, #tpu.memory_space<vmem>>, vector<16xi32>,
    %get3A_549 = arith.constant 224 : index
    %get3A_550 = tpu.vector_load %arg6[%get3A_549] {strides = array<i32>} : memref<512xi32, #tpu.memory_space<vmem>>, vector<16xi32>,
    %add3A_551 = arith.constant 200000 : i32
    %add3A_552 = vector.broadcast %add3A_551 : i32 to vector<16xi32>
    %add3A_553 = arith.addi %get3A_550, %add3A_552 : vector<16xi32>
    %swap3A_554 = arith.constant 1248 : index
    %swap3A_555 = tpu.vector_load %arg7[%swap3A_554] {strides = array<i32>} : memref<3072xi32, #tpu.memory_space<vmem>>, vector<16xi32>,
    tpu.vector_store %arg7[%swap3A_554], %add3A_553 {strides = array<i32>} : memref<3072xi32, #tpu.memory_space<vmem>>, vector<16xi32>,
    %get3A_556 = arith.constant 240 : index
    %get3A_557 = tpu.vector_load %arg6[%get3A_556] {strides = array<i32>} : memref<512xi32, #tpu.memory_space<vmem>>, vector<16xi32>,
    %add3A_558 = arith.constant 200000 : i32
    %add3A_559 = vector.broadcast %add3A_558 : i32 to vector<16xi32>
    %add3A_560 = arith.addi %get3A_557, %add3A_559 : vector<16xi32>
    %swap3A_561 = arith.constant 1264 : index
    %swap3A_562 = tpu.vector_load %arg7[%swap3A_561] {strides = array<i32>} : memref<3072xi32, #tpu.memory_space<vmem>>, vector<16xi32>,
    tpu.vector_store %arg7[%swap3A_561], %add3A_560 {strides = array<i32>} : memref<3072xi32, #tpu.memory_space<vmem>>, vector<16xi32>,
    %get3A_563 = arith.constant 256 : index
    %get3A_564 = tpu.vector_load %arg6[%get3A_563] {strides = array<i32>} : memref<512xi32, #tpu.memory_space<vmem>>, vector<16xi32>,
    %add3A_565 = arith.constant 200000 : i32
    %add3A_566 = vector.broadcast %add3A_565 : i32 to vector<16xi32>
    %add3A_567 = arith.addi %get3A_564, %add3A_566 : vector<16xi32>
    %swap3A_568 = arith.constant 1280 : index
    %swap3A_569 = tpu.vector_load %arg7[%swap3A_568] {strides = array<i32>} : memref<3072xi32, #tpu.memory_space<vmem>>, vector<16xi32>,
    tpu.vector_store %arg7[%swap3A_568], %add3A_567 {strides = array<i32>} : memref<3072xi32, #tpu.memory_space<vmem>>, vector<16xi32>,
    %get3A_570 = arith.constant 272 : index
    %get3A_571 = tpu.vector_load %arg6[%get3A_570] {strides = array<i32>} : memref<512xi32, #tpu.memory_space<vmem>>, vector<16xi32>,
    %add3A_572 = arith.constant 200000 : i32
    %add3A_573 = vector.broadcast %add3A_572 : i32 to vector<16xi32>
    %add3A_574 = arith.addi %get3A_571, %add3A_573 : vector<16xi32>
    %swap3A_575 = arith.constant 1296 : index
    %swap3A_576 = tpu.vector_load %arg7[%swap3A_575] {strides = array<i32>} : memref<3072xi32, #tpu.memory_space<vmem>>, vector<16xi32>,
    tpu.vector_store %arg7[%swap3A_575], %add3A_574 {strides = array<i32>} : memref<3072xi32, #tpu.memory_space<vmem>>, vector<16xi32>,
    %get3A_577 = arith.constant 288 : index
    %get3A_578 = tpu.vector_load %arg6[%get3A_577] {strides = array<i32>} : memref<512xi32, #tpu.memory_space<vmem>>, vector<16xi32>,
    %add3A_579 = arith.constant 200000 : i32
    %add3A_580 = vector.broadcast %add3A_579 : i32 to vector<16xi32>
    %add3A_581 = arith.addi %get3A_578, %add3A_580 : vector<16xi32>
    %swap3A_582 = arith.constant 1312 : index
    %swap3A_583 = tpu.vector_load %arg7[%swap3A_582] {strides = array<i32>} : memref<3072xi32, #tpu.memory_space<vmem>>, vector<16xi32>,
    tpu.vector_store %arg7[%swap3A_582], %add3A_581 {strides = array<i32>} : memref<3072xi32, #tpu.memory_space<vmem>>, vector<16xi32>,
    %get3A_584 = arith.constant 304 : index
    %get3A_585 = tpu.vector_load %arg6[%get3A_584] {strides = array<i32>} : memref<512xi32, #tpu.memory_space<vmem>>, vector<16xi32>,
    %add3A_586 = arith.constant 200000 : i32
    %add3A_587 = vector.broadcast %add3A_586 : i32 to vector<16xi32>
    %add3A_588 = arith.addi %get3A_585, %add3A_587 : vector<16xi32>
    %swap3A_589 = arith.constant 1328 : index
    %swap3A_590 = tpu.vector_load %arg7[%swap3A_589] {strides = array<i32>} : memref<3072xi32, #tpu.memory_space<vmem>>, vector<16xi32>,
    tpu.vector_store %arg7[%swap3A_589], %add3A_588 {strides = array<i32>} : memref<3072xi32, #tpu.memory_space<vmem>>, vector<16xi32>,
    %get3A_591 = arith.constant 320 : index
    %get3A_592 = tpu.vector_load %arg6[%get3A_591] {strides = array<i32>} : memref<512xi32, #tpu.memory_space<vmem>>, vector<16xi32>,
    %add3A_593 = arith.constant 200000 : i32
    %add3A_594 = vector.broadcast %add3A_593 : i32 to vector<16xi32>
    %add3A_595 = arith.addi %get3A_592, %add3A_594 : vector<16xi32>
    %swap3A_596 = arith.constant 1344 : index
    %swap3A_597 = tpu.vector_load %arg7[%swap3A_596] {strides = array<i32>} : memref<3072xi32, #tpu.memory_space<vmem>>, vector<16xi32>,
    tpu.vector_store %arg7[%swap3A_596], %add3A_595 {strides = array<i32>} : memref<3072xi32, #tpu.memory_space<vmem>>, vector<16xi32>,
    %get3A_598 = arith.constant 336 : index
    %get3A_599 = tpu.vector_load %arg6[%get3A_598] {strides = array<i32>} : memref<512xi32, #tpu.memory_space<vmem>>, vector<16xi32>,
    %add3A_600 = arith.constant 200000 : i32
    %add3A_601 = vector.broadcast %add3A_600 : i32 to vector<16xi32>
    %add3A_602 = arith.addi %get3A_599, %add3A_601 : vector<16xi32>
    %swap3A_603 = arith.constant 1360 : index
    %swap3A_604 = tpu.vector_load %arg7[%swap3A_603] {strides = array<i32>} : memref<3072xi32, #tpu.memory_space<vmem>>, vector<16xi32>,
    tpu.vector_store %arg7[%swap3A_603], %add3A_602 {strides = array<i32>} : memref<3072xi32, #tpu.memory_space<vmem>>, vector<16xi32>,
    %get3A_605 = arith.constant 352 : index
    %get3A_606 = tpu.vector_load %arg6[%get3A_605] {strides = array<i32>} : memref<512xi32, #tpu.memory_space<vmem>>, vector<16xi32>,
    %add3A_607 = arith.constant 200000 : i32
    %add3A_608 = vector.broadcast %add3A_607 : i32 to vector<16xi32>
    %add3A_609 = arith.addi %get3A_606, %add3A_608 : vector<16xi32>
    %swap3A_610 = arith.constant 1376 : index
    %swap3A_611 = tpu.vector_load %arg7[%swap3A_610] {strides = array<i32>} : memref<3072xi32, #tpu.memory_space<vmem>>, vector<16xi32>,
    tpu.vector_store %arg7[%swap3A_610], %add3A_609 {strides = array<i32>} : memref<3072xi32, #tpu.memory_space<vmem>>, vector<16xi32>,
    %get3A_612 = arith.constant 368 : index
    %get3A_613 = tpu.vector_load %arg6[%get3A_612] {strides = array<i32>} : memref<512xi32, #tpu.memory_space<vmem>>, vector<16xi32>,
    %add3A_614 = arith.constant 200000 : i32
    %add3A_615 = vector.broadcast %add3A_614 : i32 to vector<16xi32>
    %add3A_616 = arith.addi %get3A_613, %add3A_615 : vector<16xi32>
    %swap3A_617 = arith.constant 1392 : index
    %swap3A_618 = tpu.vector_load %arg7[%swap3A_617] {strides = array<i32>} : memref<3072xi32, #tpu.memory_space<vmem>>, vector<16xi32>,
    tpu.vector_store %arg7[%swap3A_617], %add3A_616 {strides = array<i32>} : memref<3072xi32, #tpu.memory_space<vmem>>, vector<16xi32>,
    %get3A_619 = arith.constant 384 : index
    %get3A_620 = tpu.vector_load %arg6[%get3A_619] {strides = array<i32>} : memref<512xi32, #tpu.memory_space<vmem>>, vector<16xi32>,
    %add3A_621 = arith.constant 200000 : i32
    %add3A_622 = vector.broadcast %add3A_621 : i32 to vector<16xi32>
    %add3A_623 = arith.addi %get3A_620, %add3A_622 : vector<16xi32>
    %swap3A_624 = arith.constant 1408 : index
    %swap3A_625 = tpu.vector_load %arg7[%swap3A_624] {strides = array<i32>} : memref<3072xi32, #tpu.memory_space<vmem>>, vector<16xi32>,
    tpu.vector_store %arg7[%swap3A_624], %add3A_623 {strides = array<i32>} : memref<3072xi32, #tpu.memory_space<vmem>>, vector<16xi32>,
    %get3A_626 = arith.constant 400 : index
    %get3A_627 = tpu.vector_load %arg6[%get3A_626] {strides = array<i32>} : memref<512xi32, #tpu.memory_space<vmem>>, vector<16xi32>,
    %add3A_628 = arith.constant 200000 : i32
    %add3A_629 = vector.broadcast %add3A_628 : i32 to vector<16xi32>
    %add3A_630 = arith.addi %get3A_627, %add3A_629 : vector<16xi32>
    %swap3A_631 = arith.constant 1424 : index
    %swap3A_632 = tpu.vector_load %arg7[%swap3A_631] {strides = array<i32>} : memref<3072xi32, #tpu.memory_space<vmem>>, vector<16xi32>,
    tpu.vector_store %arg7[%swap3A_631], %add3A_630 {strides = array<i32>} : memref<3072xi32, #tpu.memory_space<vmem>>, vector<16xi32>,
    %get3A_633 = arith.constant 416 : index
    %get3A_634 = tpu.vector_load %arg6[%get3A_633] {strides = array<i32>} : memref<512xi32, #tpu.memory_space<vmem>>, vector<16xi32>,
    %add3A_635 = arith.constant 200000 : i32
    %add3A_636 = vector.broadcast %add3A_635 : i32 to vector<16xi32>
    %add3A_637 = arith.addi %get3A_634, %add3A_636 : vector<16xi32>
    %swap3A_638 = arith.constant 1440 : index
    %swap3A_639 = tpu.vector_load %arg7[%swap3A_638] {strides = array<i32>} : memref<3072xi32, #tpu.memory_space<vmem>>, vector<16xi32>,
    tpu.vector_store %arg7[%swap3A_638], %add3A_637 {strides = array<i32>} : memref<3072xi32, #tpu.memory_space<vmem>>, vector<16xi32>,
    %get3A_640 = arith.constant 432 : index
    %get3A_641 = tpu.vector_load %arg6[%get3A_640] {strides = array<i32>} : memref<512xi32, #tpu.memory_space<vmem>>, vector<16xi32>,
    %add3A_642 = arith.constant 200000 : i32
    %add3A_643 = vector.broadcast %add3A_642 : i32 to vector<16xi32>
    %add3A_644 = arith.addi %get3A_641, %add3A_643 : vector<16xi32>
    %swap3A_645 = arith.constant 1456 : index
    %swap3A_646 = tpu.vector_load %arg7[%swap3A_645] {strides = array<i32>} : memref<3072xi32, #tpu.memory_space<vmem>>, vector<16xi32>,
    tpu.vector_store %arg7[%swap3A_645], %add3A_644 {strides = array<i32>} : memref<3072xi32, #tpu.memory_space<vmem>>, vector<16xi32>,
    %get3A_647 = arith.constant 448 : index
    %get3A_648 = tpu.vector_load %arg6[%get3A_647] {strides = array<i32>} : memref<512xi32, #tpu.memory_space<vmem>>, vector<16xi32>,
    %add3A_649 = arith.constant 200000 : i32
    %add3A_650 = vector.broadcast %add3A_649 : i32 to vector<16xi32>
    %add3A_651 = arith.addi %get3A_648, %add3A_650 : vector<16xi32>
    %swap3A_652 = arith.constant 1472 : index
    %swap3A_653 = tpu.vector_load %arg7[%swap3A_652] {strides = array<i32>} : memref<3072xi32, #tpu.memory_space<vmem>>, vector<16xi32>,
    tpu.vector_store %arg7[%swap3A_652], %add3A_651 {strides = array<i32>} : memref<3072xi32, #tpu.memory_space<vmem>>, vector<16xi32>,
    %get3A_654 = arith.constant 464 : index
    %get3A_655 = tpu.vector_load %arg6[%get3A_654] {strides = array<i32>} : memref<512xi32, #tpu.memory_space<vmem>>, vector<16xi32>,
    %add3A_656 = arith.constant 200000 : i32
    %add3A_657 = vector.broadcast %add3A_656 : i32 to vector<16xi32>
    %add3A_658 = arith.addi %get3A_655, %add3A_657 : vector<16xi32>
    %swap3A_659 = arith.constant 1488 : index
    %swap3A_660 = tpu.vector_load %arg7[%swap3A_659] {strides = array<i32>} : memref<3072xi32, #tpu.memory_space<vmem>>, vector<16xi32>,
    tpu.vector_store %arg7[%swap3A_659], %add3A_658 {strides = array<i32>} : memref<3072xi32, #tpu.memory_space<vmem>>, vector<16xi32>,
    %get3A_661 = arith.constant 480 : index
    %get3A_662 = tpu.vector_load %arg6[%get3A_661] {strides = array<i32>} : memref<512xi32, #tpu.memory_space<vmem>>, vector<16xi32>,
    %add3A_663 = arith.constant 200000 : i32
    %add3A_664 = vector.broadcast %add3A_663 : i32 to vector<16xi32>
    %add3A_665 = arith.addi %get3A_662, %add3A_664 : vector<16xi32>
    %swap3A_666 = arith.constant 1504 : index
    %swap3A_667 = tpu.vector_load %arg7[%swap3A_666] {strides = array<i32>} : memref<3072xi32, #tpu.memory_space<vmem>>, vector<16xi32>,
    tpu.vector_store %arg7[%swap3A_666], %add3A_665 {strides = array<i32>} : memref<3072xi32, #tpu.memory_space<vmem>>, vector<16xi32>,
    %get3A_668 = arith.constant 496 : index
    %get3A_669 = tpu.vector_load %arg6[%get3A_668] {strides = array<i32>} : memref<512xi32, #tpu.memory_space<vmem>>, vector<16xi32>,
    %add3A_670 = arith.constant 200000 : i32
    %add3A_671 = vector.broadcast %add3A_670 : i32 to vector<16xi32>
    %add3A_672 = arith.addi %get3A_669, %add3A_671 : vector<16xi32>
    %swap3A_673 = arith.constant 1520 : index
    %swap3A_674 = tpu.vector_load %arg7[%swap3A_673] {strides = array<i32>} : memref<3072xi32, #tpu.memory_space<vmem>>, vector<16xi32>,
    tpu.vector_store %arg7[%swap3A_673], %add3A_672 {strides = array<i32>} : memref<3072xi32, #tpu.memory_space<vmem>>, vector<16xi32>,
    %get3A_675 = arith.constant 0 : index
    %get3A_676 = tpu.vector_load %arg6[%get3A_675] {strides = array<i32>} : memref<512xi32, #tpu.memory_space<vmem>>, vector<16xi32>,
    %add3A_677 = arith.constant 300000 : i32
    %add3A_678 = vector.broadcast %add3A_677 : i32 to vector<16xi32>
    %add3A_679 = arith.addi %get3A_676, %add3A_678 : vector<16xi32>
    %swap3A_680 = arith.constant 1536 : index
    %swap3A_681 = tpu.vector_load %arg7[%swap3A_680] {strides = array<i32>} : memref<3072xi32, #tpu.memory_space<vmem>>, vector<16xi32>,
    tpu.vector_store %arg7[%swap3A_680], %add3A_679 {strides = array<i32>} : memref<3072xi32, #tpu.memory_space<vmem>>, vector<16xi32>,
    %get3A_682 = arith.constant 16 : index
    %get3A_683 = tpu.vector_load %arg6[%get3A_682] {strides = array<i32>} : memref<512xi32, #tpu.memory_space<vmem>>, vector<16xi32>,
    %add3A_684 = arith.constant 300000 : i32
    %add3A_685 = vector.broadcast %add3A_684 : i32 to vector<16xi32>
    %add3A_686 = arith.addi %get3A_683, %add3A_685 : vector<16xi32>
    %swap3A_687 = arith.constant 1552 : index
    %swap3A_688 = tpu.vector_load %arg7[%swap3A_687] {strides = array<i32>} : memref<3072xi32, #tpu.memory_space<vmem>>, vector<16xi32>,
    tpu.vector_store %arg7[%swap3A_687], %add3A_686 {strides = array<i32>} : memref<3072xi32, #tpu.memory_space<vmem>>, vector<16xi32>,
    %get3A_689 = arith.constant 32 : index
    %get3A_690 = tpu.vector_load %arg6[%get3A_689] {strides = array<i32>} : memref<512xi32, #tpu.memory_space<vmem>>, vector<16xi32>,
    %add3A_691 = arith.constant 300000 : i32
    %add3A_692 = vector.broadcast %add3A_691 : i32 to vector<16xi32>
    %add3A_693 = arith.addi %get3A_690, %add3A_692 : vector<16xi32>
    %swap3A_694 = arith.constant 1568 : index
    %swap3A_695 = tpu.vector_load %arg7[%swap3A_694] {strides = array<i32>} : memref<3072xi32, #tpu.memory_space<vmem>>, vector<16xi32>,
    tpu.vector_store %arg7[%swap3A_694], %add3A_693 {strides = array<i32>} : memref<3072xi32, #tpu.memory_space<vmem>>, vector<16xi32>,
    %get3A_696 = arith.constant 48 : index
    %get3A_697 = tpu.vector_load %arg6[%get3A_696] {strides = array<i32>} : memref<512xi32, #tpu.memory_space<vmem>>, vector<16xi32>,
    %add3A_698 = arith.constant 300000 : i32
    %add3A_699 = vector.broadcast %add3A_698 : i32 to vector<16xi32>
    %add3A_700 = arith.addi %get3A_697, %add3A_699 : vector<16xi32>
    %swap3A_701 = arith.constant 1584 : index
    %swap3A_702 = tpu.vector_load %arg7[%swap3A_701] {strides = array<i32>} : memref<3072xi32, #tpu.memory_space<vmem>>, vector<16xi32>,
    tpu.vector_store %arg7[%swap3A_701], %add3A_700 {strides = array<i32>} : memref<3072xi32, #tpu.memory_space<vmem>>, vector<16xi32>,
    %get3A_703 = arith.constant 64 : index
    %get3A_704 = tpu.vector_load %arg6[%get3A_703] {strides = array<i32>} : memref<512xi32, #tpu.memory_space<vmem>>, vector<16xi32>,
    %add3A_705 = arith.constant 300000 : i32
    %add3A_706 = vector.broadcast %add3A_705 : i32 to vector<16xi32>
    %add3A_707 = arith.addi %get3A_704, %add3A_706 : vector<16xi32>
    %swap3A_708 = arith.constant 1600 : index
    %swap3A_709 = tpu.vector_load %arg7[%swap3A_708] {strides = array<i32>} : memref<3072xi32, #tpu.memory_space<vmem>>, vector<16xi32>,
    tpu.vector_store %arg7[%swap3A_708], %add3A_707 {strides = array<i32>} : memref<3072xi32, #tpu.memory_space<vmem>>, vector<16xi32>,
    %get3A_710 = arith.constant 80 : index
    %get3A_711 = tpu.vector_load %arg6[%get3A_710] {strides = array<i32>} : memref<512xi32, #tpu.memory_space<vmem>>, vector<16xi32>,
    %add3A_712 = arith.constant 300000 : i32
    %add3A_713 = vector.broadcast %add3A_712 : i32 to vector<16xi32>
    %add3A_714 = arith.addi %get3A_711, %add3A_713 : vector<16xi32>
    %swap3A_715 = arith.constant 1616 : index
    %swap3A_716 = tpu.vector_load %arg7[%swap3A_715] {strides = array<i32>} : memref<3072xi32, #tpu.memory_space<vmem>>, vector<16xi32>,
    tpu.vector_store %arg7[%swap3A_715], %add3A_714 {strides = array<i32>} : memref<3072xi32, #tpu.memory_space<vmem>>, vector<16xi32>,
    %get3A_717 = arith.constant 96 : index
    %get3A_718 = tpu.vector_load %arg6[%get3A_717] {strides = array<i32>} : memref<512xi32, #tpu.memory_space<vmem>>, vector<16xi32>,
    %add3A_719 = arith.constant 300000 : i32
    %add3A_720 = vector.broadcast %add3A_719 : i32 to vector<16xi32>
    %add3A_721 = arith.addi %get3A_718, %add3A_720 : vector<16xi32>
    %swap3A_722 = arith.constant 1632 : index
    %swap3A_723 = tpu.vector_load %arg7[%swap3A_722] {strides = array<i32>} : memref<3072xi32, #tpu.memory_space<vmem>>, vector<16xi32>,
    tpu.vector_store %arg7[%swap3A_722], %add3A_721 {strides = array<i32>} : memref<3072xi32, #tpu.memory_space<vmem>>, vector<16xi32>,
    %get3A_724 = arith.constant 112 : index
    %get3A_725 = tpu.vector_load %arg6[%get3A_724] {strides = array<i32>} : memref<512xi32, #tpu.memory_space<vmem>>, vector<16xi32>,
    %add3A_726 = arith.constant 300000 : i32
    %add3A_727 = vector.broadcast %add3A_726 : i32 to vector<16xi32>
    %add3A_728 = arith.addi %get3A_725, %add3A_727 : vector<16xi32>
    %swap3A_729 = arith.constant 1648 : index
    %swap3A_730 = tpu.vector_load %arg7[%swap3A_729] {strides = array<i32>} : memref<3072xi32, #tpu.memory_space<vmem>>, vector<16xi32>,
    tpu.vector_store %arg7[%swap3A_729], %add3A_728 {strides = array<i32>} : memref<3072xi32, #tpu.memory_space<vmem>>, vector<16xi32>,
    %get3A_731 = arith.constant 128 : index
    %get3A_732 = tpu.vector_load %arg6[%get3A_731] {strides = array<i32>} : memref<512xi32, #tpu.memory_space<vmem>>, vector<16xi32>,
    %add3A_733 = arith.constant 300000 : i32
    %add3A_734 = vector.broadcast %add3A_733 : i32 to vector<16xi32>
    %add3A_735 = arith.addi %get3A_732, %add3A_734 : vector<16xi32>
    %swap3A_736 = arith.constant 1664 : index
    %swap3A_737 = tpu.vector_load %arg7[%swap3A_736] {strides = array<i32>} : memref<3072xi32, #tpu.memory_space<vmem>>, vector<16xi32>,
    tpu.vector_store %arg7[%swap3A_736], %add3A_735 {strides = array<i32>} : memref<3072xi32, #tpu.memory_space<vmem>>, vector<16xi32>,
    %get3A_738 = arith.constant 144 : index
    %get3A_739 = tpu.vector_load %arg6[%get3A_738] {strides = array<i32>} : memref<512xi32, #tpu.memory_space<vmem>>, vector<16xi32>,
    %add3A_740 = arith.constant 300000 : i32
    %add3A_741 = vector.broadcast %add3A_740 : i32 to vector<16xi32>
    %add3A_742 = arith.addi %get3A_739, %add3A_741 : vector<16xi32>
    %swap3A_743 = arith.constant 1680 : index
    %swap3A_744 = tpu.vector_load %arg7[%swap3A_743] {strides = array<i32>} : memref<3072xi32, #tpu.memory_space<vmem>>, vector<16xi32>,
    tpu.vector_store %arg7[%swap3A_743], %add3A_742 {strides = array<i32>} : memref<3072xi32, #tpu.memory_space<vmem>>, vector<16xi32>,
    %get3A_745 = arith.constant 160 : index
    %get3A_746 = tpu.vector_load %arg6[%get3A_745] {strides = array<i32>} : memref<512xi32, #tpu.memory_space<vmem>>, vector<16xi32>,
    %add3A_747 = arith.constant 300000 : i32
    %add3A_748 = vector.broadcast %add3A_747 : i32 to vector<16xi32>
    %add3A_749 = arith.addi %get3A_746, %add3A_748 : vector<16xi32>
    %swap3A_750 = arith.constant 1696 : index
    %swap3A_751 = tpu.vector_load %arg7[%swap3A_750] {strides = array<i32>} : memref<3072xi32, #tpu.memory_space<vmem>>, vector<16xi32>,
    tpu.vector_store %arg7[%swap3A_750], %add3A_749 {strides = array<i32>} : memref<3072xi32, #tpu.memory_space<vmem>>, vector<16xi32>,
    %get3A_752 = arith.constant 176 : index
    %get3A_753 = tpu.vector_load %arg6[%get3A_752] {strides = array<i32>} : memref<512xi32, #tpu.memory_space<vmem>>, vector<16xi32>,
    %add3A_754 = arith.constant 300000 : i32
    %add3A_755 = vector.broadcast %add3A_754 : i32 to vector<16xi32>
    %add3A_756 = arith.addi %get3A_753, %add3A_755 : vector<16xi32>
    %swap3A_757 = arith.constant 1712 : index
    %swap3A_758 = tpu.vector_load %arg7[%swap3A_757] {strides = array<i32>} : memref<3072xi32, #tpu.memory_space<vmem>>, vector<16xi32>,
    tpu.vector_store %arg7[%swap3A_757], %add3A_756 {strides = array<i32>} : memref<3072xi32, #tpu.memory_space<vmem>>, vector<16xi32>,
    %get3A_759 = arith.constant 192 : index
    %get3A_760 = tpu.vector_load %arg6[%get3A_759] {strides = array<i32>} : memref<512xi32, #tpu.memory_space<vmem>>, vector<16xi32>,
    %add3A_761 = arith.constant 300000 : i32
    %add3A_762 = vector.broadcast %add3A_761 : i32 to vector<16xi32>
    %add3A_763 = arith.addi %get3A_760, %add3A_762 : vector<16xi32>
    %swap3A_764 = arith.constant 1728 : index
    %swap3A_765 = tpu.vector_load %arg7[%swap3A_764] {strides = array<i32>} : memref<3072xi32, #tpu.memory_space<vmem>>, vector<16xi32>,
    tpu.vector_store %arg7[%swap3A_764], %add3A_763 {strides = array<i32>} : memref<3072xi32, #tpu.memory_space<vmem>>, vector<16xi32>,
    %get3A_766 = arith.constant 208 : index
    %get3A_767 = tpu.vector_load %arg6[%get3A_766] {strides = array<i32>} : memref<512xi32, #tpu.memory_space<vmem>>, vector<16xi32>,
    %add3A_768 = arith.constant 300000 : i32
    %add3A_769 = vector.broadcast %add3A_768 : i32 to vector<16xi32>
    %add3A_770 = arith.addi %get3A_767, %add3A_769 : vector<16xi32>
    %swap3A_771 = arith.constant 1744 : index
    %swap3A_772 = tpu.vector_load %arg7[%swap3A_771] {strides = array<i32>} : memref<3072xi32, #tpu.memory_space<vmem>>, vector<16xi32>,
    tpu.vector_store %arg7[%swap3A_771], %add3A_770 {strides = array<i32>} : memref<3072xi32, #tpu.memory_space<vmem>>, vector<16xi32>,
    %get3A_773 = arith.constant 224 : index
    %get3A_774 = tpu.vector_load %arg6[%get3A_773] {strides = array<i32>} : memref<512xi32, #tpu.memory_space<vmem>>, vector<16xi32>,
    %add3A_775 = arith.constant 300000 : i32
    %add3A_776 = vector.broadcast %add3A_775 : i32 to vector<16xi32>
    %add3A_777 = arith.addi %get3A_774, %add3A_776 : vector<16xi32>
    %swap3A_778 = arith.constant 1760 : index
    %swap3A_779 = tpu.vector_load %arg7[%swap3A_778] {strides = array<i32>} : memref<3072xi32, #tpu.memory_space<vmem>>, vector<16xi32>,
    tpu.vector_store %arg7[%swap3A_778], %add3A_777 {strides = array<i32>} : memref<3072xi32, #tpu.memory_space<vmem>>, vector<16xi32>,
    %get3A_780 = arith.constant 240 : index
    %get3A_781 = tpu.vector_load %arg6[%get3A_780] {strides = array<i32>} : memref<512xi32, #tpu.memory_space<vmem>>, vector<16xi32>,
    %add3A_782 = arith.constant 300000 : i32
    %add3A_783 = vector.broadcast %add3A_782 : i32 to vector<16xi32>
    %add3A_784 = arith.addi %get3A_781, %add3A_783 : vector<16xi32>
    %swap3A_785 = arith.constant 1776 : index
    %swap3A_786 = tpu.vector_load %arg7[%swap3A_785] {strides = array<i32>} : memref<3072xi32, #tpu.memory_space<vmem>>, vector<16xi32>,
    tpu.vector_store %arg7[%swap3A_785], %add3A_784 {strides = array<i32>} : memref<3072xi32, #tpu.memory_space<vmem>>, vector<16xi32>,
    %get3A_787 = arith.constant 256 : index
    %get3A_788 = tpu.vector_load %arg6[%get3A_787] {strides = array<i32>} : memref<512xi32, #tpu.memory_space<vmem>>, vector<16xi32>,
    %add3A_789 = arith.constant 300000 : i32
    %add3A_790 = vector.broadcast %add3A_789 : i32 to vector<16xi32>
    %add3A_791 = arith.addi %get3A_788, %add3A_790 : vector<16xi32>
    %swap3A_792 = arith.constant 1792 : index
    %swap3A_793 = tpu.vector_load %arg7[%swap3A_792] {strides = array<i32>} : memref<3072xi32, #tpu.memory_space<vmem>>, vector<16xi32>,
    tpu.vector_store %arg7[%swap3A_792], %add3A_791 {strides = array<i32>} : memref<3072xi32, #tpu.memory_space<vmem>>, vector<16xi32>,
    %get3A_794 = arith.constant 272 : index
    %get3A_795 = tpu.vector_load %arg6[%get3A_794] {strides = array<i32>} : memref<512xi32, #tpu.memory_space<vmem>>, vector<16xi32>,
    %add3A_796 = arith.constant 300000 : i32
    %add3A_797 = vector.broadcast %add3A_796 : i32 to vector<16xi32>
    %add3A_798 = arith.addi %get3A_795, %add3A_797 : vector<16xi32>
    %swap3A_799 = arith.constant 1808 : index
    %swap3A_800 = tpu.vector_load %arg7[%swap3A_799] {strides = array<i32>} : memref<3072xi32, #tpu.memory_space<vmem>>, vector<16xi32>,
    tpu.vector_store %arg7[%swap3A_799], %add3A_798 {strides = array<i32>} : memref<3072xi32, #tpu.memory_space<vmem>>, vector<16xi32>,
    %get3A_801 = arith.constant 288 : index
    %get3A_802 = tpu.vector_load %arg6[%get3A_801] {strides = array<i32>} : memref<512xi32, #tpu.memory_space<vmem>>, vector<16xi32>,
    %add3A_803 = arith.constant 300000 : i32
    %add3A_804 = vector.broadcast %add3A_803 : i32 to vector<16xi32>
    %add3A_805 = arith.addi %get3A_802, %add3A_804 : vector<16xi32>
    %swap3A_806 = arith.constant 1824 : index
    %swap3A_807 = tpu.vector_load %arg7[%swap3A_806] {strides = array<i32>} : memref<3072xi32, #tpu.memory_space<vmem>>, vector<16xi32>,
    tpu.vector_store %arg7[%swap3A_806], %add3A_805 {strides = array<i32>} : memref<3072xi32, #tpu.memory_space<vmem>>, vector<16xi32>,
    %get3A_808 = arith.constant 304 : index
    %get3A_809 = tpu.vector_load %arg6[%get3A_808] {strides = array<i32>} : memref<512xi32, #tpu.memory_space<vmem>>, vector<16xi32>,
    %add3A_810 = arith.constant 300000 : i32
    %add3A_811 = vector.broadcast %add3A_810 : i32 to vector<16xi32>
    %add3A_812 = arith.addi %get3A_809, %add3A_811 : vector<16xi32>
    %swap3A_813 = arith.constant 1840 : index
    %swap3A_814 = tpu.vector_load %arg7[%swap3A_813] {strides = array<i32>} : memref<3072xi32, #tpu.memory_space<vmem>>, vector<16xi32>,
    tpu.vector_store %arg7[%swap3A_813], %add3A_812 {strides = array<i32>} : memref<3072xi32, #tpu.memory_space<vmem>>, vector<16xi32>,
    %get3A_815 = arith.constant 320 : index
    %get3A_816 = tpu.vector_load %arg6[%get3A_815] {strides = array<i32>} : memref<512xi32, #tpu.memory_space<vmem>>, vector<16xi32>,
    %add3A_817 = arith.constant 300000 : i32
    %add3A_818 = vector.broadcast %add3A_817 : i32 to vector<16xi32>
    %add3A_819 = arith.addi %get3A_816, %add3A_818 : vector<16xi32>
    %swap3A_820 = arith.constant 1856 : index
    %swap3A_821 = tpu.vector_load %arg7[%swap3A_820] {strides = array<i32>} : memref<3072xi32, #tpu.memory_space<vmem>>, vector<16xi32>,
    tpu.vector_store %arg7[%swap3A_820], %add3A_819 {strides = array<i32>} : memref<3072xi32, #tpu.memory_space<vmem>>, vector<16xi32>,
    %get3A_822 = arith.constant 336 : index
    %get3A_823 = tpu.vector_load %arg6[%get3A_822] {strides = array<i32>} : memref<512xi32, #tpu.memory_space<vmem>>, vector<16xi32>,
    %add3A_824 = arith.constant 300000 : i32
    %add3A_825 = vector.broadcast %add3A_824 : i32 to vector<16xi32>
    %add3A_826 = arith.addi %get3A_823, %add3A_825 : vector<16xi32>
    %swap3A_827 = arith.constant 1872 : index
    %swap3A_828 = tpu.vector_load %arg7[%swap3A_827] {strides = array<i32>} : memref<3072xi32, #tpu.memory_space<vmem>>, vector<16xi32>,
    tpu.vector_store %arg7[%swap3A_827], %add3A_826 {strides = array<i32>} : memref<3072xi32, #tpu.memory_space<vmem>>, vector<16xi32>,
    %get3A_829 = arith.constant 352 : index
    %get3A_830 = tpu.vector_load %arg6[%get3A_829] {strides = array<i32>} : memref<512xi32, #tpu.memory_space<vmem>>, vector<16xi32>,
    %add3A_831 = arith.constant 300000 : i32
    %add3A_832 = vector.broadcast %add3A_831 : i32 to vector<16xi32>
    %add3A_833 = arith.addi %get3A_830, %add3A_832 : vector<16xi32>
    %swap3A_834 = arith.constant 1888 : index
    %swap3A_835 = tpu.vector_load %arg7[%swap3A_834] {strides = array<i32>} : memref<3072xi32, #tpu.memory_space<vmem>>, vector<16xi32>,
    tpu.vector_store %arg7[%swap3A_834], %add3A_833 {strides = array<i32>} : memref<3072xi32, #tpu.memory_space<vmem>>, vector<16xi32>,
    %get3A_836 = arith.constant 368 : index
    %get3A_837 = tpu.vector_load %arg6[%get3A_836] {strides = array<i32>} : memref<512xi32, #tpu.memory_space<vmem>>, vector<16xi32>,
    %add3A_838 = arith.constant 300000 : i32
    %add3A_839 = vector.broadcast %add3A_838 : i32 to vector<16xi32>
    %add3A_840 = arith.addi %get3A_837, %add3A_839 : vector<16xi32>
    %swap3A_841 = arith.constant 1904 : index
    %swap3A_842 = tpu.vector_load %arg7[%swap3A_841] {strides = array<i32>} : memref<3072xi32, #tpu.memory_space<vmem>>, vector<16xi32>,
    tpu.vector_store %arg7[%swap3A_841], %add3A_840 {strides = array<i32>} : memref<3072xi32, #tpu.memory_space<vmem>>, vector<16xi32>,
    %get3A_843 = arith.constant 384 : index
    %get3A_844 = tpu.vector_load %arg6[%get3A_843] {strides = array<i32>} : memref<512xi32, #tpu.memory_space<vmem>>, vector<16xi32>,
    %add3A_845 = arith.constant 300000 : i32
    %add3A_846 = vector.broadcast %add3A_845 : i32 to vector<16xi32>
    %add3A_847 = arith.addi %get3A_844, %add3A_846 : vector<16xi32>
    %swap3A_848 = arith.constant 1920 : index
    %swap3A_849 = tpu.vector_load %arg7[%swap3A_848] {strides = array<i32>} : memref<3072xi32, #tpu.memory_space<vmem>>, vector<16xi32>,
    tpu.vector_store %arg7[%swap3A_848], %add3A_847 {strides = array<i32>} : memref<3072xi32, #tpu.memory_space<vmem>>, vector<16xi32>,
    %get3A_850 = arith.constant 400 : index
    %get3A_851 = tpu.vector_load %arg6[%get3A_850] {strides = array<i32>} : memref<512xi32, #tpu.memory_space<vmem>>, vector<16xi32>,
    %add3A_852 = arith.constant 300000 : i32
    %add3A_853 = vector.broadcast %add3A_852 : i32 to vector<16xi32>
    %add3A_854 = arith.addi %get3A_851, %add3A_853 : vector<16xi32>
    %swap3A_855 = arith.constant 1936 : index
    %swap3A_856 = tpu.vector_load %arg7[%swap3A_855] {strides = array<i32>} : memref<3072xi32, #tpu.memory_space<vmem>>, vector<16xi32>,
    tpu.vector_store %arg7[%swap3A_855], %add3A_854 {strides = array<i32>} : memref<3072xi32, #tpu.memory_space<vmem>>, vector<16xi32>,
    %get3A_857 = arith.constant 416 : index
    %get3A_858 = tpu.vector_load %arg6[%get3A_857] {strides = array<i32>} : memref<512xi32, #tpu.memory_space<vmem>>, vector<16xi32>,
    %add3A_859 = arith.constant 300000 : i32
    %add3A_860 = vector.broadcast %add3A_859 : i32 to vector<16xi32>
    %add3A_861 = arith.addi %get3A_858, %add3A_860 : vector<16xi32>
    %swap3A_862 = arith.constant 1952 : index
    %swap3A_863 = tpu.vector_load %arg7[%swap3A_862] {strides = array<i32>} : memref<3072xi32, #tpu.memory_space<vmem>>, vector<16xi32>,
    tpu.vector_store %arg7[%swap3A_862], %add3A_861 {strides = array<i32>} : memref<3072xi32, #tpu.memory_space<vmem>>, vector<16xi32>,
    %get3A_864 = arith.constant 432 : index
    %get3A_865 = tpu.vector_load %arg6[%get3A_864] {strides = array<i32>} : memref<512xi32, #tpu.memory_space<vmem>>, vector<16xi32>,
    %add3A_866 = arith.constant 300000 : i32
    %add3A_867 = vector.broadcast %add3A_866 : i32 to vector<16xi32>
    %add3A_868 = arith.addi %get3A_865, %add3A_867 : vector<16xi32>
    %swap3A_869 = arith.constant 1968 : index
    %swap3A_870 = tpu.vector_load %arg7[%swap3A_869] {strides = array<i32>} : memref<3072xi32, #tpu.memory_space<vmem>>, vector<16xi32>,
    tpu.vector_store %arg7[%swap3A_869], %add3A_868 {strides = array<i32>} : memref<3072xi32, #tpu.memory_space<vmem>>, vector<16xi32>,
    %get3A_871 = arith.constant 448 : index
    %get3A_872 = tpu.vector_load %arg6[%get3A_871] {strides = array<i32>} : memref<512xi32, #tpu.memory_space<vmem>>, vector<16xi32>,
    %add3A_873 = arith.constant 300000 : i32
    %add3A_874 = vector.broadcast %add3A_873 : i32 to vector<16xi32>
    %add3A_875 = arith.addi %get3A_872, %add3A_874 : vector<16xi32>
    %swap3A_876 = arith.constant 1984 : index
    %swap3A_877 = tpu.vector_load %arg7[%swap3A_876] {strides = array<i32>} : memref<3072xi32, #tpu.memory_space<vmem>>, vector<16xi32>,
    tpu.vector_store %arg7[%swap3A_876], %add3A_875 {strides = array<i32>} : memref<3072xi32, #tpu.memory_space<vmem>>, vector<16xi32>,
    %get3A_878 = arith.constant 464 : index
    %get3A_879 = tpu.vector_load %arg6[%get3A_878] {strides = array<i32>} : memref<512xi32, #tpu.memory_space<vmem>>, vector<16xi32>,
    %add3A_880 = arith.constant 300000 : i32
    %add3A_881 = vector.broadcast %add3A_880 : i32 to vector<16xi32>
    %add3A_882 = arith.addi %get3A_879, %add3A_881 : vector<16xi32>
    %swap3A_883 = arith.constant 2000 : index
    %swap3A_884 = tpu.vector_load %arg7[%swap3A_883] {strides = array<i32>} : memref<3072xi32, #tpu.memory_space<vmem>>, vector<16xi32>,
    tpu.vector_store %arg7[%swap3A_883], %add3A_882 {strides = array<i32>} : memref<3072xi32, #tpu.memory_space<vmem>>, vector<16xi32>,
    %get3A_885 = arith.constant 480 : index
    %get3A_886 = tpu.vector_load %arg6[%get3A_885] {strides = array<i32>} : memref<512xi32, #tpu.memory_space<vmem>>, vector<16xi32>,
    %add3A_887 = arith.constant 300000 : i32
    %add3A_888 = vector.broadcast %add3A_887 : i32 to vector<16xi32>
    %add3A_889 = arith.addi %get3A_886, %add3A_888 : vector<16xi32>
    %swap3A_890 = arith.constant 2016 : index
    %swap3A_891 = tpu.vector_load %arg7[%swap3A_890] {strides = array<i32>} : memref<3072xi32, #tpu.memory_space<vmem>>, vector<16xi32>,
    tpu.vector_store %arg7[%swap3A_890], %add3A_889 {strides = array<i32>} : memref<3072xi32, #tpu.memory_space<vmem>>, vector<16xi32>,
    %get3A_892 = arith.constant 496 : index
    %get3A_893 = tpu.vector_load %arg6[%get3A_892] {strides = array<i32>} : memref<512xi32, #tpu.memory_space<vmem>>, vector<16xi32>,
    %add3A_894 = arith.constant 300000 : i32
    %add3A_895 = vector.broadcast %add3A_894 : i32 to vector<16xi32>
    %add3A_896 = arith.addi %get3A_893, %add3A_895 : vector<16xi32>
    %swap3A_897 = arith.constant 2032 : index
    %swap3A_898 = tpu.vector_load %arg7[%swap3A_897] {strides = array<i32>} : memref<3072xi32, #tpu.memory_space<vmem>>, vector<16xi32>,
    tpu.vector_store %arg7[%swap3A_897], %add3A_896 {strides = array<i32>} : memref<3072xi32, #tpu.memory_space<vmem>>, vector<16xi32>,
    %get3A_899 = arith.constant 0 : index
    %get3A_900 = tpu.vector_load %arg6[%get3A_899] {strides = array<i32>} : memref<512xi32, #tpu.memory_space<vmem>>, vector<16xi32>,
    %add3A_901 = arith.constant 400000 : i32
    %add3A_902 = vector.broadcast %add3A_901 : i32 to vector<16xi32>
    %add3A_903 = arith.addi %get3A_900, %add3A_902 : vector<16xi32>
    %swap3A_904 = arith.constant 2048 : index
    %swap3A_905 = tpu.vector_load %arg7[%swap3A_904] {strides = array<i32>} : memref<3072xi32, #tpu.memory_space<vmem>>, vector<16xi32>,
    tpu.vector_store %arg7[%swap3A_904], %add3A_903 {strides = array<i32>} : memref<3072xi32, #tpu.memory_space<vmem>>, vector<16xi32>,
    %get3A_906 = arith.constant 16 : index
    %get3A_907 = tpu.vector_load %arg6[%get3A_906] {strides = array<i32>} : memref<512xi32, #tpu.memory_space<vmem>>, vector<16xi32>,
    %add3A_908 = arith.constant 400000 : i32
    %add3A_909 = vector.broadcast %add3A_908 : i32 to vector<16xi32>
    %add3A_910 = arith.addi %get3A_907, %add3A_909 : vector<16xi32>
    %swap3A_911 = arith.constant 2064 : index
    %swap3A_912 = tpu.vector_load %arg7[%swap3A_911] {strides = array<i32>} : memref<3072xi32, #tpu.memory_space<vmem>>, vector<16xi32>,
    tpu.vector_store %arg7[%swap3A_911], %add3A_910 {strides = array<i32>} : memref<3072xi32, #tpu.memory_space<vmem>>, vector<16xi32>,
    %get3A_913 = arith.constant 32 : index
    %get3A_914 = tpu.vector_load %arg6[%get3A_913] {strides = array<i32>} : memref<512xi32, #tpu.memory_space<vmem>>, vector<16xi32>,
    %add3A_915 = arith.constant 400000 : i32
    %add3A_916 = vector.broadcast %add3A_915 : i32 to vector<16xi32>
    %add3A_917 = arith.addi %get3A_914, %add3A_916 : vector<16xi32>
    %swap3A_918 = arith.constant 2080 : index
    %swap3A_919 = tpu.vector_load %arg7[%swap3A_918] {strides = array<i32>} : memref<3072xi32, #tpu.memory_space<vmem>>, vector<16xi32>,
    tpu.vector_store %arg7[%swap3A_918], %add3A_917 {strides = array<i32>} : memref<3072xi32, #tpu.memory_space<vmem>>, vector<16xi32>,
    %get3A_920 = arith.constant 48 : index
    %get3A_921 = tpu.vector_load %arg6[%get3A_920] {strides = array<i32>} : memref<512xi32, #tpu.memory_space<vmem>>, vector<16xi32>,
    %add3A_922 = arith.constant 400000 : i32
    %add3A_923 = vector.broadcast %add3A_922 : i32 to vector<16xi32>
    %add3A_924 = arith.addi %get3A_921, %add3A_923 : vector<16xi32>
    %swap3A_925 = arith.constant 2096 : index
    %swap3A_926 = tpu.vector_load %arg7[%swap3A_925] {strides = array<i32>} : memref<3072xi32, #tpu.memory_space<vmem>>, vector<16xi32>,
    tpu.vector_store %arg7[%swap3A_925], %add3A_924 {strides = array<i32>} : memref<3072xi32, #tpu.memory_space<vmem>>, vector<16xi32>,
    %get3A_927 = arith.constant 64 : index
    %get3A_928 = tpu.vector_load %arg6[%get3A_927] {strides = array<i32>} : memref<512xi32, #tpu.memory_space<vmem>>, vector<16xi32>,
    %add3A_929 = arith.constant 400000 : i32
    %add3A_930 = vector.broadcast %add3A_929 : i32 to vector<16xi32>
    %add3A_931 = arith.addi %get3A_928, %add3A_930 : vector<16xi32>
    %swap3A_932 = arith.constant 2112 : index
    %swap3A_933 = tpu.vector_load %arg7[%swap3A_932] {strides = array<i32>} : memref<3072xi32, #tpu.memory_space<vmem>>, vector<16xi32>,
    tpu.vector_store %arg7[%swap3A_932], %add3A_931 {strides = array<i32>} : memref<3072xi32, #tpu.memory_space<vmem>>, vector<16xi32>,
    %get3A_934 = arith.constant 80 : index
    %get3A_935 = tpu.vector_load %arg6[%get3A_934] {strides = array<i32>} : memref<512xi32, #tpu.memory_space<vmem>>, vector<16xi32>,
    %add3A_936 = arith.constant 400000 : i32
    %add3A_937 = vector.broadcast %add3A_936 : i32 to vector<16xi32>
    %add3A_938 = arith.addi %get3A_935, %add3A_937 : vector<16xi32>
    %swap3A_939 = arith.constant 2128 : index
    %swap3A_940 = tpu.vector_load %arg7[%swap3A_939] {strides = array<i32>} : memref<3072xi32, #tpu.memory_space<vmem>>, vector<16xi32>,
    tpu.vector_store %arg7[%swap3A_939], %add3A_938 {strides = array<i32>} : memref<3072xi32, #tpu.memory_space<vmem>>, vector<16xi32>,
    %get3A_941 = arith.constant 96 : index
    %get3A_942 = tpu.vector_load %arg6[%get3A_941] {strides = array<i32>} : memref<512xi32, #tpu.memory_space<vmem>>, vector<16xi32>,
    %add3A_943 = arith.constant 400000 : i32
    %add3A_944 = vector.broadcast %add3A_943 : i32 to vector<16xi32>
    %add3A_945 = arith.addi %get3A_942, %add3A_944 : vector<16xi32>
    %swap3A_946 = arith.constant 2144 : index
    %swap3A_947 = tpu.vector_load %arg7[%swap3A_946] {strides = array<i32>} : memref<3072xi32, #tpu.memory_space<vmem>>, vector<16xi32>,
    tpu.vector_store %arg7[%swap3A_946], %add3A_945 {strides = array<i32>} : memref<3072xi32, #tpu.memory_space<vmem>>, vector<16xi32>,
    %get3A_948 = arith.constant 112 : index
    %get3A_949 = tpu.vector_load %arg6[%get3A_948] {strides = array<i32>} : memref<512xi32, #tpu.memory_space<vmem>>, vector<16xi32>,
    %add3A_950 = arith.constant 400000 : i32
    %add3A_951 = vector.broadcast %add3A_950 : i32 to vector<16xi32>
    %add3A_952 = arith.addi %get3A_949, %add3A_951 : vector<16xi32>
    %swap3A_953 = arith.constant 2160 : index
    %swap3A_954 = tpu.vector_load %arg7[%swap3A_953] {strides = array<i32>} : memref<3072xi32, #tpu.memory_space<vmem>>, vector<16xi32>,
    tpu.vector_store %arg7[%swap3A_953], %add3A_952 {strides = array<i32>} : memref<3072xi32, #tpu.memory_space<vmem>>, vector<16xi32>,
    %get3A_955 = arith.constant 128 : index
    %get3A_956 = tpu.vector_load %arg6[%get3A_955] {strides = array<i32>} : memref<512xi32, #tpu.memory_space<vmem>>, vector<16xi32>,
    %add3A_957 = arith.constant 400000 : i32
    %add3A_958 = vector.broadcast %add3A_957 : i32 to vector<16xi32>
    %add3A_959 = arith.addi %get3A_956, %add3A_958 : vector<16xi32>
    %swap3A_960 = arith.constant 2176 : index
    %swap3A_961 = tpu.vector_load %arg7[%swap3A_960] {strides = array<i32>} : memref<3072xi32, #tpu.memory_space<vmem>>, vector<16xi32>,
    tpu.vector_store %arg7[%swap3A_960], %add3A_959 {strides = array<i32>} : memref<3072xi32, #tpu.memory_space<vmem>>, vector<16xi32>,
    %get3A_962 = arith.constant 144 : index
    %get3A_963 = tpu.vector_load %arg6[%get3A_962] {strides = array<i32>} : memref<512xi32, #tpu.memory_space<vmem>>, vector<16xi32>,
    %add3A_964 = arith.constant 400000 : i32
    %add3A_965 = vector.broadcast %add3A_964 : i32 to vector<16xi32>
    %add3A_966 = arith.addi %get3A_963, %add3A_965 : vector<16xi32>
    %swap3A_967 = arith.constant 2192 : index
    %swap3A_968 = tpu.vector_load %arg7[%swap3A_967] {strides = array<i32>} : memref<3072xi32, #tpu.memory_space<vmem>>, vector<16xi32>,
    tpu.vector_store %arg7[%swap3A_967], %add3A_966 {strides = array<i32>} : memref<3072xi32, #tpu.memory_space<vmem>>, vector<16xi32>,
    %get3A_969 = arith.constant 160 : index
    %get3A_970 = tpu.vector_load %arg6[%get3A_969] {strides = array<i32>} : memref<512xi32, #tpu.memory_space<vmem>>, vector<16xi32>,
    %add3A_971 = arith.constant 400000 : i32
    %add3A_972 = vector.broadcast %add3A_971 : i32 to vector<16xi32>
    %add3A_973 = arith.addi %get3A_970, %add3A_972 : vector<16xi32>
    %swap3A_974 = arith.constant 2208 : index
    %swap3A_975 = tpu.vector_load %arg7[%swap3A_974] {strides = array<i32>} : memref<3072xi32, #tpu.memory_space<vmem>>, vector<16xi32>,
    tpu.vector_store %arg7[%swap3A_974], %add3A_973 {strides = array<i32>} : memref<3072xi32, #tpu.memory_space<vmem>>, vector<16xi32>,
    %get3A_976 = arith.constant 176 : index
    %get3A_977 = tpu.vector_load %arg6[%get3A_976] {strides = array<i32>} : memref<512xi32, #tpu.memory_space<vmem>>, vector<16xi32>,
    %add3A_978 = arith.constant 400000 : i32
    %add3A_979 = vector.broadcast %add3A_978 : i32 to vector<16xi32>
    %add3A_980 = arith.addi %get3A_977, %add3A_979 : vector<16xi32>
    %swap3A_981 = arith.constant 2224 : index
    %swap3A_982 = tpu.vector_load %arg7[%swap3A_981] {strides = array<i32>} : memref<3072xi32, #tpu.memory_space<vmem>>, vector<16xi32>,
    tpu.vector_store %arg7[%swap3A_981], %add3A_980 {strides = array<i32>} : memref<3072xi32, #tpu.memory_space<vmem>>, vector<16xi32>,
    %get3A_983 = arith.constant 192 : index
    %get3A_984 = tpu.vector_load %arg6[%get3A_983] {strides = array<i32>} : memref<512xi32, #tpu.memory_space<vmem>>, vector<16xi32>,
    %add3A_985 = arith.constant 400000 : i32
    %add3A_986 = vector.broadcast %add3A_985 : i32 to vector<16xi32>
    %add3A_987 = arith.addi %get3A_984, %add3A_986 : vector<16xi32>
    %swap3A_988 = arith.constant 2240 : index
    %swap3A_989 = tpu.vector_load %arg7[%swap3A_988] {strides = array<i32>} : memref<3072xi32, #tpu.memory_space<vmem>>, vector<16xi32>,
    tpu.vector_store %arg7[%swap3A_988], %add3A_987 {strides = array<i32>} : memref<3072xi32, #tpu.memory_space<vmem>>, vector<16xi32>,
    %get3A_990 = arith.constant 208 : index
    %get3A_991 = tpu.vector_load %arg6[%get3A_990] {strides = array<i32>} : memref<512xi32, #tpu.memory_space<vmem>>, vector<16xi32>,
    %add3A_992 = arith.constant 400000 : i32
    %add3A_993 = vector.broadcast %add3A_992 : i32 to vector<16xi32>
    %add3A_994 = arith.addi %get3A_991, %add3A_993 : vector<16xi32>
    %swap3A_995 = arith.constant 2256 : index
    %swap3A_996 = tpu.vector_load %arg7[%swap3A_995] {strides = array<i32>} : memref<3072xi32, #tpu.memory_space<vmem>>, vector<16xi32>,
    tpu.vector_store %arg7[%swap3A_995], %add3A_994 {strides = array<i32>} : memref<3072xi32, #tpu.memory_space<vmem>>, vector<16xi32>,
    %get3A_997 = arith.constant 224 : index
    %get3A_998 = tpu.vector_load %arg6[%get3A_997] {strides = array<i32>} : memref<512xi32, #tpu.memory_space<vmem>>, vector<16xi32>,
    %add3A_999 = arith.constant 400000 : i32
    %add3A_1000 = vector.broadcast %add3A_999 : i32 to vector<16xi32>
    %add3A_1001 = arith.addi %get3A_998, %add3A_1000 : vector<16xi32>
    %swap3A_1002 = arith.constant 2272 : index
    %swap3A_1003 = tpu.vector_load %arg7[%swap3A_1002] {strides = array<i32>} : memref<3072xi32, #tpu.memory_space<vmem>>, vector<16xi32>,
    tpu.vector_store %arg7[%swap3A_1002], %add3A_1001 {strides = array<i32>} : memref<3072xi32, #tpu.memory_space<vmem>>, vector<16xi32>,
    %get3A_1004 = arith.constant 240 : index
    %get3A_1005 = tpu.vector_load %arg6[%get3A_1004] {strides = array<i32>} : memref<512xi32, #tpu.memory_space<vmem>>, vector<16xi32>,
    %add3A_1006 = arith.constant 400000 : i32
    %add3A_1007 = vector.broadcast %add3A_1006 : i32 to vector<16xi32>
    %add3A_1008 = arith.addi %get3A_1005, %add3A_1007 : vector<16xi32>
    %swap3A_1009 = arith.constant 2288 : index
    %swap3A_1010 = tpu.vector_load %arg7[%swap3A_1009] {strides = array<i32>} : memref<3072xi32, #tpu.memory_space<vmem>>, vector<16xi32>,
    tpu.vector_store %arg7[%swap3A_1009], %add3A_1008 {strides = array<i32>} : memref<3072xi32, #tpu.memory_space<vmem>>, vector<16xi32>,
    %get3A_1011 = arith.constant 256 : index
    %get3A_1012 = tpu.vector_load %arg6[%get3A_1011] {strides = array<i32>} : memref<512xi32, #tpu.memory_space<vmem>>, vector<16xi32>,
    %add3A_1013 = arith.constant 400000 : i32
    %add3A_1014 = vector.broadcast %add3A_1013 : i32 to vector<16xi32>
    %add3A_1015 = arith.addi %get3A_1012, %add3A_1014 : vector<16xi32>
    %swap3A_1016 = arith.constant 2304 : index
    %swap3A_1017 = tpu.vector_load %arg7[%swap3A_1016] {strides = array<i32>} : memref<3072xi32, #tpu.memory_space<vmem>>, vector<16xi32>,
    tpu.vector_store %arg7[%swap3A_1016], %add3A_1015 {strides = array<i32>} : memref<3072xi32, #tpu.memory_space<vmem>>, vector<16xi32>,
    %get3A_1018 = arith.constant 272 : index
    %get3A_1019 = tpu.vector_load %arg6[%get3A_1018] {strides = array<i32>} : memref<512xi32, #tpu.memory_space<vmem>>, vector<16xi32>,
    %add3A_1020 = arith.constant 400000 : i32
    %add3A_1021 = vector.broadcast %add3A_1020 : i32 to vector<16xi32>
    %add3A_1022 = arith.addi %get3A_1019, %add3A_1021 : vector<16xi32>
    %swap3A_1023 = arith.constant 2320 : index
    %swap3A_1024 = tpu.vector_load %arg7[%swap3A_1023] {strides = array<i32>} : memref<3072xi32, #tpu.memory_space<vmem>>, vector<16xi32>,
    tpu.vector_store %arg7[%swap3A_1023], %add3A_1022 {strides = array<i32>} : memref<3072xi32, #tpu.memory_space<vmem>>, vector<16xi32>,
    %get3A_1025 = arith.constant 288 : index
    %get3A_1026 = tpu.vector_load %arg6[%get3A_1025] {strides = array<i32>} : memref<512xi32, #tpu.memory_space<vmem>>, vector<16xi32>,
    %add3A_1027 = arith.constant 400000 : i32
    %add3A_1028 = vector.broadcast %add3A_1027 : i32 to vector<16xi32>
    %add3A_1029 = arith.addi %get3A_1026, %add3A_1028 : vector<16xi32>
    %swap3A_1030 = arith.constant 2336 : index
    %swap3A_1031 = tpu.vector_load %arg7[%swap3A_1030] {strides = array<i32>} : memref<3072xi32, #tpu.memory_space<vmem>>, vector<16xi32>,
    tpu.vector_store %arg7[%swap3A_1030], %add3A_1029 {strides = array<i32>} : memref<3072xi32, #tpu.memory_space<vmem>>, vector<16xi32>,
    %get3A_1032 = arith.constant 304 : index
    %get3A_1033 = tpu.vector_load %arg6[%get3A_1032] {strides = array<i32>} : memref<512xi32, #tpu.memory_space<vmem>>, vector<16xi32>,
    %add3A_1034 = arith.constant 400000 : i32
    %add3A_1035 = vector.broadcast %add3A_1034 : i32 to vector<16xi32>
    %add3A_1036 = arith.addi %get3A_1033, %add3A_1035 : vector<16xi32>
    %swap3A_1037 = arith.constant 2352 : index
    %swap3A_1038 = tpu.vector_load %arg7[%swap3A_1037] {strides = array<i32>} : memref<3072xi32, #tpu.memory_space<vmem>>, vector<16xi32>,
    tpu.vector_store %arg7[%swap3A_1037], %add3A_1036 {strides = array<i32>} : memref<3072xi32, #tpu.memory_space<vmem>>, vector<16xi32>,
    %get3A_1039 = arith.constant 320 : index
    %get3A_1040 = tpu.vector_load %arg6[%get3A_1039] {strides = array<i32>} : memref<512xi32, #tpu.memory_space<vmem>>, vector<16xi32>,
    %add3A_1041 = arith.constant 400000 : i32
    %add3A_1042 = vector.broadcast %add3A_1041 : i32 to vector<16xi32>
    %add3A_1043 = arith.addi %get3A_1040, %add3A_1042 : vector<16xi32>
    %swap3A_1044 = arith.constant 2368 : index
    %swap3A_1045 = tpu.vector_load %arg7[%swap3A_1044] {strides = array<i32>} : memref<3072xi32, #tpu.memory_space<vmem>>, vector<16xi32>,
    tpu.vector_store %arg7[%swap3A_1044], %add3A_1043 {strides = array<i32>} : memref<3072xi32, #tpu.memory_space<vmem>>, vector<16xi32>,
    %get3A_1046 = arith.constant 336 : index
    %get3A_1047 = tpu.vector_load %arg6[%get3A_1046] {strides = array<i32>} : memref<512xi32, #tpu.memory_space<vmem>>, vector<16xi32>,
    %add3A_1048 = arith.constant 400000 : i32
    %add3A_1049 = vector.broadcast %add3A_1048 : i32 to vector<16xi32>
    %add3A_1050 = arith.addi %get3A_1047, %add3A_1049 : vector<16xi32>
    %swap3A_1051 = arith.constant 2384 : index
    %swap3A_1052 = tpu.vector_load %arg7[%swap3A_1051] {strides = array<i32>} : memref<3072xi32, #tpu.memory_space<vmem>>, vector<16xi32>,
    tpu.vector_store %arg7[%swap3A_1051], %add3A_1050 {strides = array<i32>} : memref<3072xi32, #tpu.memory_space<vmem>>, vector<16xi32>,
    %get3A_1053 = arith.constant 352 : index
    %get3A_1054 = tpu.vector_load %arg6[%get3A_1053] {strides = array<i32>} : memref<512xi32, #tpu.memory_space<vmem>>, vector<16xi32>,
    %add3A_1055 = arith.constant 400000 : i32
    %add3A_1056 = vector.broadcast %add3A_1055 : i32 to vector<16xi32>
    %add3A_1057 = arith.addi %get3A_1054, %add3A_1056 : vector<16xi32>
    %swap3A_1058 = arith.constant 2400 : index
    %swap3A_1059 = tpu.vector_load %arg7[%swap3A_1058] {strides = array<i32>} : memref<3072xi32, #tpu.memory_space<vmem>>, vector<16xi32>,
    tpu.vector_store %arg7[%swap3A_1058], %add3A_1057 {strides = array<i32>} : memref<3072xi32, #tpu.memory_space<vmem>>, vector<16xi32>,
    %get3A_1060 = arith.constant 368 : index
    %get3A_1061 = tpu.vector_load %arg6[%get3A_1060] {strides = array<i32>} : memref<512xi32, #tpu.memory_space<vmem>>, vector<16xi32>,
    %add3A_1062 = arith.constant 400000 : i32
    %add3A_1063 = vector.broadcast %add3A_1062 : i32 to vector<16xi32>
    %add3A_1064 = arith.addi %get3A_1061, %add3A_1063 : vector<16xi32>
    %swap3A_1065 = arith.constant 2416 : index
    %swap3A_1066 = tpu.vector_load %arg7[%swap3A_1065] {strides = array<i32>} : memref<3072xi32, #tpu.memory_space<vmem>>, vector<16xi32>,
    tpu.vector_store %arg7[%swap3A_1065], %add3A_1064 {strides = array<i32>} : memref<3072xi32, #tpu.memory_space<vmem>>, vector<16xi32>,
    %get3A_1067 = arith.constant 384 : index
    %get3A_1068 = tpu.vector_load %arg6[%get3A_1067] {strides = array<i32>} : memref<512xi32, #tpu.memory_space<vmem>>, vector<16xi32>,
    %add3A_1069 = arith.constant 400000 : i32
    %add3A_1070 = vector.broadcast %add3A_1069 : i32 to vector<16xi32>
    %add3A_1071 = arith.addi %get3A_1068, %add3A_1070 : vector<16xi32>
    %swap3A_1072 = arith.constant 2432 : index
    %swap3A_1073 = tpu.vector_load %arg7[%swap3A_1072] {strides = array<i32>} : memref<3072xi32, #tpu.memory_space<vmem>>, vector<16xi32>,
    tpu.vector_store %arg7[%swap3A_1072], %add3A_1071 {strides = array<i32>} : memref<3072xi32, #tpu.memory_space<vmem>>, vector<16xi32>,
    %get3A_1074 = arith.constant 400 : index
    %get3A_1075 = tpu.vector_load %arg6[%get3A_1074] {strides = array<i32>} : memref<512xi32, #tpu.memory_space<vmem>>, vector<16xi32>,
    %add3A_1076 = arith.constant 400000 : i32
    %add3A_1077 = vector.broadcast %add3A_1076 : i32 to vector<16xi32>
    %add3A_1078 = arith.addi %get3A_1075, %add3A_1077 : vector<16xi32>
    %swap3A_1079 = arith.constant 2448 : index
    %swap3A_1080 = tpu.vector_load %arg7[%swap3A_1079] {strides = array<i32>} : memref<3072xi32, #tpu.memory_space<vmem>>, vector<16xi32>,
    tpu.vector_store %arg7[%swap3A_1079], %add3A_1078 {strides = array<i32>} : memref<3072xi32, #tpu.memory_space<vmem>>, vector<16xi32>,
    %get3A_1081 = arith.constant 416 : index
    %get3A_1082 = tpu.vector_load %arg6[%get3A_1081] {strides = array<i32>} : memref<512xi32, #tpu.memory_space<vmem>>, vector<16xi32>,
    %add3A_1083 = arith.constant 400000 : i32
    %add3A_1084 = vector.broadcast %add3A_1083 : i32 to vector<16xi32>
    %add3A_1085 = arith.addi %get3A_1082, %add3A_1084 : vector<16xi32>
    %swap3A_1086 = arith.constant 2464 : index
    %swap3A_1087 = tpu.vector_load %arg7[%swap3A_1086] {strides = array<i32>} : memref<3072xi32, #tpu.memory_space<vmem>>, vector<16xi32>,
    tpu.vector_store %arg7[%swap3A_1086], %add3A_1085 {strides = array<i32>} : memref<3072xi32, #tpu.memory_space<vmem>>, vector<16xi32>,
    %get3A_1088 = arith.constant 432 : index
    %get3A_1089 = tpu.vector_load %arg6[%get3A_1088] {strides = array<i32>} : memref<512xi32, #tpu.memory_space<vmem>>, vector<16xi32>,
    %add3A_1090 = arith.constant 400000 : i32
    %add3A_1091 = vector.broadcast %add3A_1090 : i32 to vector<16xi32>
    %add3A_1092 = arith.addi %get3A_1089, %add3A_1091 : vector<16xi32>
    %swap3A_1093 = arith.constant 2480 : index
    %swap3A_1094 = tpu.vector_load %arg7[%swap3A_1093] {strides = array<i32>} : memref<3072xi32, #tpu.memory_space<vmem>>, vector<16xi32>,
    tpu.vector_store %arg7[%swap3A_1093], %add3A_1092 {strides = array<i32>} : memref<3072xi32, #tpu.memory_space<vmem>>, vector<16xi32>,
    %get3A_1095 = arith.constant 448 : index
    %get3A_1096 = tpu.vector_load %arg6[%get3A_1095] {strides = array<i32>} : memref<512xi32, #tpu.memory_space<vmem>>, vector<16xi32>,
    %add3A_1097 = arith.constant 400000 : i32
    %add3A_1098 = vector.broadcast %add3A_1097 : i32 to vector<16xi32>
    %add3A_1099 = arith.addi %get3A_1096, %add3A_1098 : vector<16xi32>
    %swap3A_1100 = arith.constant 2496 : index
    %swap3A_1101 = tpu.vector_load %arg7[%swap3A_1100] {strides = array<i32>} : memref<3072xi32, #tpu.memory_space<vmem>>, vector<16xi32>,
    tpu.vector_store %arg7[%swap3A_1100], %add3A_1099 {strides = array<i32>} : memref<3072xi32, #tpu.memory_space<vmem>>, vector<16xi32>,
    %get3A_1102 = arith.constant 464 : index
    %get3A_1103 = tpu.vector_load %arg6[%get3A_1102] {strides = array<i32>} : memref<512xi32, #tpu.memory_space<vmem>>, vector<16xi32>,
    %add3A_1104 = arith.constant 400000 : i32
    %add3A_1105 = vector.broadcast %add3A_1104 : i32 to vector<16xi32>
    %add3A_1106 = arith.addi %get3A_1103, %add3A_1105 : vector<16xi32>
    %swap3A_1107 = arith.constant 2512 : index
    %swap3A_1108 = tpu.vector_load %arg7[%swap3A_1107] {strides = array<i32>} : memref<3072xi32, #tpu.memory_space<vmem>>, vector<16xi32>,
    tpu.vector_store %arg7[%swap3A_1107], %add3A_1106 {strides = array<i32>} : memref<3072xi32, #tpu.memory_space<vmem>>, vector<16xi32>,
    %get3A_1109 = arith.constant 480 : index
    %get3A_1110 = tpu.vector_load %arg6[%get3A_1109] {strides = array<i32>} : memref<512xi32, #tpu.memory_space<vmem>>, vector<16xi32>,
    %add3A_1111 = arith.constant 400000 : i32
    %add3A_1112 = vector.broadcast %add3A_1111 : i32 to vector<16xi32>
    %add3A_1113 = arith.addi %get3A_1110, %add3A_1112 : vector<16xi32>
    %swap3A_1114 = arith.constant 2528 : index
    %swap3A_1115 = tpu.vector_load %arg7[%swap3A_1114] {strides = array<i32>} : memref<3072xi32, #tpu.memory_space<vmem>>, vector<16xi32>,
    tpu.vector_store %arg7[%swap3A_1114], %add3A_1113 {strides = array<i32>} : memref<3072xi32, #tpu.memory_space<vmem>>, vector<16xi32>,
    %get3A_1116 = arith.constant 496 : index
    %get3A_1117 = tpu.vector_load %arg6[%get3A_1116] {strides = array<i32>} : memref<512xi32, #tpu.memory_space<vmem>>, vector<16xi32>,
    %add3A_1118 = arith.constant 400000 : i32
    %add3A_1119 = vector.broadcast %add3A_1118 : i32 to vector<16xi32>
    %add3A_1120 = arith.addi %get3A_1117, %add3A_1119 : vector<16xi32>
    %swap3A_1121 = arith.constant 2544 : index
    %swap3A_1122 = tpu.vector_load %arg7[%swap3A_1121] {strides = array<i32>} : memref<3072xi32, #tpu.memory_space<vmem>>, vector<16xi32>,
    tpu.vector_store %arg7[%swap3A_1121], %add3A_1120 {strides = array<i32>} : memref<3072xi32, #tpu.memory_space<vmem>>, vector<16xi32>,
    %get3A_1123 = arith.constant 0 : index
    %get3A_1124 = tpu.vector_load %arg6[%get3A_1123] {strides = array<i32>} : memref<512xi32, #tpu.memory_space<vmem>>, vector<16xi32>,
    %add3A_1125 = arith.constant 500000 : i32
    %add3A_1126 = vector.broadcast %add3A_1125 : i32 to vector<16xi32>
    %add3A_1127 = arith.addi %get3A_1124, %add3A_1126 : vector<16xi32>
    %swap3A_1128 = arith.constant 2560 : index
    %swap3A_1129 = tpu.vector_load %arg7[%swap3A_1128] {strides = array<i32>} : memref<3072xi32, #tpu.memory_space<vmem>>, vector<16xi32>,
    tpu.vector_store %arg7[%swap3A_1128], %add3A_1127 {strides = array<i32>} : memref<3072xi32, #tpu.memory_space<vmem>>, vector<16xi32>,
    %get3A_1130 = arith.constant 16 : index
    %get3A_1131 = tpu.vector_load %arg6[%get3A_1130] {strides = array<i32>} : memref<512xi32, #tpu.memory_space<vmem>>, vector<16xi32>,
    %add3A_1132 = arith.constant 500000 : i32
    %add3A_1133 = vector.broadcast %add3A_1132 : i32 to vector<16xi32>
    %add3A_1134 = arith.addi %get3A_1131, %add3A_1133 : vector<16xi32>
    %swap3A_1135 = arith.constant 2576 : index
    %swap3A_1136 = tpu.vector_load %arg7[%swap3A_1135] {strides = array<i32>} : memref<3072xi32, #tpu.memory_space<vmem>>, vector<16xi32>,
    tpu.vector_store %arg7[%swap3A_1135], %add3A_1134 {strides = array<i32>} : memref<3072xi32, #tpu.memory_space<vmem>>, vector<16xi32>,
    %get3A_1137 = arith.constant 32 : index
    %get3A_1138 = tpu.vector_load %arg6[%get3A_1137] {strides = array<i32>} : memref<512xi32, #tpu.memory_space<vmem>>, vector<16xi32>,
    %add3A_1139 = arith.constant 500000 : i32
    %add3A_1140 = vector.broadcast %add3A_1139 : i32 to vector<16xi32>
    %add3A_1141 = arith.addi %get3A_1138, %add3A_1140 : vector<16xi32>
    %swap3A_1142 = arith.constant 2592 : index
    %swap3A_1143 = tpu.vector_load %arg7[%swap3A_1142] {strides = array<i32>} : memref<3072xi32, #tpu.memory_space<vmem>>, vector<16xi32>,
    tpu.vector_store %arg7[%swap3A_1142], %add3A_1141 {strides = array<i32>} : memref<3072xi32, #tpu.memory_space<vmem>>, vector<16xi32>,
    %get3A_1144 = arith.constant 48 : index
    %get3A_1145 = tpu.vector_load %arg6[%get3A_1144] {strides = array<i32>} : memref<512xi32, #tpu.memory_space<vmem>>, vector<16xi32>,
    %add3A_1146 = arith.constant 500000 : i32
    %add3A_1147 = vector.broadcast %add3A_1146 : i32 to vector<16xi32>
    %add3A_1148 = arith.addi %get3A_1145, %add3A_1147 : vector<16xi32>
    %swap3A_1149 = arith.constant 2608 : index
    %swap3A_1150 = tpu.vector_load %arg7[%swap3A_1149] {strides = array<i32>} : memref<3072xi32, #tpu.memory_space<vmem>>, vector<16xi32>,
    tpu.vector_store %arg7[%swap3A_1149], %add3A_1148 {strides = array<i32>} : memref<3072xi32, #tpu.memory_space<vmem>>, vector<16xi32>,
    %get3A_1151 = arith.constant 64 : index
    %get3A_1152 = tpu.vector_load %arg6[%get3A_1151] {strides = array<i32>} : memref<512xi32, #tpu.memory_space<vmem>>, vector<16xi32>,
    %add3A_1153 = arith.constant 500000 : i32
    %add3A_1154 = vector.broadcast %add3A_1153 : i32 to vector<16xi32>
    %add3A_1155 = arith.addi %get3A_1152, %add3A_1154 : vector<16xi32>
    %swap3A_1156 = arith.constant 2624 : index
    %swap3A_1157 = tpu.vector_load %arg7[%swap3A_1156] {strides = array<i32>} : memref<3072xi32, #tpu.memory_space<vmem>>, vector<16xi32>,
    tpu.vector_store %arg7[%swap3A_1156], %add3A_1155 {strides = array<i32>} : memref<3072xi32, #tpu.memory_space<vmem>>, vector<16xi32>,
    %get3A_1158 = arith.constant 80 : index
    %get3A_1159 = tpu.vector_load %arg6[%get3A_1158] {strides = array<i32>} : memref<512xi32, #tpu.memory_space<vmem>>, vector<16xi32>,
    %add3A_1160 = arith.constant 500000 : i32
    %add3A_1161 = vector.broadcast %add3A_1160 : i32 to vector<16xi32>
    %add3A_1162 = arith.addi %get3A_1159, %add3A_1161 : vector<16xi32>
    %swap3A_1163 = arith.constant 2640 : index
    %swap3A_1164 = tpu.vector_load %arg7[%swap3A_1163] {strides = array<i32>} : memref<3072xi32, #tpu.memory_space<vmem>>, vector<16xi32>,
    tpu.vector_store %arg7[%swap3A_1163], %add3A_1162 {strides = array<i32>} : memref<3072xi32, #tpu.memory_space<vmem>>, vector<16xi32>,
    %get3A_1165 = arith.constant 96 : index
    %get3A_1166 = tpu.vector_load %arg6[%get3A_1165] {strides = array<i32>} : memref<512xi32, #tpu.memory_space<vmem>>, vector<16xi32>,
    %add3A_1167 = arith.constant 500000 : i32
    %add3A_1168 = vector.broadcast %add3A_1167 : i32 to vector<16xi32>
    %add3A_1169 = arith.addi %get3A_1166, %add3A_1168 : vector<16xi32>
    %swap3A_1170 = arith.constant 2656 : index
    %swap3A_1171 = tpu.vector_load %arg7[%swap3A_1170] {strides = array<i32>} : memref<3072xi32, #tpu.memory_space<vmem>>, vector<16xi32>,
    tpu.vector_store %arg7[%swap3A_1170], %add3A_1169 {strides = array<i32>} : memref<3072xi32, #tpu.memory_space<vmem>>, vector<16xi32>,
    %get3A_1172 = arith.constant 112 : index
    %get3A_1173 = tpu.vector_load %arg6[%get3A_1172] {strides = array<i32>} : memref<512xi32, #tpu.memory_space<vmem>>, vector<16xi32>,
    %add3A_1174 = arith.constant 500000 : i32
    %add3A_1175 = vector.broadcast %add3A_1174 : i32 to vector<16xi32>
    %add3A_1176 = arith.addi %get3A_1173, %add3A_1175 : vector<16xi32>
    %swap3A_1177 = arith.constant 2672 : index
    %swap3A_1178 = tpu.vector_load %arg7[%swap3A_1177] {strides = array<i32>} : memref<3072xi32, #tpu.memory_space<vmem>>, vector<16xi32>,
    tpu.vector_store %arg7[%swap3A_1177], %add3A_1176 {strides = array<i32>} : memref<3072xi32, #tpu.memory_space<vmem>>, vector<16xi32>,
    %get3A_1179 = arith.constant 128 : index
    %get3A_1180 = tpu.vector_load %arg6[%get3A_1179] {strides = array<i32>} : memref<512xi32, #tpu.memory_space<vmem>>, vector<16xi32>,
    %add3A_1181 = arith.constant 500000 : i32
    %add3A_1182 = vector.broadcast %add3A_1181 : i32 to vector<16xi32>
    %add3A_1183 = arith.addi %get3A_1180, %add3A_1182 : vector<16xi32>
    %swap3A_1184 = arith.constant 2688 : index
    %swap3A_1185 = tpu.vector_load %arg7[%swap3A_1184] {strides = array<i32>} : memref<3072xi32, #tpu.memory_space<vmem>>, vector<16xi32>,
    tpu.vector_store %arg7[%swap3A_1184], %add3A_1183 {strides = array<i32>} : memref<3072xi32, #tpu.memory_space<vmem>>, vector<16xi32>,
    %get3A_1186 = arith.constant 144 : index
    %get3A_1187 = tpu.vector_load %arg6[%get3A_1186] {strides = array<i32>} : memref<512xi32, #tpu.memory_space<vmem>>, vector<16xi32>,
    %add3A_1188 = arith.constant 500000 : i32
    %add3A_1189 = vector.broadcast %add3A_1188 : i32 to vector<16xi32>
    %add3A_1190 = arith.addi %get3A_1187, %add3A_1189 : vector<16xi32>
    %swap3A_1191 = arith.constant 2704 : index
    %swap3A_1192 = tpu.vector_load %arg7[%swap3A_1191] {strides = array<i32>} : memref<3072xi32, #tpu.memory_space<vmem>>, vector<16xi32>,
    tpu.vector_store %arg7[%swap3A_1191], %add3A_1190 {strides = array<i32>} : memref<3072xi32, #tpu.memory_space<vmem>>, vector<16xi32>,
    %get3A_1193 = arith.constant 160 : index
    %get3A_1194 = tpu.vector_load %arg6[%get3A_1193] {strides = array<i32>} : memref<512xi32, #tpu.memory_space<vmem>>, vector<16xi32>,
    %add3A_1195 = arith.constant 500000 : i32
    %add3A_1196 = vector.broadcast %add3A_1195 : i32 to vector<16xi32>
    %add3A_1197 = arith.addi %get3A_1194, %add3A_1196 : vector<16xi32>
    %swap3A_1198 = arith.constant 2720 : index
    %swap3A_1199 = tpu.vector_load %arg7[%swap3A_1198] {strides = array<i32>} : memref<3072xi32, #tpu.memory_space<vmem>>, vector<16xi32>,
    tpu.vector_store %arg7[%swap3A_1198], %add3A_1197 {strides = array<i32>} : memref<3072xi32, #tpu.memory_space<vmem>>, vector<16xi32>,
    %get3A_1200 = arith.constant 176 : index
    %get3A_1201 = tpu.vector_load %arg6[%get3A_1200] {strides = array<i32>} : memref<512xi32, #tpu.memory_space<vmem>>, vector<16xi32>,
    %add3A_1202 = arith.constant 500000 : i32
    %add3A_1203 = vector.broadcast %add3A_1202 : i32 to vector<16xi32>
    %add3A_1204 = arith.addi %get3A_1201, %add3A_1203 : vector<16xi32>
    %swap3A_1205 = arith.constant 2736 : index
    %swap3A_1206 = tpu.vector_load %arg7[%swap3A_1205] {strides = array<i32>} : memref<3072xi32, #tpu.memory_space<vmem>>, vector<16xi32>,
    tpu.vector_store %arg7[%swap3A_1205], %add3A_1204 {strides = array<i32>} : memref<3072xi32, #tpu.memory_space<vmem>>, vector<16xi32>,
    %get3A_1207 = arith.constant 192 : index
    %get3A_1208 = tpu.vector_load %arg6[%get3A_1207] {strides = array<i32>} : memref<512xi32, #tpu.memory_space<vmem>>, vector<16xi32>,
    %add3A_1209 = arith.constant 500000 : i32
    %add3A_1210 = vector.broadcast %add3A_1209 : i32 to vector<16xi32>
    %add3A_1211 = arith.addi %get3A_1208, %add3A_1210 : vector<16xi32>
    %swap3A_1212 = arith.constant 2752 : index
    %swap3A_1213 = tpu.vector_load %arg7[%swap3A_1212] {strides = array<i32>} : memref<3072xi32, #tpu.memory_space<vmem>>, vector<16xi32>,
    tpu.vector_store %arg7[%swap3A_1212], %add3A_1211 {strides = array<i32>} : memref<3072xi32, #tpu.memory_space<vmem>>, vector<16xi32>,
    %get3A_1214 = arith.constant 208 : index
    %get3A_1215 = tpu.vector_load %arg6[%get3A_1214] {strides = array<i32>} : memref<512xi32, #tpu.memory_space<vmem>>, vector<16xi32>,
    %add3A_1216 = arith.constant 500000 : i32
    %add3A_1217 = vector.broadcast %add3A_1216 : i32 to vector<16xi32>
    %add3A_1218 = arith.addi %get3A_1215, %add3A_1217 : vector<16xi32>
    %swap3A_1219 = arith.constant 2768 : index
    %swap3A_1220 = tpu.vector_load %arg7[%swap3A_1219] {strides = array<i32>} : memref<3072xi32, #tpu.memory_space<vmem>>, vector<16xi32>,
    tpu.vector_store %arg7[%swap3A_1219], %add3A_1218 {strides = array<i32>} : memref<3072xi32, #tpu.memory_space<vmem>>, vector<16xi32>,
    %get3A_1221 = arith.constant 224 : index
    %get3A_1222 = tpu.vector_load %arg6[%get3A_1221] {strides = array<i32>} : memref<512xi32, #tpu.memory_space<vmem>>, vector<16xi32>,
    %add3A_1223 = arith.constant 500000 : i32
    %add3A_1224 = vector.broadcast %add3A_1223 : i32 to vector<16xi32>
    %add3A_1225 = arith.addi %get3A_1222, %add3A_1224 : vector<16xi32>
    %swap3A_1226 = arith.constant 2784 : index
    %swap3A_1227 = tpu.vector_load %arg7[%swap3A_1226] {strides = array<i32>} : memref<3072xi32, #tpu.memory_space<vmem>>, vector<16xi32>,
    tpu.vector_store %arg7[%swap3A_1226], %add3A_1225 {strides = array<i32>} : memref<3072xi32, #tpu.memory_space<vmem>>, vector<16xi32>,
    %get3A_1228 = arith.constant 240 : index
    %get3A_1229 = tpu.vector_load %arg6[%get3A_1228] {strides = array<i32>} : memref<512xi32, #tpu.memory_space<vmem>>, vector<16xi32>,
    %add3A_1230 = arith.constant 500000 : i32
    %add3A_1231 = vector.broadcast %add3A_1230 : i32 to vector<16xi32>
    %add3A_1232 = arith.addi %get3A_1229, %add3A_1231 : vector<16xi32>
    %swap3A_1233 = arith.constant 2800 : index
    %swap3A_1234 = tpu.vector_load %arg7[%swap3A_1233] {strides = array<i32>} : memref<3072xi32, #tpu.memory_space<vmem>>, vector<16xi32>,
    tpu.vector_store %arg7[%swap3A_1233], %add3A_1232 {strides = array<i32>} : memref<3072xi32, #tpu.memory_space<vmem>>, vector<16xi32>,
    %get3A_1235 = arith.constant 256 : index
    %get3A_1236 = tpu.vector_load %arg6[%get3A_1235] {strides = array<i32>} : memref<512xi32, #tpu.memory_space<vmem>>, vector<16xi32>,
    %add3A_1237 = arith.constant 500000 : i32
    %add3A_1238 = vector.broadcast %add3A_1237 : i32 to vector<16xi32>
    %add3A_1239 = arith.addi %get3A_1236, %add3A_1238 : vector<16xi32>
    %swap3A_1240 = arith.constant 2816 : index
    %swap3A_1241 = tpu.vector_load %arg7[%swap3A_1240] {strides = array<i32>} : memref<3072xi32, #tpu.memory_space<vmem>>, vector<16xi32>,
    tpu.vector_store %arg7[%swap3A_1240], %add3A_1239 {strides = array<i32>} : memref<3072xi32, #tpu.memory_space<vmem>>, vector<16xi32>,
    %get3A_1242 = arith.constant 272 : index
    %get3A_1243 = tpu.vector_load %arg6[%get3A_1242] {strides = array<i32>} : memref<512xi32, #tpu.memory_space<vmem>>, vector<16xi32>,
    %add3A_1244 = arith.constant 500000 : i32
    %add3A_1245 = vector.broadcast %add3A_1244 : i32 to vector<16xi32>
    %add3A_1246 = arith.addi %get3A_1243, %add3A_1245 : vector<16xi32>
    %swap3A_1247 = arith.constant 2832 : index
    %swap3A_1248 = tpu.vector_load %arg7[%swap3A_1247] {strides = array<i32>} : memref<3072xi32, #tpu.memory_space<vmem>>, vector<16xi32>,
    tpu.vector_store %arg7[%swap3A_1247], %add3A_1246 {strides = array<i32>} : memref<3072xi32, #tpu.memory_space<vmem>>, vector<16xi32>,
    %get3A_1249 = arith.constant 288 : index
    %get3A_1250 = tpu.vector_load %arg6[%get3A_1249] {strides = array<i32>} : memref<512xi32, #tpu.memory_space<vmem>>, vector<16xi32>,
    %add3A_1251 = arith.constant 500000 : i32
    %add3A_1252 = vector.broadcast %add3A_1251 : i32 to vector<16xi32>
    %add3A_1253 = arith.addi %get3A_1250, %add3A_1252 : vector<16xi32>
    %swap3A_1254 = arith.constant 2848 : index
    %swap3A_1255 = tpu.vector_load %arg7[%swap3A_1254] {strides = array<i32>} : memref<3072xi32, #tpu.memory_space<vmem>>, vector<16xi32>,
    tpu.vector_store %arg7[%swap3A_1254], %add3A_1253 {strides = array<i32>} : memref<3072xi32, #tpu.memory_space<vmem>>, vector<16xi32>,
    %get3A_1256 = arith.constant 304 : index
    %get3A_1257 = tpu.vector_load %arg6[%get3A_1256] {strides = array<i32>} : memref<512xi32, #tpu.memory_space<vmem>>, vector<16xi32>,
    %add3A_1258 = arith.constant 500000 : i32
    %add3A_1259 = vector.broadcast %add3A_1258 : i32 to vector<16xi32>
    %add3A_1260 = arith.addi %get3A_1257, %add3A_1259 : vector<16xi32>
    %swap3A_1261 = arith.constant 2864 : index
    %swap3A_1262 = tpu.vector_load %arg7[%swap3A_1261] {strides = array<i32>} : memref<3072xi32, #tpu.memory_space<vmem>>, vector<16xi32>,
    tpu.vector_store %arg7[%swap3A_1261], %add3A_1260 {strides = array<i32>} : memref<3072xi32, #tpu.memory_space<vmem>>, vector<16xi32>,
    %get3A_1263 = arith.constant 320 : index
    %get3A_1264 = tpu.vector_load %arg6[%get3A_1263] {strides = array<i32>} : memref<512xi32, #tpu.memory_space<vmem>>, vector<16xi32>,
    %add3A_1265 = arith.constant 500000 : i32
    %add3A_1266 = vector.broadcast %add3A_1265 : i32 to vector<16xi32>
    %add3A_1267 = arith.addi %get3A_1264, %add3A_1266 : vector<16xi32>
    %swap3A_1268 = arith.constant 2880 : index
    %swap3A_1269 = tpu.vector_load %arg7[%swap3A_1268] {strides = array<i32>} : memref<3072xi32, #tpu.memory_space<vmem>>, vector<16xi32>,
    tpu.vector_store %arg7[%swap3A_1268], %add3A_1267 {strides = array<i32>} : memref<3072xi32, #tpu.memory_space<vmem>>, vector<16xi32>,
    %get3A_1270 = arith.constant 336 : index
    %get3A_1271 = tpu.vector_load %arg6[%get3A_1270] {strides = array<i32>} : memref<512xi32, #tpu.memory_space<vmem>>, vector<16xi32>,
    %add3A_1272 = arith.constant 500000 : i32
    %add3A_1273 = vector.broadcast %add3A_1272 : i32 to vector<16xi32>
    %add3A_1274 = arith.addi %get3A_1271, %add3A_1273 : vector<16xi32>
    %swap3A_1275 = arith.constant 2896 : index
    %swap3A_1276 = tpu.vector_load %arg7[%swap3A_1275] {strides = array<i32>} : memref<3072xi32, #tpu.memory_space<vmem>>, vector<16xi32>,
    tpu.vector_store %arg7[%swap3A_1275], %add3A_1274 {strides = array<i32>} : memref<3072xi32, #tpu.memory_space<vmem>>, vector<16xi32>,
    %get3A_1277 = arith.constant 352 : index
    %get3A_1278 = tpu.vector_load %arg6[%get3A_1277] {strides = array<i32>} : memref<512xi32, #tpu.memory_space<vmem>>, vector<16xi32>,
    %add3A_1279 = arith.constant 500000 : i32
    %add3A_1280 = vector.broadcast %add3A_1279 : i32 to vector<16xi32>
    %add3A_1281 = arith.addi %get3A_1278, %add3A_1280 : vector<16xi32>
    %swap3A_1282 = arith.constant 2912 : index
    %swap3A_1283 = tpu.vector_load %arg7[%swap3A_1282] {strides = array<i32>} : memref<3072xi32, #tpu.memory_space<vmem>>, vector<16xi32>,
    tpu.vector_store %arg7[%swap3A_1282], %add3A_1281 {strides = array<i32>} : memref<3072xi32, #tpu.memory_space<vmem>>, vector<16xi32>,
    %get3A_1284 = arith.constant 368 : index
    %get3A_1285 = tpu.vector_load %arg6[%get3A_1284] {strides = array<i32>} : memref<512xi32, #tpu.memory_space<vmem>>, vector<16xi32>,
    %add3A_1286 = arith.constant 500000 : i32
    %add3A_1287 = vector.broadcast %add3A_1286 : i32 to vector<16xi32>
    %add3A_1288 = arith.addi %get3A_1285, %add3A_1287 : vector<16xi32>
    %swap3A_1289 = arith.constant 2928 : index
    %swap3A_1290 = tpu.vector_load %arg7[%swap3A_1289] {strides = array<i32>} : memref<3072xi32, #tpu.memory_space<vmem>>, vector<16xi32>,
    tpu.vector_store %arg7[%swap3A_1289], %add3A_1288 {strides = array<i32>} : memref<3072xi32, #tpu.memory_space<vmem>>, vector<16xi32>,
    %get3A_1291 = arith.constant 384 : index
    %get3A_1292 = tpu.vector_load %arg6[%get3A_1291] {strides = array<i32>} : memref<512xi32, #tpu.memory_space<vmem>>, vector<16xi32>,
    %add3A_1293 = arith.constant 500000 : i32
    %add3A_1294 = vector.broadcast %add3A_1293 : i32 to vector<16xi32>
    %add3A_1295 = arith.addi %get3A_1292, %add3A_1294 : vector<16xi32>
    %swap3A_1296 = arith.constant 2944 : index
    %swap3A_1297 = tpu.vector_load %arg7[%swap3A_1296] {strides = array<i32>} : memref<3072xi32, #tpu.memory_space<vmem>>, vector<16xi32>,
    tpu.vector_store %arg7[%swap3A_1296], %add3A_1295 {strides = array<i32>} : memref<3072xi32, #tpu.memory_space<vmem>>, vector<16xi32>,
    %get3A_1298 = arith.constant 400 : index
    %get3A_1299 = tpu.vector_load %arg6[%get3A_1298] {strides = array<i32>} : memref<512xi32, #tpu.memory_space<vmem>>, vector<16xi32>,
    %add3A_1300 = arith.constant 500000 : i32
    %add3A_1301 = vector.broadcast %add3A_1300 : i32 to vector<16xi32>
    %add3A_1302 = arith.addi %get3A_1299, %add3A_1301 : vector<16xi32>
    %swap3A_1303 = arith.constant 2960 : index
    %swap3A_1304 = tpu.vector_load %arg7[%swap3A_1303] {strides = array<i32>} : memref<3072xi32, #tpu.memory_space<vmem>>, vector<16xi32>,
    tpu.vector_store %arg7[%swap3A_1303], %add3A_1302 {strides = array<i32>} : memref<3072xi32, #tpu.memory_space<vmem>>, vector<16xi32>,
    %get3A_1305 = arith.constant 416 : index
    %get3A_1306 = tpu.vector_load %arg6[%get3A_1305] {strides = array<i32>} : memref<512xi32, #tpu.memory_space<vmem>>, vector<16xi32>,
    %add3A_1307 = arith.constant 500000 : i32
    %add3A_1308 = vector.broadcast %add3A_1307 : i32 to vector<16xi32>
    %add3A_1309 = arith.addi %get3A_1306, %add3A_1308 : vector<16xi32>
    %swap3A_1310 = arith.constant 2976 : index
    %swap3A_1311 = tpu.vector_load %arg7[%swap3A_1310] {strides = array<i32>} : memref<3072xi32, #tpu.memory_space<vmem>>, vector<16xi32>,
    tpu.vector_store %arg7[%swap3A_1310], %add3A_1309 {strides = array<i32>} : memref<3072xi32, #tpu.memory_space<vmem>>, vector<16xi32>,
    %get3A_1312 = arith.constant 432 : index
    %get3A_1313 = tpu.vector_load %arg6[%get3A_1312] {strides = array<i32>} : memref<512xi32, #tpu.memory_space<vmem>>, vector<16xi32>,
    %add3A_1314 = arith.constant 500000 : i32
    %add3A_1315 = vector.broadcast %add3A_1314 : i32 to vector<16xi32>
    %add3A_1316 = arith.addi %get3A_1313, %add3A_1315 : vector<16xi32>
    %swap3A_1317 = arith.constant 2992 : index
    %swap3A_1318 = tpu.vector_load %arg7[%swap3A_1317] {strides = array<i32>} : memref<3072xi32, #tpu.memory_space<vmem>>, vector<16xi32>,
    tpu.vector_store %arg7[%swap3A_1317], %add3A_1316 {strides = array<i32>} : memref<3072xi32, #tpu.memory_space<vmem>>, vector<16xi32>,
    %get3A_1319 = arith.constant 448 : index
    %get3A_1320 = tpu.vector_load %arg6[%get3A_1319] {strides = array<i32>} : memref<512xi32, #tpu.memory_space<vmem>>, vector<16xi32>,
    %add3A_1321 = arith.constant 500000 : i32
    %add3A_1322 = vector.broadcast %add3A_1321 : i32 to vector<16xi32>
    %add3A_1323 = arith.addi %get3A_1320, %add3A_1322 : vector<16xi32>
    %swap3A_1324 = arith.constant 3008 : index
    %swap3A_1325 = tpu.vector_load %arg7[%swap3A_1324] {strides = array<i32>} : memref<3072xi32, #tpu.memory_space<vmem>>, vector<16xi32>,
    tpu.vector_store %arg7[%swap3A_1324], %add3A_1323 {strides = array<i32>} : memref<3072xi32, #tpu.memory_space<vmem>>, vector<16xi32>,
    %get3A_1326 = arith.constant 464 : index
    %get3A_1327 = tpu.vector_load %arg6[%get3A_1326] {strides = array<i32>} : memref<512xi32, #tpu.memory_space<vmem>>, vector<16xi32>,
    %add3A_1328 = arith.constant 500000 : i32
    %add3A_1329 = vector.broadcast %add3A_1328 : i32 to vector<16xi32>
    %add3A_1330 = arith.addi %get3A_1327, %add3A_1329 : vector<16xi32>
    %swap3A_1331 = arith.constant 3024 : index
    %swap3A_1332 = tpu.vector_load %arg7[%swap3A_1331] {strides = array<i32>} : memref<3072xi32, #tpu.memory_space<vmem>>, vector<16xi32>,
    tpu.vector_store %arg7[%swap3A_1331], %add3A_1330 {strides = array<i32>} : memref<3072xi32, #tpu.memory_space<vmem>>, vector<16xi32>,
    %get3A_1333 = arith.constant 480 : index
    %get3A_1334 = tpu.vector_load %arg6[%get3A_1333] {strides = array<i32>} : memref<512xi32, #tpu.memory_space<vmem>>, vector<16xi32>,
    %add3A_1335 = arith.constant 500000 : i32
    %add3A_1336 = vector.broadcast %add3A_1335 : i32 to vector<16xi32>
    %add3A_1337 = arith.addi %get3A_1334, %add3A_1336 : vector<16xi32>
    %swap3A_1338 = arith.constant 3040 : index
    %swap3A_1339 = tpu.vector_load %arg7[%swap3A_1338] {strides = array<i32>} : memref<3072xi32, #tpu.memory_space<vmem>>, vector<16xi32>,
    tpu.vector_store %arg7[%swap3A_1338], %add3A_1337 {strides = array<i32>} : memref<3072xi32, #tpu.memory_space<vmem>>, vector<16xi32>,
    %get3A_1340 = arith.constant 496 : index
    %get3A_1341 = tpu.vector_load %arg6[%get3A_1340] {strides = array<i32>} : memref<512xi32, #tpu.memory_space<vmem>>, vector<16xi32>,
    %add3A_1342 = arith.constant 500000 : i32
    %add3A_1343 = vector.broadcast %add3A_1342 : i32 to vector<16xi32>
    %add3A_1344 = arith.addi %get3A_1341, %add3A_1343 : vector<16xi32>
    %swap3A_1345 = arith.constant 3056 : index
    %swap3A_1346 = tpu.vector_load %arg7[%swap3A_1345] {strides = array<i32>} : memref<3072xi32, #tpu.memory_space<vmem>>, vector<16xi32>,
    tpu.vector_store %arg7[%swap3A_1345], %add3A_1344 {strides = array<i32>} : memref<3072xi32, #tpu.memory_space<vmem>>, vector<16xi32>,
    %barrier3A = arith.constant 0 : index
    tpu.barrier barrier_id(%barrier3A)
    %dma_start3A = arith.constant 0 : i32
    %dma_start3A_1347 = tpu.memref_slice %arg8[%dma_start3A] : memref<3072xf32, #tpu.memory_space<vmem>> -> memref<128xf32, #tpu.memory_space<vmem>>
    %dma_start3A_1348 = arith.constant 0 : i32
    %dma_start3A_1349 = tpu.memref_slice %arg7[%dma_start3A_1348] : memref<3072xi32, #tpu.memory_space<vmem>> -> memref<128xi32, #tpu.memory_space<vmem>>
    %dma_start3A_1350 = arith.constant 0 : i32
    %dma_start3A_1351 = tpu.memref_slice %arg5[%dma_start3A_1350] : memref<600000xf32, #tpu.memory_space<vmem_shared>> -> memref<600000xf32, #tpu.memory_space<vmem_shared>>
    tpu.enqueue_indirect_dma source(%dma_start3A_1351 : memref<600000xf32, #tpu.memory_space<vmem_shared>>) target(%dma_start3A_1347 : memref<128xf32, #tpu.memory_space<vmem>>) offsets(%dma_start3A_1349 : memref<128xi32, #tpu.memory_space<vmem>>) semaphore(%arg10 : memref<!tpu.dma_semaphore, #tpu.memory_space<semaphore_mem>>)
    %dma_start3A_1352 = arith.constant 128 : i32
    %dma_start3A_1353 = tpu.memref_slice %arg8[%dma_start3A_1352] : memref<3072xf32, #tpu.memory_space<vmem>> -> memref<128xf32, #tpu.memory_space<vmem>>
    %dma_start3A_1354 = arith.constant 128 : i32
    %dma_start3A_1355 = tpu.memref_slice %arg7[%dma_start3A_1354] : memref<3072xi32, #tpu.memory_space<vmem>> -> memref<128xi32, #tpu.memory_space<vmem>>
    %dma_start3A_1356 = arith.constant 0 : i32
    %dma_start3A_1357 = tpu.memref_slice %arg5[%dma_start3A_1356] : memref<600000xf32, #tpu.memory_space<vmem_shared>> -> memref<600000xf32, #tpu.memory_space<vmem_shared>>
    tpu.enqueue_indirect_dma source(%dma_start3A_1357 : memref<600000xf32, #tpu.memory_space<vmem_shared>>) target(%dma_start3A_1353 : memref<128xf32, #tpu.memory_space<vmem>>) offsets(%dma_start3A_1355 : memref<128xi32, #tpu.memory_space<vmem>>) semaphore(%arg10 : memref<!tpu.dma_semaphore, #tpu.memory_space<semaphore_mem>>)
    %dma_start3A_1358 = arith.constant 256 : i32
    %dma_start3A_1359 = tpu.memref_slice %arg8[%dma_start3A_1358] : memref<3072xf32, #tpu.memory_space<vmem>> -> memref<128xf32, #tpu.memory_space<vmem>>
    %dma_start3A_1360 = arith.constant 256 : i32
    %dma_start3A_1361 = tpu.memref_slice %arg7[%dma_start3A_1360] : memref<3072xi32, #tpu.memory_space<vmem>> -> memref<128xi32, #tpu.memory_space<vmem>>
    %dma_start3A_1362 = arith.constant 0 : i32
    %dma_start3A_1363 = tpu.memref_slice %arg5[%dma_start3A_1362] : memref<600000xf32, #tpu.memory_space<vmem_shared>> -> memref<600000xf32, #tpu.memory_space<vmem_shared>>
    tpu.enqueue_indirect_dma source(%dma_start3A_1363 : memref<600000xf32, #tpu.memory_space<vmem_shared>>) target(%dma_start3A_1359 : memref<128xf32, #tpu.memory_space<vmem>>) offsets(%dma_start3A_1361 : memref<128xi32, #tpu.memory_space<vmem>>) semaphore(%arg10 : memref<!tpu.dma_semaphore, #tpu.memory_space<semaphore_mem>>)
    %dma_start3A_1364 = arith.constant 384 : i32
    %dma_start3A_1365 = tpu.memref_slice %arg8[%dma_start3A_1364] : memref<3072xf32, #tpu.memory_space<vmem>> -> memref<128xf32, #tpu.memory_space<vmem>>
    %dma_start3A_1366 = arith.constant 384 : i32
    %dma_start3A_1367 = tpu.memref_slice %arg7[%dma_start3A_1366] : memref<3072xi32, #tpu.memory_space<vmem>> -> memref<128xi32, #tpu.memory_space<vmem>>
    %dma_start3A_1368 = arith.constant 0 : i32
    %dma_start3A_1369 = tpu.memref_slice %arg5[%dma_start3A_1368] : memref<600000xf32, #tpu.memory_space<vmem_shared>> -> memref<600000xf32, #tpu.memory_space<vmem_shared>>
    tpu.enqueue_indirect_dma source(%dma_start3A_1369 : memref<600000xf32, #tpu.memory_space<vmem_shared>>) target(%dma_start3A_1365 : memref<128xf32, #tpu.memory_space<vmem>>) offsets(%dma_start3A_1367 : memref<128xi32, #tpu.memory_space<vmem>>) semaphore(%arg10 : memref<!tpu.dma_semaphore, #tpu.memory_space<semaphore_mem>>)
    %dma_start3A_1370 = arith.constant 512 : i32
    %dma_start3A_1371 = tpu.memref_slice %arg8[%dma_start3A_1370] : memref<3072xf32, #tpu.memory_space<vmem>> -> memref<128xf32, #tpu.memory_space<vmem>>
    %dma_start3A_1372 = arith.constant 512 : i32
    %dma_start3A_1373 = tpu.memref_slice %arg7[%dma_start3A_1372] : memref<3072xi32, #tpu.memory_space<vmem>> -> memref<128xi32, #tpu.memory_space<vmem>>
    %dma_start3A_1374 = arith.constant 0 : i32
    %dma_start3A_1375 = tpu.memref_slice %arg5[%dma_start3A_1374] : memref<600000xf32, #tpu.memory_space<vmem_shared>> -> memref<600000xf32, #tpu.memory_space<vmem_shared>>
    tpu.enqueue_indirect_dma source(%dma_start3A_1375 : memref<600000xf32, #tpu.memory_space<vmem_shared>>) target(%dma_start3A_1371 : memref<128xf32, #tpu.memory_space<vmem>>) offsets(%dma_start3A_1373 : memref<128xi32, #tpu.memory_space<vmem>>) semaphore(%arg10 : memref<!tpu.dma_semaphore, #tpu.memory_space<semaphore_mem>>)
    %dma_start3A_1376 = arith.constant 640 : i32
    %dma_start3A_1377 = tpu.memref_slice %arg8[%dma_start3A_1376] : memref<3072xf32, #tpu.memory_space<vmem>> -> memref<128xf32, #tpu.memory_space<vmem>>
    %dma_start3A_1378 = arith.constant 640 : i32
    %dma_start3A_1379 = tpu.memref_slice %arg7[%dma_start3A_1378] : memref<3072xi32, #tpu.memory_space<vmem>> -> memref<128xi32, #tpu.memory_space<vmem>>
    %dma_start3A_1380 = arith.constant 0 : i32
    %dma_start3A_1381 = tpu.memref_slice %arg5[%dma_start3A_1380] : memref<600000xf32, #tpu.memory_space<vmem_shared>> -> memref<600000xf32, #tpu.memory_space<vmem_shared>>
    tpu.enqueue_indirect_dma source(%dma_start3A_1381 : memref<600000xf32, #tpu.memory_space<vmem_shared>>) target(%dma_start3A_1377 : memref<128xf32, #tpu.memory_space<vmem>>) offsets(%dma_start3A_1379 : memref<128xi32, #tpu.memory_space<vmem>>) semaphore(%arg10 : memref<!tpu.dma_semaphore, #tpu.memory_space<semaphore_mem>>)
    %dma_start3A_1382 = arith.constant 768 : i32
    %dma_start3A_1383 = tpu.memref_slice %arg8[%dma_start3A_1382] : memref<3072xf32, #tpu.memory_space<vmem>> -> memref<128xf32, #tpu.memory_space<vmem>>
    %dma_start3A_1384 = arith.constant 768 : i32
    %dma_start3A_1385 = tpu.memref_slice %arg7[%dma_start3A_1384] : memref<3072xi32, #tpu.memory_space<vmem>> -> memref<128xi32, #tpu.memory_space<vmem>>
    %dma_start3A_1386 = arith.constant 0 : i32
    %dma_start3A_1387 = tpu.memref_slice %arg5[%dma_start3A_1386] : memref<600000xf32, #tpu.memory_space<vmem_shared>> -> memref<600000xf32, #tpu.memory_space<vmem_shared>>
    tpu.enqueue_indirect_dma source(%dma_start3A_1387 : memref<600000xf32, #tpu.memory_space<vmem_shared>>) target(%dma_start3A_1383 : memref<128xf32, #tpu.memory_space<vmem>>) offsets(%dma_start3A_1385 : memref<128xi32, #tpu.memory_space<vmem>>) semaphore(%arg10 : memref<!tpu.dma_semaphore, #tpu.memory_space<semaphore_mem>>)
    %dma_start3A_1388 = arith.constant 896 : i32
    %dma_start3A_1389 = tpu.memref_slice %arg8[%dma_start3A_1388] : memref<3072xf32, #tpu.memory_space<vmem>> -> memref<128xf32, #tpu.memory_space<vmem>>
    %dma_start3A_1390 = arith.constant 896 : i32
    %dma_start3A_1391 = tpu.memref_slice %arg7[%dma_start3A_1390] : memref<3072xi32, #tpu.memory_space<vmem>> -> memref<128xi32, #tpu.memory_space<vmem>>
    %dma_start3A_1392 = arith.constant 0 : i32
    %dma_start3A_1393 = tpu.memref_slice %arg5[%dma_start3A_1392] : memref<600000xf32, #tpu.memory_space<vmem_shared>> -> memref<600000xf32, #tpu.memory_space<vmem_shared>>
    tpu.enqueue_indirect_dma source(%dma_start3A_1393 : memref<600000xf32, #tpu.memory_space<vmem_shared>>) target(%dma_start3A_1389 : memref<128xf32, #tpu.memory_space<vmem>>) offsets(%dma_start3A_1391 : memref<128xi32, #tpu.memory_space<vmem>>) semaphore(%arg10 : memref<!tpu.dma_semaphore, #tpu.memory_space<semaphore_mem>>)
    %dma_start3A_1394 = arith.constant 1024 : i32
    %dma_start3A_1395 = tpu.memref_slice %arg8[%dma_start3A_1394] : memref<3072xf32, #tpu.memory_space<vmem>> -> memref<128xf32, #tpu.memory_space<vmem>>
    %dma_start3A_1396 = arith.constant 1024 : i32
    %dma_start3A_1397 = tpu.memref_slice %arg7[%dma_start3A_1396] : memref<3072xi32, #tpu.memory_space<vmem>> -> memref<128xi32, #tpu.memory_space<vmem>>
    %dma_start3A_1398 = arith.constant 0 : i32
    %dma_start3A_1399 = tpu.memref_slice %arg5[%dma_start3A_1398] : memref<600000xf32, #tpu.memory_space<vmem_shared>> -> memref<600000xf32, #tpu.memory_space<vmem_shared>>
    tpu.enqueue_indirect_dma source(%dma_start3A_1399 : memref<600000xf32, #tpu.memory_space<vmem_shared>>) target(%dma_start3A_1395 : memref<128xf32, #tpu.memory_space<vmem>>) offsets(%dma_start3A_1397 : memref<128xi32, #tpu.memory_space<vmem>>) semaphore(%arg10 : memref<!tpu.dma_semaphore, #tpu.memory_space<semaphore_mem>>)
    %dma_start3A_1400 = arith.constant 1152 : i32
    %dma_start3A_1401 = tpu.memref_slice %arg8[%dma_start3A_1400] : memref<3072xf32, #tpu.memory_space<vmem>> -> memref<128xf32, #tpu.memory_space<vmem>>
    %dma_start3A_1402 = arith.constant 1152 : i32
    %dma_start3A_1403 = tpu.memref_slice %arg7[%dma_start3A_1402] : memref<3072xi32, #tpu.memory_space<vmem>> -> memref<128xi32, #tpu.memory_space<vmem>>
    %dma_start3A_1404 = arith.constant 0 : i32
    %dma_start3A_1405 = tpu.memref_slice %arg5[%dma_start3A_1404] : memref<600000xf32, #tpu.memory_space<vmem_shared>> -> memref<600000xf32, #tpu.memory_space<vmem_shared>>
    tpu.enqueue_indirect_dma source(%dma_start3A_1405 : memref<600000xf32, #tpu.memory_space<vmem_shared>>) target(%dma_start3A_1401 : memref<128xf32, #tpu.memory_space<vmem>>) offsets(%dma_start3A_1403 : memref<128xi32, #tpu.memory_space<vmem>>) semaphore(%arg10 : memref<!tpu.dma_semaphore, #tpu.memory_space<semaphore_mem>>)
    %dma_start3A_1406 = arith.constant 1280 : i32
    %dma_start3A_1407 = tpu.memref_slice %arg8[%dma_start3A_1406] : memref<3072xf32, #tpu.memory_space<vmem>> -> memref<128xf32, #tpu.memory_space<vmem>>
    %dma_start3A_1408 = arith.constant 1280 : i32
    %dma_start3A_1409 = tpu.memref_slice %arg7[%dma_start3A_1408] : memref<3072xi32, #tpu.memory_space<vmem>> -> memref<128xi32, #tpu.memory_space<vmem>>
    %dma_start3A_1410 = arith.constant 0 : i32
    %dma_start3A_1411 = tpu.memref_slice %arg5[%dma_start3A_1410] : memref<600000xf32, #tpu.memory_space<vmem_shared>> -> memref<600000xf32, #tpu.memory_space<vmem_shared>>
    tpu.enqueue_indirect_dma source(%dma_start3A_1411 : memref<600000xf32, #tpu.memory_space<vmem_shared>>) target(%dma_start3A_1407 : memref<128xf32, #tpu.memory_space<vmem>>) offsets(%dma_start3A_1409 : memref<128xi32, #tpu.memory_space<vmem>>) semaphore(%arg10 : memref<!tpu.dma_semaphore, #tpu.memory_space<semaphore_mem>>)
    %dma_start3A_1412 = arith.constant 1408 : i32
    %dma_start3A_1413 = tpu.memref_slice %arg8[%dma_start3A_1412] : memref<3072xf32, #tpu.memory_space<vmem>> -> memref<128xf32, #tpu.memory_space<vmem>>
    %dma_start3A_1414 = arith.constant 1408 : i32
    %dma_start3A_1415 = tpu.memref_slice %arg7[%dma_start3A_1414] : memref<3072xi32, #tpu.memory_space<vmem>> -> memref<128xi32, #tpu.memory_space<vmem>>
    %dma_start3A_1416 = arith.constant 0 : i32
    %dma_start3A_1417 = tpu.memref_slice %arg5[%dma_start3A_1416] : memref<600000xf32, #tpu.memory_space<vmem_shared>> -> memref<600000xf32, #tpu.memory_space<vmem_shared>>
    tpu.enqueue_indirect_dma source(%dma_start3A_1417 : memref<600000xf32, #tpu.memory_space<vmem_shared>>) target(%dma_start3A_1413 : memref<128xf32, #tpu.memory_space<vmem>>) offsets(%dma_start3A_1415 : memref<128xi32, #tpu.memory_space<vmem>>) semaphore(%arg10 : memref<!tpu.dma_semaphore, #tpu.memory_space<semaphore_mem>>)
    %dma_start3A_1418 = arith.constant 1536 : i32
    %dma_start3A_1419 = tpu.memref_slice %arg8[%dma_start3A_1418] : memref<3072xf32, #tpu.memory_space<vmem>> -> memref<128xf32, #tpu.memory_space<vmem>>
    %dma_start3A_1420 = arith.constant 1536 : i32
    %dma_start3A_1421 = tpu.memref_slice %arg7[%dma_start3A_1420] : memref<3072xi32, #tpu.memory_space<vmem>> -> memref<128xi32, #tpu.memory_space<vmem>>
    %dma_start3A_1422 = arith.constant 0 : i32
    %dma_start3A_1423 = tpu.memref_slice %arg5[%dma_start3A_1422] : memref<600000xf32, #tpu.memory_space<vmem_shared>> -> memref<600000xf32, #tpu.memory_space<vmem_shared>>
    tpu.enqueue_indirect_dma source(%dma_start3A_1423 : memref<600000xf32, #tpu.memory_space<vmem_shared>>) target(%dma_start3A_1419 : memref<128xf32, #tpu.memory_space<vmem>>) offsets(%dma_start3A_1421 : memref<128xi32, #tpu.memory_space<vmem>>) semaphore(%arg10 : memref<!tpu.dma_semaphore, #tpu.memory_space<semaphore_mem>>)
    %dma_start3A_1424 = arith.constant 1664 : i32
    %dma_start3A_1425 = tpu.memref_slice %arg8[%dma_start3A_1424] : memref<3072xf32, #tpu.memory_space<vmem>> -> memref<128xf32, #tpu.memory_space<vmem>>
    %dma_start3A_1426 = arith.constant 1664 : i32
    %dma_start3A_1427 = tpu.memref_slice %arg7[%dma_start3A_1426] : memref<3072xi32, #tpu.memory_space<vmem>> -> memref<128xi32, #tpu.memory_space<vmem>>
    %dma_start3A_1428 = arith.constant 0 : i32
    %dma_start3A_1429 = tpu.memref_slice %arg5[%dma_start3A_1428] : memref<600000xf32, #tpu.memory_space<vmem_shared>> -> memref<600000xf32, #tpu.memory_space<vmem_shared>>
    tpu.enqueue_indirect_dma source(%dma_start3A_1429 : memref<600000xf32, #tpu.memory_space<vmem_shared>>) target(%dma_start3A_1425 : memref<128xf32, #tpu.memory_space<vmem>>) offsets(%dma_start3A_1427 : memref<128xi32, #tpu.memory_space<vmem>>) semaphore(%arg10 : memref<!tpu.dma_semaphore, #tpu.memory_space<semaphore_mem>>)
    %dma_start3A_1430 = arith.constant 1792 : i32
    %dma_start3A_1431 = tpu.memref_slice %arg8[%dma_start3A_1430] : memref<3072xf32, #tpu.memory_space<vmem>> -> memref<128xf32, #tpu.memory_space<vmem>>
    %dma_start3A_1432 = arith.constant 1792 : i32
    %dma_start3A_1433 = tpu.memref_slice %arg7[%dma_start3A_1432] : memref<3072xi32, #tpu.memory_space<vmem>> -> memref<128xi32, #tpu.memory_space<vmem>>
    %dma_start3A_1434 = arith.constant 0 : i32
    %dma_start3A_1435 = tpu.memref_slice %arg5[%dma_start3A_1434] : memref<600000xf32, #tpu.memory_space<vmem_shared>> -> memref<600000xf32, #tpu.memory_space<vmem_shared>>
    tpu.enqueue_indirect_dma source(%dma_start3A_1435 : memref<600000xf32, #tpu.memory_space<vmem_shared>>) target(%dma_start3A_1431 : memref<128xf32, #tpu.memory_space<vmem>>) offsets(%dma_start3A_1433 : memref<128xi32, #tpu.memory_space<vmem>>) semaphore(%arg10 : memref<!tpu.dma_semaphore, #tpu.memory_space<semaphore_mem>>)
    %dma_start3A_1436 = arith.constant 1920 : i32
    %dma_start3A_1437 = tpu.memref_slice %arg8[%dma_start3A_1436] : memref<3072xf32, #tpu.memory_space<vmem>> -> memref<128xf32, #tpu.memory_space<vmem>>
    %dma_start3A_1438 = arith.constant 1920 : i32
    %dma_start3A_1439 = tpu.memref_slice %arg7[%dma_start3A_1438] : memref<3072xi32, #tpu.memory_space<vmem>> -> memref<128xi32, #tpu.memory_space<vmem>>
    %dma_start3A_1440 = arith.constant 0 : i32
    %dma_start3A_1441 = tpu.memref_slice %arg5[%dma_start3A_1440] : memref<600000xf32, #tpu.memory_space<vmem_shared>> -> memref<600000xf32, #tpu.memory_space<vmem_shared>>
    tpu.enqueue_indirect_dma source(%dma_start3A_1441 : memref<600000xf32, #tpu.memory_space<vmem_shared>>) target(%dma_start3A_1437 : memref<128xf32, #tpu.memory_space<vmem>>) offsets(%dma_start3A_1439 : memref<128xi32, #tpu.memory_space<vmem>>) semaphore(%arg10 : memref<!tpu.dma_semaphore, #tpu.memory_space<semaphore_mem>>)
    %dma_start3A_1442 = arith.constant 2048 : i32
    %dma_start3A_1443 = tpu.memref_slice %arg8[%dma_start3A_1442] : memref<3072xf32, #tpu.memory_space<vmem>> -> memref<128xf32, #tpu.memory_space<vmem>>
    %dma_start3A_1444 = arith.constant 2048 : i32
    %dma_start3A_1445 = tpu.memref_slice %arg7[%dma_start3A_1444] : memref<3072xi32, #tpu.memory_space<vmem>> -> memref<128xi32, #tpu.memory_space<vmem>>
    %dma_start3A_1446 = arith.constant 0 : i32
    %dma_start3A_1447 = tpu.memref_slice %arg5[%dma_start3A_1446] : memref<600000xf32, #tpu.memory_space<vmem_shared>> -> memref<600000xf32, #tpu.memory_space<vmem_shared>>
    tpu.enqueue_indirect_dma source(%dma_start3A_1447 : memref<600000xf32, #tpu.memory_space<vmem_shared>>) target(%dma_start3A_1443 : memref<128xf32, #tpu.memory_space<vmem>>) offsets(%dma_start3A_1445 : memref<128xi32, #tpu.memory_space<vmem>>) semaphore(%arg10 : memref<!tpu.dma_semaphore, #tpu.memory_space<semaphore_mem>>)
    %dma_start3A_1448 = arith.constant 2176 : i32
    %dma_start3A_1449 = tpu.memref_slice %arg8[%dma_start3A_1448] : memref<3072xf32, #tpu.memory_space<vmem>> -> memref<128xf32, #tpu.memory_space<vmem>>
    %dma_start3A_1450 = arith.constant 2176 : i32
    %dma_start3A_1451 = tpu.memref_slice %arg7[%dma_start3A_1450] : memref<3072xi32, #tpu.memory_space<vmem>> -> memref<128xi32, #tpu.memory_space<vmem>>
    %dma_start3A_1452 = arith.constant 0 : i32
    %dma_start3A_1453 = tpu.memref_slice %arg5[%dma_start3A_1452] : memref<600000xf32, #tpu.memory_space<vmem_shared>> -> memref<600000xf32, #tpu.memory_space<vmem_shared>>
    tpu.enqueue_indirect_dma source(%dma_start3A_1453 : memref<600000xf32, #tpu.memory_space<vmem_shared>>) target(%dma_start3A_1449 : memref<128xf32, #tpu.memory_space<vmem>>) offsets(%dma_start3A_1451 : memref<128xi32, #tpu.memory_space<vmem>>) semaphore(%arg10 : memref<!tpu.dma_semaphore, #tpu.memory_space<semaphore_mem>>)
    %dma_start3A_1454 = arith.constant 2304 : i32
    %dma_start3A_1455 = tpu.memref_slice %arg8[%dma_start3A_1454] : memref<3072xf32, #tpu.memory_space<vmem>> -> memref<128xf32, #tpu.memory_space<vmem>>
    %dma_start3A_1456 = arith.constant 2304 : i32
    %dma_start3A_1457 = tpu.memref_slice %arg7[%dma_start3A_1456] : memref<3072xi32, #tpu.memory_space<vmem>> -> memref<128xi32, #tpu.memory_space<vmem>>
    %dma_start3A_1458 = arith.constant 0 : i32
    %dma_start3A_1459 = tpu.memref_slice %arg5[%dma_start3A_1458] : memref<600000xf32, #tpu.memory_space<vmem_shared>> -> memref<600000xf32, #tpu.memory_space<vmem_shared>>
    tpu.enqueue_indirect_dma source(%dma_start3A_1459 : memref<600000xf32, #tpu.memory_space<vmem_shared>>) target(%dma_start3A_1455 : memref<128xf32, #tpu.memory_space<vmem>>) offsets(%dma_start3A_1457 : memref<128xi32, #tpu.memory_space<vmem>>) semaphore(%arg10 : memref<!tpu.dma_semaphore, #tpu.memory_space<semaphore_mem>>)
    %dma_start3A_1460 = arith.constant 2432 : i32
    %dma_start3A_1461 = tpu.memref_slice %arg8[%dma_start3A_1460] : memref<3072xf32, #tpu.memory_space<vmem>> -> memref<128xf32, #tpu.memory_space<vmem>>
    %dma_start3A_1462 = arith.constant 2432 : i32
    %dma_start3A_1463 = tpu.memref_slice %arg7[%dma_start3A_1462] : memref<3072xi32, #tpu.memory_space<vmem>> -> memref<128xi32, #tpu.memory_space<vmem>>
    %dma_start3A_1464 = arith.constant 0 : i32
    %dma_start3A_1465 = tpu.memref_slice %arg5[%dma_start3A_1464] : memref<600000xf32, #tpu.memory_space<vmem_shared>> -> memref<600000xf32, #tpu.memory_space<vmem_shared>>
    tpu.enqueue_indirect_dma source(%dma_start3A_1465 : memref<600000xf32, #tpu.memory_space<vmem_shared>>) target(%dma_start3A_1461 : memref<128xf32, #tpu.memory_space<vmem>>) offsets(%dma_start3A_1463 : memref<128xi32, #tpu.memory_space<vmem>>) semaphore(%arg10 : memref<!tpu.dma_semaphore, #tpu.memory_space<semaphore_mem>>)
    %dma_start3A_1466 = arith.constant 2560 : i32
    %dma_start3A_1467 = tpu.memref_slice %arg8[%dma_start3A_1466] : memref<3072xf32, #tpu.memory_space<vmem>> -> memref<128xf32, #tpu.memory_space<vmem>>
    %dma_start3A_1468 = arith.constant 2560 : i32
    %dma_start3A_1469 = tpu.memref_slice %arg7[%dma_start3A_1468] : memref<3072xi32, #tpu.memory_space<vmem>> -> memref<128xi32, #tpu.memory_space<vmem>>
    %dma_start3A_1470 = arith.constant 0 : i32
    %dma_start3A_1471 = tpu.memref_slice %arg5[%dma_start3A_1470] : memref<600000xf32, #tpu.memory_space<vmem_shared>> -> memref<600000xf32, #tpu.memory_space<vmem_shared>>
    tpu.enqueue_indirect_dma source(%dma_start3A_1471 : memref<600000xf32, #tpu.memory_space<vmem_shared>>) target(%dma_start3A_1467 : memref<128xf32, #tpu.memory_space<vmem>>) offsets(%dma_start3A_1469 : memref<128xi32, #tpu.memory_space<vmem>>) semaphore(%arg10 : memref<!tpu.dma_semaphore, #tpu.memory_space<semaphore_mem>>)
    %dma_start3A_1472 = arith.constant 2688 : i32
    %dma_start3A_1473 = tpu.memref_slice %arg8[%dma_start3A_1472] : memref<3072xf32, #tpu.memory_space<vmem>> -> memref<128xf32, #tpu.memory_space<vmem>>
    %dma_start3A_1474 = arith.constant 2688 : i32
    %dma_start3A_1475 = tpu.memref_slice %arg7[%dma_start3A_1474] : memref<3072xi32, #tpu.memory_space<vmem>> -> memref<128xi32, #tpu.memory_space<vmem>>
    %dma_start3A_1476 = arith.constant 0 : i32
    %dma_start3A_1477 = tpu.memref_slice %arg5[%dma_start3A_1476] : memref<600000xf32, #tpu.memory_space<vmem_shared>> -> memref<600000xf32, #tpu.memory_space<vmem_shared>>
    tpu.enqueue_indirect_dma source(%dma_start3A_1477 : memref<600000xf32, #tpu.memory_space<vmem_shared>>) target(%dma_start3A_1473 : memref<128xf32, #tpu.memory_space<vmem>>) offsets(%dma_start3A_1475 : memref<128xi32, #tpu.memory_space<vmem>>) semaphore(%arg10 : memref<!tpu.dma_semaphore, #tpu.memory_space<semaphore_mem>>)
    %dma_start3A_1478 = arith.constant 2816 : i32
    %dma_start3A_1479 = tpu.memref_slice %arg8[%dma_start3A_1478] : memref<3072xf32, #tpu.memory_space<vmem>> -> memref<128xf32, #tpu.memory_space<vmem>>
    %dma_start3A_1480 = arith.constant 2816 : i32
    %dma_start3A_1481 = tpu.memref_slice %arg7[%dma_start3A_1480] : memref<3072xi32, #tpu.memory_space<vmem>> -> memref<128xi32, #tpu.memory_space<vmem>>
    %dma_start3A_1482 = arith.constant 0 : i32
    %dma_start3A_1483 = tpu.memref_slice %arg5[%dma_start3A_1482] : memref<600000xf32, #tpu.memory_space<vmem_shared>> -> memref<600000xf32, #tpu.memory_space<vmem_shared>>
    tpu.enqueue_indirect_dma source(%dma_start3A_1483 : memref<600000xf32, #tpu.memory_space<vmem_shared>>) target(%dma_start3A_1479 : memref<128xf32, #tpu.memory_space<vmem>>) offsets(%dma_start3A_1481 : memref<128xi32, #tpu.memory_space<vmem>>) semaphore(%arg10 : memref<!tpu.dma_semaphore, #tpu.memory_space<semaphore_mem>>)
    %dma_start3A_1484 = arith.constant 2944 : i32
    %dma_start3A_1485 = tpu.memref_slice %arg8[%dma_start3A_1484] : memref<3072xf32, #tpu.memory_space<vmem>> -> memref<128xf32, #tpu.memory_space<vmem>>
    %dma_start3A_1486 = arith.constant 2944 : i32
    %dma_start3A_1487 = tpu.memref_slice %arg7[%dma_start3A_1486] : memref<3072xi32, #tpu.memory_space<vmem>> -> memref<128xi32, #tpu.memory_space<vmem>>
    %dma_start3A_1488 = arith.constant 0 : i32
    %dma_start3A_1489 = tpu.memref_slice %arg5[%dma_start3A_1488] : memref<600000xf32, #tpu.memory_space<vmem_shared>> -> memref<600000xf32, #tpu.memory_space<vmem_shared>>
    tpu.enqueue_indirect_dma source(%dma_start3A_1489 : memref<600000xf32, #tpu.memory_space<vmem_shared>>) target(%dma_start3A_1485 : memref<128xf32, #tpu.memory_space<vmem>>) offsets(%dma_start3A_1487 : memref<128xi32, #tpu.memory_space<vmem>>) semaphore(%arg10 : memref<!tpu.dma_semaphore, #tpu.memory_space<semaphore_mem>>)
    %dma_wait3A = arith.constant 0 : i32
    %dma_wait3A_1490 = tpu.memref_slice %arg8[%dma_wait3A] : memref<3072xf32, #tpu.memory_space<vmem>> -> memref<128xf32, #tpu.memory_space<vmem>>
    %dma_wait3A_1491 = arith.constant 0 : i32
    %dma_wait3A_1492 = tpu.memref_slice %arg7[%dma_wait3A_1491] : memref<3072xi32, #tpu.memory_space<vmem>> -> memref<128xi32, #tpu.memory_space<vmem>>
    %dma_wait3A_1493 = arith.constant 0 : i32
    %dma_wait3A_1494 = tpu.memref_slice %arg5[%dma_wait3A_1493] : memref<600000xf32, #tpu.memory_space<vmem_shared>> -> memref<600000xf32, #tpu.memory_space<vmem_shared>>
    tpu.wait_indirect_dma semaphore(%arg10 : memref<!tpu.dma_semaphore, #tpu.memory_space<semaphore_mem>>) src(%dma_wait3A_1494 : memref<600000xf32, #tpu.memory_space<vmem_shared>>) dst(%dma_wait3A_1490 : memref<128xf32, #tpu.memory_space<vmem>>)
    %dma_wait3A_1495 = arith.constant 128 : i32
    %dma_wait3A_1496 = tpu.memref_slice %arg8[%dma_wait3A_1495] : memref<3072xf32, #tpu.memory_space<vmem>> -> memref<128xf32, #tpu.memory_space<vmem>>
    %dma_wait3A_1497 = arith.constant 128 : i32
    %dma_wait3A_1498 = tpu.memref_slice %arg7[%dma_wait3A_1497] : memref<3072xi32, #tpu.memory_space<vmem>> -> memref<128xi32, #tpu.memory_space<vmem>>
    %dma_wait3A_1499 = arith.constant 0 : i32
    %dma_wait3A_1500 = tpu.memref_slice %arg5[%dma_wait3A_1499] : memref<600000xf32, #tpu.memory_space<vmem_shared>> -> memref<600000xf32, #tpu.memory_space<vmem_shared>>
    tpu.wait_indirect_dma semaphore(%arg10 : memref<!tpu.dma_semaphore, #tpu.memory_space<semaphore_mem>>) src(%dma_wait3A_1500 : memref<600000xf32, #tpu.memory_space<vmem_shared>>) dst(%dma_wait3A_1496 : memref<128xf32, #tpu.memory_space<vmem>>)
    %dma_wait3A_1501 = arith.constant 256 : i32
    %dma_wait3A_1502 = tpu.memref_slice %arg8[%dma_wait3A_1501] : memref<3072xf32, #tpu.memory_space<vmem>> -> memref<128xf32, #tpu.memory_space<vmem>>
    %dma_wait3A_1503 = arith.constant 256 : i32
    %dma_wait3A_1504 = tpu.memref_slice %arg7[%dma_wait3A_1503] : memref<3072xi32, #tpu.memory_space<vmem>> -> memref<128xi32, #tpu.memory_space<vmem>>
    %dma_wait3A_1505 = arith.constant 0 : i32
    %dma_wait3A_1506 = tpu.memref_slice %arg5[%dma_wait3A_1505] : memref<600000xf32, #tpu.memory_space<vmem_shared>> -> memref<600000xf32, #tpu.memory_space<vmem_shared>>
    tpu.wait_indirect_dma semaphore(%arg10 : memref<!tpu.dma_semaphore, #tpu.memory_space<semaphore_mem>>) src(%dma_wait3A_1506 : memref<600000xf32, #tpu.memory_space<vmem_shared>>) dst(%dma_wait3A_1502 : memref<128xf32, #tpu.memory_space<vmem>>)
    %dma_wait3A_1507 = arith.constant 384 : i32
    %dma_wait3A_1508 = tpu.memref_slice %arg8[%dma_wait3A_1507] : memref<3072xf32, #tpu.memory_space<vmem>> -> memref<128xf32, #tpu.memory_space<vmem>>
    %dma_wait3A_1509 = arith.constant 384 : i32
    %dma_wait3A_1510 = tpu.memref_slice %arg7[%dma_wait3A_1509] : memref<3072xi32, #tpu.memory_space<vmem>> -> memref<128xi32, #tpu.memory_space<vmem>>
    %dma_wait3A_1511 = arith.constant 0 : i32
    %dma_wait3A_1512 = tpu.memref_slice %arg5[%dma_wait3A_1511] : memref<600000xf32, #tpu.memory_space<vmem_shared>> -> memref<600000xf32, #tpu.memory_space<vmem_shared>>
    tpu.wait_indirect_dma semaphore(%arg10 : memref<!tpu.dma_semaphore, #tpu.memory_space<semaphore_mem>>) src(%dma_wait3A_1512 : memref<600000xf32, #tpu.memory_space<vmem_shared>>) dst(%dma_wait3A_1508 : memref<128xf32, #tpu.memory_space<vmem>>)
    %dma_wait3A_1513 = arith.constant 512 : i32
    %dma_wait3A_1514 = tpu.memref_slice %arg8[%dma_wait3A_1513] : memref<3072xf32, #tpu.memory_space<vmem>> -> memref<128xf32, #tpu.memory_space<vmem>>
    %dma_wait3A_1515 = arith.constant 512 : i32
    %dma_wait3A_1516 = tpu.memref_slice %arg7[%dma_wait3A_1515] : memref<3072xi32, #tpu.memory_space<vmem>> -> memref<128xi32, #tpu.memory_space<vmem>>
    %dma_wait3A_1517 = arith.constant 0 : i32
    %dma_wait3A_1518 = tpu.memref_slice %arg5[%dma_wait3A_1517] : memref<600000xf32, #tpu.memory_space<vmem_shared>> -> memref<600000xf32, #tpu.memory_space<vmem_shared>>
    tpu.wait_indirect_dma semaphore(%arg10 : memref<!tpu.dma_semaphore, #tpu.memory_space<semaphore_mem>>) src(%dma_wait3A_1518 : memref<600000xf32, #tpu.memory_space<vmem_shared>>) dst(%dma_wait3A_1514 : memref<128xf32, #tpu.memory_space<vmem>>)
    %dma_wait3A_1519 = arith.constant 640 : i32
    %dma_wait3A_1520 = tpu.memref_slice %arg8[%dma_wait3A_1519] : memref<3072xf32, #tpu.memory_space<vmem>> -> memref<128xf32, #tpu.memory_space<vmem>>
    %dma_wait3A_1521 = arith.constant 640 : i32
    %dma_wait3A_1522 = tpu.memref_slice %arg7[%dma_wait3A_1521] : memref<3072xi32, #tpu.memory_space<vmem>> -> memref<128xi32, #tpu.memory_space<vmem>>
    %dma_wait3A_1523 = arith.constant 0 : i32
    %dma_wait3A_1524 = tpu.memref_slice %arg5[%dma_wait3A_1523] : memref<600000xf32, #tpu.memory_space<vmem_shared>> -> memref<600000xf32, #tpu.memory_space<vmem_shared>>
    tpu.wait_indirect_dma semaphore(%arg10 : memref<!tpu.dma_semaphore, #tpu.memory_space<semaphore_mem>>) src(%dma_wait3A_1524 : memref<600000xf32, #tpu.memory_space<vmem_shared>>) dst(%dma_wait3A_1520 : memref<128xf32, #tpu.memory_space<vmem>>)
    %dma_wait3A_1525 = arith.constant 768 : i32
    %dma_wait3A_1526 = tpu.memref_slice %arg8[%dma_wait3A_1525] : memref<3072xf32, #tpu.memory_space<vmem>> -> memref<128xf32, #tpu.memory_space<vmem>>
    %dma_wait3A_1527 = arith.constant 768 : i32
    %dma_wait3A_1528 = tpu.memref_slice %arg7[%dma_wait3A_1527] : memref<3072xi32, #tpu.memory_space<vmem>> -> memref<128xi32, #tpu.memory_space<vmem>>
    %dma_wait3A_1529 = arith.constant 0 : i32
    %dma_wait3A_1530 = tpu.memref_slice %arg5[%dma_wait3A_1529] : memref<600000xf32, #tpu.memory_space<vmem_shared>> -> memref<600000xf32, #tpu.memory_space<vmem_shared>>
    tpu.wait_indirect_dma semaphore(%arg10 : memref<!tpu.dma_semaphore, #tpu.memory_space<semaphore_mem>>) src(%dma_wait3A_1530 : memref<600000xf32, #tpu.memory_space<vmem_shared>>) dst(%dma_wait3A_1526 : memref<128xf32, #tpu.memory_space<vmem>>)
    %dma_wait3A_1531 = arith.constant 896 : i32
    %dma_wait3A_1532 = tpu.memref_slice %arg8[%dma_wait3A_1531] : memref<3072xf32, #tpu.memory_space<vmem>> -> memref<128xf32, #tpu.memory_space<vmem>>
    %dma_wait3A_1533 = arith.constant 896 : i32
    %dma_wait3A_1534 = tpu.memref_slice %arg7[%dma_wait3A_1533] : memref<3072xi32, #tpu.memory_space<vmem>> -> memref<128xi32, #tpu.memory_space<vmem>>
    %dma_wait3A_1535 = arith.constant 0 : i32
    %dma_wait3A_1536 = tpu.memref_slice %arg5[%dma_wait3A_1535] : memref<600000xf32, #tpu.memory_space<vmem_shared>> -> memref<600000xf32, #tpu.memory_space<vmem_shared>>
    tpu.wait_indirect_dma semaphore(%arg10 : memref<!tpu.dma_semaphore, #tpu.memory_space<semaphore_mem>>) src(%dma_wait3A_1536 : memref<600000xf32, #tpu.memory_space<vmem_shared>>) dst(%dma_wait3A_1532 : memref<128xf32, #tpu.memory_space<vmem>>)
    %dma_wait3A_1537 = arith.constant 1024 : i32
    %dma_wait3A_1538 = tpu.memref_slice %arg8[%dma_wait3A_1537] : memref<3072xf32, #tpu.memory_space<vmem>> -> memref<128xf32, #tpu.memory_space<vmem>>
    %dma_wait3A_1539 = arith.constant 1024 : i32
    %dma_wait3A_1540 = tpu.memref_slice %arg7[%dma_wait3A_1539] : memref<3072xi32, #tpu.memory_space<vmem>> -> memref<128xi32, #tpu.memory_space<vmem>>
    %dma_wait3A_1541 = arith.constant 0 : i32
    %dma_wait3A_1542 = tpu.memref_slice %arg5[%dma_wait3A_1541] : memref<600000xf32, #tpu.memory_space<vmem_shared>> -> memref<600000xf32, #tpu.memory_space<vmem_shared>>
    tpu.wait_indirect_dma semaphore(%arg10 : memref<!tpu.dma_semaphore, #tpu.memory_space<semaphore_mem>>) src(%dma_wait3A_1542 : memref<600000xf32, #tpu.memory_space<vmem_shared>>) dst(%dma_wait3A_1538 : memref<128xf32, #tpu.memory_space<vmem>>)
    %dma_wait3A_1543 = arith.constant 1152 : i32
    %dma_wait3A_1544 = tpu.memref_slice %arg8[%dma_wait3A_1543] : memref<3072xf32, #tpu.memory_space<vmem>> -> memref<128xf32, #tpu.memory_space<vmem>>
    %dma_wait3A_1545 = arith.constant 1152 : i32
    %dma_wait3A_1546 = tpu.memref_slice %arg7[%dma_wait3A_1545] : memref<3072xi32, #tpu.memory_space<vmem>> -> memref<128xi32, #tpu.memory_space<vmem>>
    %dma_wait3A_1547 = arith.constant 0 : i32
    %dma_wait3A_1548 = tpu.memref_slice %arg5[%dma_wait3A_1547] : memref<600000xf32, #tpu.memory_space<vmem_shared>> -> memref<600000xf32, #tpu.memory_space<vmem_shared>>
    tpu.wait_indirect_dma semaphore(%arg10 : memref<!tpu.dma_semaphore, #tpu.memory_space<semaphore_mem>>) src(%dma_wait3A_1548 : memref<600000xf32, #tpu.memory_space<vmem_shared>>) dst(%dma_wait3A_1544 : memref<128xf32, #tpu.memory_space<vmem>>)
    %dma_wait3A_1549 = arith.constant 1280 : i32
    %dma_wait3A_1550 = tpu.memref_slice %arg8[%dma_wait3A_1549] : memref<3072xf32, #tpu.memory_space<vmem>> -> memref<128xf32, #tpu.memory_space<vmem>>
    %dma_wait3A_1551 = arith.constant 1280 : i32
    %dma_wait3A_1552 = tpu.memref_slice %arg7[%dma_wait3A_1551] : memref<3072xi32, #tpu.memory_space<vmem>> -> memref<128xi32, #tpu.memory_space<vmem>>
    %dma_wait3A_1553 = arith.constant 0 : i32
    %dma_wait3A_1554 = tpu.memref_slice %arg5[%dma_wait3A_1553] : memref<600000xf32, #tpu.memory_space<vmem_shared>> -> memref<600000xf32, #tpu.memory_space<vmem_shared>>
    tpu.wait_indirect_dma semaphore(%arg10 : memref<!tpu.dma_semaphore, #tpu.memory_space<semaphore_mem>>) src(%dma_wait3A_1554 : memref<600000xf32, #tpu.memory_space<vmem_shared>>) dst(%dma_wait3A_1550 : memref<128xf32, #tpu.memory_space<vmem>>)
    %dma_wait3A_1555 = arith.constant 1408 : i32
    %dma_wait3A_1556 = tpu.memref_slice %arg8[%dma_wait3A_1555] : memref<3072xf32, #tpu.memory_space<vmem>> -> memref<128xf32, #tpu.memory_space<vmem>>
    %dma_wait3A_1557 = arith.constant 1408 : i32
    %dma_wait3A_1558 = tpu.memref_slice %arg7[%dma_wait3A_1557] : memref<3072xi32, #tpu.memory_space<vmem>> -> memref<128xi32, #tpu.memory_space<vmem>>
    %dma_wait3A_1559 = arith.constant 0 : i32
    %dma_wait3A_1560 = tpu.memref_slice %arg5[%dma_wait3A_1559] : memref<600000xf32, #tpu.memory_space<vmem_shared>> -> memref<600000xf32, #tpu.memory_space<vmem_shared>>
    tpu.wait_indirect_dma semaphore(%arg10 : memref<!tpu.dma_semaphore, #tpu.memory_space<semaphore_mem>>) src(%dma_wait3A_1560 : memref<600000xf32, #tpu.memory_space<vmem_shared>>) dst(%dma_wait3A_1556 : memref<128xf32, #tpu.memory_space<vmem>>)
    %dma_wait3A_1561 = arith.constant 1536 : i32
    %dma_wait3A_1562 = tpu.memref_slice %arg8[%dma_wait3A_1561] : memref<3072xf32, #tpu.memory_space<vmem>> -> memref<128xf32, #tpu.memory_space<vmem>>
    %dma_wait3A_1563 = arith.constant 1536 : i32
    %dma_wait3A_1564 = tpu.memref_slice %arg7[%dma_wait3A_1563] : memref<3072xi32, #tpu.memory_space<vmem>> -> memref<128xi32, #tpu.memory_space<vmem>>
    %dma_wait3A_1565 = arith.constant 0 : i32
    %dma_wait3A_1566 = tpu.memref_slice %arg5[%dma_wait3A_1565] : memref<600000xf32, #tpu.memory_space<vmem_shared>> -> memref<600000xf32, #tpu.memory_space<vmem_shared>>
    tpu.wait_indirect_dma semaphore(%arg10 : memref<!tpu.dma_semaphore, #tpu.memory_space<semaphore_mem>>) src(%dma_wait3A_1566 : memref<600000xf32, #tpu.memory_space<vmem_shared>>) dst(%dma_wait3A_1562 : memref<128xf32, #tpu.memory_space<vmem>>)
    %dma_wait3A_1567 = arith.constant 1664 : i32
    %dma_wait3A_1568 = tpu.memref_slice %arg8[%dma_wait3A_1567] : memref<3072xf32, #tpu.memory_space<vmem>> -> memref<128xf32, #tpu.memory_space<vmem>>
    %dma_wait3A_1569 = arith.constant 1664 : i32
    %dma_wait3A_1570 = tpu.memref_slice %arg7[%dma_wait3A_1569] : memref<3072xi32, #tpu.memory_space<vmem>> -> memref<128xi32, #tpu.memory_space<vmem>>
    %dma_wait3A_1571 = arith.constant 0 : i32
    %dma_wait3A_1572 = tpu.memref_slice %arg5[%dma_wait3A_1571] : memref<600000xf32, #tpu.memory_space<vmem_shared>> -> memref<600000xf32, #tpu.memory_space<vmem_shared>>
    tpu.wait_indirect_dma semaphore(%arg10 : memref<!tpu.dma_semaphore, #tpu.memory_space<semaphore_mem>>) src(%dma_wait3A_1572 : memref<600000xf32, #tpu.memory_space<vmem_shared>>) dst(%dma_wait3A_1568 : memref<128xf32, #tpu.memory_space<vmem>>)
    %dma_wait3A_1573 = arith.constant 1792 : i32
    %dma_wait3A_1574 = tpu.memref_slice %arg8[%dma_wait3A_1573] : memref<3072xf32, #tpu.memory_space<vmem>> -> memref<128xf32, #tpu.memory_space<vmem>>
    %dma_wait3A_1575 = arith.constant 1792 : i32
    %dma_wait3A_1576 = tpu.memref_slice %arg7[%dma_wait3A_1575] : memref<3072xi32, #tpu.memory_space<vmem>> -> memref<128xi32, #tpu.memory_space<vmem>>
    %dma_wait3A_1577 = arith.constant 0 : i32
    %dma_wait3A_1578 = tpu.memref_slice %arg5[%dma_wait3A_1577] : memref<600000xf32, #tpu.memory_space<vmem_shared>> -> memref<600000xf32, #tpu.memory_space<vmem_shared>>
    tpu.wait_indirect_dma semaphore(%arg10 : memref<!tpu.dma_semaphore, #tpu.memory_space<semaphore_mem>>) src(%dma_wait3A_1578 : memref<600000xf32, #tpu.memory_space<vmem_shared>>) dst(%dma_wait3A_1574 : memref<128xf32, #tpu.memory_space<vmem>>)
    %dma_wait3A_1579 = arith.constant 1920 : i32
    %dma_wait3A_1580 = tpu.memref_slice %arg8[%dma_wait3A_1579] : memref<3072xf32, #tpu.memory_space<vmem>> -> memref<128xf32, #tpu.memory_space<vmem>>
    %dma_wait3A_1581 = arith.constant 1920 : i32
    %dma_wait3A_1582 = tpu.memref_slice %arg7[%dma_wait3A_1581] : memref<3072xi32, #tpu.memory_space<vmem>> -> memref<128xi32, #tpu.memory_space<vmem>>
    %dma_wait3A_1583 = arith.constant 0 : i32
    %dma_wait3A_1584 = tpu.memref_slice %arg5[%dma_wait3A_1583] : memref<600000xf32, #tpu.memory_space<vmem_shared>> -> memref<600000xf32, #tpu.memory_space<vmem_shared>>
    tpu.wait_indirect_dma semaphore(%arg10 : memref<!tpu.dma_semaphore, #tpu.memory_space<semaphore_mem>>) src(%dma_wait3A_1584 : memref<600000xf32, #tpu.memory_space<vmem_shared>>) dst(%dma_wait3A_1580 : memref<128xf32, #tpu.memory_space<vmem>>)
    %dma_wait3A_1585 = arith.constant 2048 : i32
    %dma_wait3A_1586 = tpu.memref_slice %arg8[%dma_wait3A_1585] : memref<3072xf32, #tpu.memory_space<vmem>> -> memref<128xf32, #tpu.memory_space<vmem>>
    %dma_wait3A_1587 = arith.constant 2048 : i32
    %dma_wait3A_1588 = tpu.memref_slice %arg7[%dma_wait3A_1587] : memref<3072xi32, #tpu.memory_space<vmem>> -> memref<128xi32, #tpu.memory_space<vmem>>
    %dma_wait3A_1589 = arith.constant 0 : i32
    %dma_wait3A_1590 = tpu.memref_slice %arg5[%dma_wait3A_1589] : memref<600000xf32, #tpu.memory_space<vmem_shared>> -> memref<600000xf32, #tpu.memory_space<vmem_shared>>
    tpu.wait_indirect_dma semaphore(%arg10 : memref<!tpu.dma_semaphore, #tpu.memory_space<semaphore_mem>>) src(%dma_wait3A_1590 : memref<600000xf32, #tpu.memory_space<vmem_shared>>) dst(%dma_wait3A_1586 : memref<128xf32, #tpu.memory_space<vmem>>)
    %dma_wait3A_1591 = arith.constant 2176 : i32
    %dma_wait3A_1592 = tpu.memref_slice %arg8[%dma_wait3A_1591] : memref<3072xf32, #tpu.memory_space<vmem>> -> memref<128xf32, #tpu.memory_space<vmem>>
    %dma_wait3A_1593 = arith.constant 2176 : i32
    %dma_wait3A_1594 = tpu.memref_slice %arg7[%dma_wait3A_1593] : memref<3072xi32, #tpu.memory_space<vmem>> -> memref<128xi32, #tpu.memory_space<vmem>>
    %dma_wait3A_1595 = arith.constant 0 : i32
    %dma_wait3A_1596 = tpu.memref_slice %arg5[%dma_wait3A_1595] : memref<600000xf32, #tpu.memory_space<vmem_shared>> -> memref<600000xf32, #tpu.memory_space<vmem_shared>>
    tpu.wait_indirect_dma semaphore(%arg10 : memref<!tpu.dma_semaphore, #tpu.memory_space<semaphore_mem>>) src(%dma_wait3A_1596 : memref<600000xf32, #tpu.memory_space<vmem_shared>>) dst(%dma_wait3A_1592 : memref<128xf32, #tpu.memory_space<vmem>>)
    %dma_wait3A_1597 = arith.constant 2304 : i32
    %dma_wait3A_1598 = tpu.memref_slice %arg8[%dma_wait3A_1597] : memref<3072xf32, #tpu.memory_space<vmem>> -> memref<128xf32, #tpu.memory_space<vmem>>
    %dma_wait3A_1599 = arith.constant 2304 : i32
    %dma_wait3A_1600 = tpu.memref_slice %arg7[%dma_wait3A_1599] : memref<3072xi32, #tpu.memory_space<vmem>> -> memref<128xi32, #tpu.memory_space<vmem>>
    %dma_wait3A_1601 = arith.constant 0 : i32
    %dma_wait3A_1602 = tpu.memref_slice %arg5[%dma_wait3A_1601] : memref<600000xf32, #tpu.memory_space<vmem_shared>> -> memref<600000xf32, #tpu.memory_space<vmem_shared>>
    tpu.wait_indirect_dma semaphore(%arg10 : memref<!tpu.dma_semaphore, #tpu.memory_space<semaphore_mem>>) src(%dma_wait3A_1602 : memref<600000xf32, #tpu.memory_space<vmem_shared>>) dst(%dma_wait3A_1598 : memref<128xf32, #tpu.memory_space<vmem>>)
    %dma_wait3A_1603 = arith.constant 2432 : i32
    %dma_wait3A_1604 = tpu.memref_slice %arg8[%dma_wait3A_1603] : memref<3072xf32, #tpu.memory_space<vmem>> -> memref<128xf32, #tpu.memory_space<vmem>>
    %dma_wait3A_1605 = arith.constant 2432 : i32
    %dma_wait3A_1606 = tpu.memref_slice %arg7[%dma_wait3A_1605] : memref<3072xi32, #tpu.memory_space<vmem>> -> memref<128xi32, #tpu.memory_space<vmem>>
    %dma_wait3A_1607 = arith.constant 0 : i32
    %dma_wait3A_1608 = tpu.memref_slice %arg5[%dma_wait3A_1607] : memref<600000xf32, #tpu.memory_space<vmem_shared>> -> memref<600000xf32, #tpu.memory_space<vmem_shared>>
    tpu.wait_indirect_dma semaphore(%arg10 : memref<!tpu.dma_semaphore, #tpu.memory_space<semaphore_mem>>) src(%dma_wait3A_1608 : memref<600000xf32, #tpu.memory_space<vmem_shared>>) dst(%dma_wait3A_1604 : memref<128xf32, #tpu.memory_space<vmem>>)
    %dma_wait3A_1609 = arith.constant 2560 : i32
    %dma_wait3A_1610 = tpu.memref_slice %arg8[%dma_wait3A_1609] : memref<3072xf32, #tpu.memory_space<vmem>> -> memref<128xf32, #tpu.memory_space<vmem>>
    %dma_wait3A_1611 = arith.constant 2560 : i32
    %dma_wait3A_1612 = tpu.memref_slice %arg7[%dma_wait3A_1611] : memref<3072xi32, #tpu.memory_space<vmem>> -> memref<128xi32, #tpu.memory_space<vmem>>
    %dma_wait3A_1613 = arith.constant 0 : i32
    %dma_wait3A_1614 = tpu.memref_slice %arg5[%dma_wait3A_1613] : memref<600000xf32, #tpu.memory_space<vmem_shared>> -> memref<600000xf32, #tpu.memory_space<vmem_shared>>
    tpu.wait_indirect_dma semaphore(%arg10 : memref<!tpu.dma_semaphore, #tpu.memory_space<semaphore_mem>>) src(%dma_wait3A_1614 : memref<600000xf32, #tpu.memory_space<vmem_shared>>) dst(%dma_wait3A_1610 : memref<128xf32, #tpu.memory_space<vmem>>)
    %dma_wait3A_1615 = arith.constant 2688 : i32
    %dma_wait3A_1616 = tpu.memref_slice %arg8[%dma_wait3A_1615] : memref<3072xf32, #tpu.memory_space<vmem>> -> memref<128xf32, #tpu.memory_space<vmem>>
    %dma_wait3A_1617 = arith.constant 2688 : i32
    %dma_wait3A_1618 = tpu.memref_slice %arg7[%dma_wait3A_1617] : memref<3072xi32, #tpu.memory_space<vmem>> -> memref<128xi32, #tpu.memory_space<vmem>>
    %dma_wait3A_1619 = arith.constant 0 : i32
    %dma_wait3A_1620 = tpu.memref_slice %arg5[%dma_wait3A_1619] : memref<600000xf32, #tpu.memory_space<vmem_shared>> -> memref<600000xf32, #tpu.memory_space<vmem_shared>>
    tpu.wait_indirect_dma semaphore(%arg10 : memref<!tpu.dma_semaphore, #tpu.memory_space<semaphore_mem>>) src(%dma_wait3A_1620 : memref<600000xf32, #tpu.memory_space<vmem_shared>>) dst(%dma_wait3A_1616 : memref<128xf32, #tpu.memory_space<vmem>>)
    %dma_wait3A_1621 = arith.constant 2816 : i32
    %dma_wait3A_1622 = tpu.memref_slice %arg8[%dma_wait3A_1621] : memref<3072xf32, #tpu.memory_space<vmem>> -> memref<128xf32, #tpu.memory_space<vmem>>
    %dma_wait3A_1623 = arith.constant 2816 : i32
    %dma_wait3A_1624 = tpu.memref_slice %arg7[%dma_wait3A_1623] : memref<3072xi32, #tpu.memory_space<vmem>> -> memref<128xi32, #tpu.memory_space<vmem>>
    %dma_wait3A_1625 = arith.constant 0 : i32
    %dma_wait3A_1626 = tpu.memref_slice %arg5[%dma_wait3A_1625] : memref<600000xf32, #tpu.memory_space<vmem_shared>> -> memref<600000xf32, #tpu.memory_space<vmem_shared>>
    tpu.wait_indirect_dma semaphore(%arg10 : memref<!tpu.dma_semaphore, #tpu.memory_space<semaphore_mem>>) src(%dma_wait3A_1626 : memref<600000xf32, #tpu.memory_space<vmem_shared>>) dst(%dma_wait3A_1622 : memref<128xf32, #tpu.memory_space<vmem>>)
    %dma_wait3A_1627 = arith.constant 2944 : i32
    %dma_wait3A_1628 = tpu.memref_slice %arg8[%dma_wait3A_1627] : memref<3072xf32, #tpu.memory_space<vmem>> -> memref<128xf32, #tpu.memory_space<vmem>>
    %dma_wait3A_1629 = arith.constant 2944 : i32
    %dma_wait3A_1630 = tpu.memref_slice %arg7[%dma_wait3A_1629] : memref<3072xi32, #tpu.memory_space<vmem>> -> memref<128xi32, #tpu.memory_space<vmem>>
    %dma_wait3A_1631 = arith.constant 0 : i32
    %dma_wait3A_1632 = tpu.memref_slice %arg5[%dma_wait3A_1631] : memref<600000xf32, #tpu.memory_space<vmem_shared>> -> memref<600000xf32, #tpu.memory_space<vmem_shared>>
    tpu.wait_indirect_dma semaphore(%arg10 : memref<!tpu.dma_semaphore, #tpu.memory_space<semaphore_mem>>) src(%dma_wait3A_1632 : memref<600000xf32, #tpu.memory_space<vmem_shared>>) dst(%dma_wait3A_1628 : memref<128xf32, #tpu.memory_space<vmem>>)
    %parallel_loop3A = arith.constant 0 : i32
    %parallel_loop3A_1633 = arith.constant 192 : i32
    %parallel_loop3A_1634 = arith.constant 1 : i32
    scf.for %parallel_loop3A_1635 = %parallel_loop3A to %parallel_loop3A_1633 step %parallel_loop3A_1634  : i32 {
      %parallel_loop3A_1636 = tpu.iota {dimensions = array<i32: 0>} : vector<16xi32>
      %parallel_loop3A_1637 = arith.constant 16 : i32
      %parallel_loop3A_1638 = arith.muli %parallel_loop3A_1635, %parallel_loop3A_1637 : i32
      %parallel_loop3A_1639 = vector.broadcast %parallel_loop3A_1638 : i32 to vector<16xi32>
      %parallel_loop3A_1640 = arith.addi %parallel_loop3A_1636, %parallel_loop3A_1639 : vector<16xi32>
      %parallel_loop3A_1641 = arith.constant 9 : i32
      %parallel_loop3A_1642 = vector.broadcast %parallel_loop3A_1641 : i32 to vector<16xi32>
      %parallel_loop3A_1643 = arith.shrui %parallel_loop3A_1640, %parallel_loop3A_1642 : vector<16xi32>
      %parallel_loop3A_1644 = arith.constant 512 : i32
      %parallel_loop3A_1645 = vector.broadcast %parallel_loop3A_1644 : i32 to vector<16xi32>
      %parallel_loop3A_1646 = arith.muli %parallel_loop3A_1643, %parallel_loop3A_1645 : vector<16xi32>
      %parallel_loop3A_1647 = arith.subi %parallel_loop3A_1640, %parallel_loop3A_1646 : vector<16xi32>
      %parallel_loop3A_1648 = arith.constant 16 : i32
      %parallel_loop3A_1649 = arith.muli %parallel_loop3A_1635, %parallel_loop3A_1648 : i32
      %parallel_loop3A_1650 = arith.index_cast %parallel_loop3A_1649 : i32 to index
      %parallel_loop3A_1651 = tpu.vector_load %arg8[%parallel_loop3A_1650] {strides = array<i32>} : memref<3072xf32, #tpu.memory_space<vmem>>, vector<16xf32>,
      tpu.vector_store_idx %arg9[%parallel_loop3A_1643, %parallel_loop3A_1647], %parallel_loop3A_1651 : memref<6x512xf32, #tpu.memory_space<vmem>>[vector<16xi32>, vector<16xi32>], vector<16xf32>,
    } {sc.loop_unroll_factor = 8 : i64, sc.parallel_access}
    "tpu.region"() ({
      %run_scoped3A = tpu.sem_alloc : memref<!tpu.dma_semaphore, #tpu.memory_space<semaphore_mem>>
      %dma_start3A_1635 = arith.constant 0 : i32
      %dma_start3A_1636 = tpu.memref_slice %arg4[%dma_start3A_1635, %mul3A_2] : memref<6x16384xf32, #tpu.memory_space<hbm>> -> memref<6x512xf32, #tpu.memory_space<hbm>>
      %dma_start3A_1637 = arith.constant 0 : i32
      %dma_start3A_1638 = tpu.memref_slice %arg4[%dma_start3A_1637, %mul3A_2] : memref<6x16384xf32, #tpu.memory_space<hbm>> -> memref<6x512xf32, #tpu.memory_space<hbm>>
      tpu.enqueue_dma source(%arg9 : memref<6x512xf32, #tpu.memory_space<vmem>>) target(%dma_start3A_1638 : memref<6x512xf32, #tpu.memory_space<hbm>>) target_semaphore(%run_scoped3A : memref<!tpu.dma_semaphore, #tpu.memory_space<semaphore_mem>>)
      %dma_wait3A_1639 = arith.constant 0 : i32
      %dma_wait3A_1640 = tpu.memref_slice %arg4[%dma_wait3A_1639, %mul3A_2] : memref<6x16384xf32, #tpu.memory_space<hbm>> -> memref<6x512xf32, #tpu.memory_space<hbm>>
      %dma_wait3A_1641 = arith.constant 0 : i32
      %dma_wait3A_1642 = tpu.memref_slice %arg4[%dma_wait3A_1641, %mul3A_2] : memref<6x16384xf32, #tpu.memory_space<hbm>> -> memref<6x512xf32, #tpu.memory_space<hbm>>
      tpu.wait_dma2 semaphore(%run_scoped3A : memref<!tpu.dma_semaphore, #tpu.memory_space<semaphore_mem>>) src(%arg9 : memref<6x512xf32, #tpu.memory_space<vmem>>) dst(%dma_wait3A_1642 : memref<6x512xf32, #tpu.memory_space<hbm>>)
      tpu.yield
    }) : () -> ()
    return
  }
}

</mosaic_0001>

<sc_bundles>
// kernel: kernel.3.cloned.1.call-start
scs
__scs_entry_jumppad:
0x0: {  	(pc) =	sbr.rel $0x88, $3  }
0x1: {  	(tag) =	ssettag $0x0;
	lr =	simm.s32 $0x1  }
0x2: {  	[smem:$0x3F9F] =	sst lr;
	_ =	strace $0xD0000000  }
0x3: {  	_ = 	snop  }
0x4: {  	_ = 	snop  }
0x5: {  	_ = 	snop  }
0x6: {  	_ = 	snop  }
0x7: {  	_ = 	snop  }
__scs_overlays_trampoline_lowered:
0x8: {  	[smem:$0x3FAE] =	sst s0  }
0x9: {  	[smem:$0x3FAF] =	sst s1  }
0xa: {  	[smem:$0x3FB0] =	sst s2  }
0xb: {  	[smem:$0x3FB1] =	sst s3  }
0xc: {  	[smem:$0x3FB2] =	sst s4  }
0xd: {  	[smem:$0x3FB3] =	sst s5  }
0xe: {  	[smem:$0x3FB4] =	sst s6  }
0xf: {  	[smem:$0x3FB5] =	sst s7  }
0x10: {  	[smem:$0x3FB6] =	sst s8  }
0x11: {  	[smem:$0x3FB7] =	sst s9;
	s0 =	simm.s32 @!p0 $0x0  }
0x12: {  	s1 =	sld [smem:$0x3F9D];
	s0 =	simm.s32 @p0 $0x1  }
0x13: {  	[smem:$0x3FB8] =	sst s0;
	s0 =	simm.s32 @!p1 $0x0  }
0x14: {  	s2 =	sld [smem:$0x3F9C];
	s0 =	simm.s32 @p1 $0x1  }
0x15: {  	[smem:$0x3FB9] =	sst s0;
	s0 =	simm.s32 @!p2 $0x0  }
0x16: {  	s3 =	sld [smem:$0x3FDB];
	s0 =	simm.s32 @p2 $0x1  }
0x17: {  	s4 =	simm.s32 $0x1BF5;
	[smem:$0x3FBB] =	sst s0  }
0x18: {  	s0 =	sld [smem:$0x3F9E];
	_ =	swait.ge [sflag:s4], $0x0  }
0x19: {  	s7 =	sld [smem:$0x3F9F]  }
0x1a: {  	s8 =	sadd.s32 $0xFFFFE003, lr  }
0x1b: {  	s9 =	sadd.s32 $0xFFFFFEF7, lr;
	s5 =	simm.s32 $0xFFFFFFFF;
	p2 =	slt.u32 s8, $0xFFFFF086  }
0x1c: {  	p1 =	slt.u32 s9, $0xF7A;
	s5 =	simm.s32 @!p2 $0x0  }
0x1d: {  	s5 =	simm.s32 @p1 $0x1;
	p0 =	seq.s32 s7, s2  }
0x1e: {  	s7 =	smul.u32 @!p0 $0xF7A, s2;
	p2 =	seq.s32 @!p0 s5, $0x0  }
0x1f: {  	s9 =	smul.u32 $0xF7A, s1;
	s8 =	simm.s32 @!p0 $0x1BF5;
	p2 =	por !p2, p0  }
0x20: {  	[sflag:s8] =	ssyncset.s32 @!p0 $0xFFFFF086;
	s6 =	sadd.s32 @!p0 s3, s7;
	s7 =	simm.s32 @!p0 $0x108  }
0x21: {  	s3 =	sadd.s32 s3, s9;
	s6 =	sadd.s32 @!p0 $0x88, s6;
	s7 =	simm.s32 @p2 $0x1082  }
0x22: {  	[simem:s7], [sflag:s8] =	dma.local @!p0 [hbm:s6], $0xF7A  }
0x23: {  	s9 =	sor.u32 $0xD0000000, s2;
	s6 =	simm.s32 $0x108;
	_ =	swait.ge @!p0 [sflag:s8], $0x0  }
0x24: {  	s3 =	sadd.s32 $0x88, s3;
	s6 =	simm.s32 @!p1 $0x1082;
	[sflag:s4] =	ssyncset.s32 $0xFFFFF086  }
0x25: {  	[simem:s6], [sflag:s4] =	dma.local [hbm:s3], $0xF7A  }
0x26: {  	[smem:$0x3F9F] =	sst s1;
	(tag) =	ssettag s2;
	_ =	strace s9  }
0x27: {  	s1 =	sld [smem:$0x3FAF]  }
0x28: {  	s2 =	sld [smem:$0x3FB0]  }
0x29: {  	s4 =	sld [smem:$0x3FB2]  }
0x2a: {  	p0 =	seq.s32 s5, $0x0;
	s5 =	sld [smem:$0x3FB3]  }
0x2b: {  	s6 =	sld [smem:$0x3FB4]  }
0x2c: {  	s7 =	sld [smem:$0x3FB5]  }
0x2d: {  	s3 =	simm.s32 $0x108;
	s8 =	sld [smem:$0x3FB6]  }
0x2e: {  	s3 =	simm.s32 @!p0 $0x1082;
	s9 =	sld [smem:$0x3FB7]  }
0x2f: {  	lr =	sadd.s32 s0, s3;
	s0 =	sld [smem:$0x3FAE]  }
0x30: {  	s3 =	sld [smem:$0x3FB1]  }
0x31: {  	[smem:$0x3FBA] =	sst s10  }
0x32: {  	s10 =	sld [smem:$0x3FB8];
	_ =	sdelay $0x3  }
0x33: {  	p0 =	seq.s32 s10, $0x1;
	s10 =	sld [smem:$0x3FBA];
	_ =	sdelay $0x3  }
0x34: {  	[smem:$0x3FBA] =	sst s10  }
0x35: {  	s10 =	sld [smem:$0x3FB9];
	_ =	sdelay $0x3  }
0x36: {  	p1 =	seq.s32 s10, $0x1;
	s10 =	sld [smem:$0x3FBA];
	_ =	sdelay $0x3  }
0x37: {  	[smem:$0x3FBA] =	sst s10  }
0x38: {  	s10 =	sld [smem:$0x3FBB]  }
0x39: {  	_ = 	snop;
	(pc) =	sbr.ind lr, $3  }
0x3a: {  	_ = 	snop  }
0x3b: {  	_ = 	snop  }
0x3c: {  	p2 =	seq.s32 s10, $0x1;
	s10 =	sld [smem:$0x3FBA]  }
0x3d: {  	_ =	shalt  }
0x3e: {  	_ =	shalt  }
0x3f: {  	_ =	shalt  }
0x40: {  	_ =	shalt  }
0x41: {  	_ =	shalt  }
0x42: {  	_ =	shalt  }
0x43: {  	_ =	shalt  }
0x44: {  	_ =	shalt  }
0x45: {  	_ =	shalt  }
0x46: {  	_ =	shalt  }
0x47: {  	_ =	shalt  }
0x48: {  	_ =	shalt  }
0x49: {  	_ =	shalt  }
0x4a: {  	_ =	shalt  }
0x4b: {  	_ =	shalt  }
0x4c: {  	_ =	shalt  }
0x4d: {  	_ =	shalt  }
0x4e: {  	_ =	shalt  }
0x4f: {  	_ =	shalt  }
0x50: {  	_ =	shalt  }
0x51: {  	_ =	shalt  }
0x52: {  	_ =	shalt  }
0x53: {  	_ =	shalt  }
0x54: {  	_ =	shalt  }
0x55: {  	_ =	shalt  }
0x56: {  	_ =	shalt  }
0x57: {  	_ =	shalt  }
0x58: {  	_ =	shalt  }
0x59: {  	_ =	shalt  }
0x5a: {  	_ =	shalt  }
0x5b: {  	_ =	shalt  }
0x5c: {  	_ =	shalt  }
0x5d: {  	_ =	shalt  }
0x5e: {  	_ =	shalt  }
0x5f: {  	_ =	shalt  }
0x60: {  	_ =	shalt  }
0x61: {  	_ =	shalt  }
0x62: {  	_ =	shalt  }
0x63: {  	_ =	shalt  }
0x64: {  	_ =	shalt  }
0x65: {  	_ =	shalt  }
0x66: {  	_ =	shalt  }
0x67: {  	_ =	shalt  }
0x68: {  	_ =	shalt  }
0x69: {  	_ =	shalt  }
0x6a: {  	_ =	shalt  }
0x6b: {  	_ =	shalt  }
0x6c: {  	_ =	shalt  }
0x6d: {  	_ =	shalt  }
0x6e: {  	_ =	shalt  }
0x6f: {  	_ =	shalt  }
0x70: {  	_ =	shalt  }
0x71: {  	_ =	shalt  }
0x72: {  	_ =	shalt  }
0x73: {  	_ =	shalt  }
0x74: {  	_ =	shalt  }
0x75: {  	_ =	shalt  }
0x76: {  	_ =	shalt  }
0x77: {  	_ =	shalt  }
0x78: {  	_ =	shalt  }
0x79: {  	_ =	shalt  }
0x7a: {  	_ =	shalt  }
0x7b: {  	_ =	shalt  }
0x7c: {  	_ =	shalt  }
0x7d: {  	_ =	shalt  }
0x7e: {  	_ =	shalt  }
0x7f: {  	_ =	shalt  }
0x80: {  	_ =	shalt  }
0x81: {  	_ =	shalt  }
0x82: {  	_ =	shalt  }
0x83: {  	_ =	shalt  }
0x84: {  	_ =	shalt  }
0x85: {  	_ =	shalt  }
0x86: {  	_ =	shalt  }
0x87: {  	_ =	shalt  }
.Lfunc_end0:
.L_simem_size_0:
called_computation_lowered:
.L_overlay_start_0:
0x88: {  	s2 =	sld [smem:$0x3FD9]  }
0x89: {  	s3 =	sld [smem:$0x3FFE];
	_ =	sdelay $0x1  }
0x8a: {  	s1 =	srdreg.scid  }
0x8b: {  	s0 =	sand.u32 $0x1, s1  }
0x8c: {  	s17 =	sshll.u32 s0, $0xA;
	s2 =	sadd.s32 s3, s2  }
0x8d: {  	s2 =	sadd.s32 s2, s17  }
0x8e: {  	[smem:$0x3FC6] =	sst s2  }
0x8f: {  	_ = 	snop  }
0x90: {  	s2 =	sld [smem:$0x3FC9]  }
0x91: {  	s18 =	sld [smem:$0x3FD0];
	(tm) =	ssettm $0x1  }
0x92: {  	s4 =	sld [smem:$0x3FFB];
	_ =	sdelay $0x3  }
0x93: {  	_ =	strace s4  }
0x94: {  	s4 =	sld [smem:$0x3FFC];
	_ =	sdelay $0x3  }
0x95: {  	_ =	strace s4  }
0x96: {  	s4 =	sld [smem:$0x3FFD];
	_ =	sdelay $0x3  }
0x97: {  	_ =	strace s4  }
0x98: {  	_ =	strace $0x8FFFFFFF  }
0x99: {  	s19 =	sld [smem:$0x3FDB];
	_ =	sdelay $0x1  }
0x9a: {  	s5 =	simm.s32 $_scs_section_size  }
0x9b: {  	s6 =	simm.s32 $_size__tile_overlayer_lowered;
	s7 =	simm.s32 $_tile_overlayer_lowered  }
0x9c: {  	s22 =	simm.s32 $0x1BFF;
	s21 =	sshll.u32 s7, $0x1;
	s4 =	sadd.s32 s5, s19  }
0x9d: {  	s8 =	simm.s32 $0x0;
	s20 =	sshll.u32 s6, $0x1;
	s6 =	sadd.s32 s21, s4  }
0x9e: {  	[timem:s8], [sflag:s22] =	dma.local [hbm:s6], s20  }
0x9f: {  	_ =	swait.ge [sflag:s22], s20  }
0xa0: {  	s5 =	ssub.s32 $0x0, s20;
	[sflag:s22] =	ssyncset.done $0x0  }
0xa1: {  	[sflag:s22] =	ssyncadd.s32 s5;
	_ =	sdelay $0x1  }
0xa2: {  	s23 =	simm.s32 $0x1B8B  }
0xa3: {  	_ =	swait.ge [sflag:s23], $0x1  }
0xa4: {  	[sflag:s23] =	ssyncset.done $0x0  }
0xa5: {  	s25 =	simm.s32 $0x1B8E;
	s24 =	sld [smem:$0x3FFE];
	[sflag:s23] =	ssyncadd.s32 $0xFFFFFFFF  }
0xa6: {  	s26 =	simm.s32 $execute0_lowered;
	[smem:$0x3FD2] =	sst s25  }
0xa7: {  	s6 =	sshll.u32 s26, $0x1;
	_ =	strace $0x80000046;
	[dreg:$0x1] =	wrdreg $0xFFFFFFFF  }
0xa8: {  	s28 =	simm.s32 $_size_execute0_lowered;
	s4 =	sadd.s32 s4, s6;
	[dreg:$0x0] =	wrdreg $0x0  }
0xa9: {  	s6 =	sshll.u32 s28, $0x1;
	[dreg:$0x2] =	wrdreg s4  }
0xaa: {  	[dreg:$0x3] =	wrdreg s6  }
0xab: {  	[dreg:$0x4] =	wrdreg $0xC0  }
0xac: {  	_ =	task [dreg:s8], $0x5FFFF  }
0xad: {  	[dreg:$0x1] =	wrdreg $0xFFFFFFFF  }
0xae: {  	[dreg:$0x0] =	wrdreg $0x60  }
0xaf: {  	[dreg:$0x2] =	wrdreg s2  }
0xb0: {  	[dreg:$0x3] =	wrdreg s24  }
0xb1: {  	[dreg:$0x4] =	wrdreg s18  }
0xb2: {  	[dreg:$0x5] =	wrdreg $0x0  }
0xb3: {  	[dreg:$0x6] =	wrdreg $0x9  }
0xb4: {  	_ =	task.clear_ibuf [dreg:s8], $0x7FFFF;
	_ =	strace $0x90000046  }
0xb5: {  	s29 =	simm.s32 $0x9;
	_ =	strace $0x80000048  }
0xb6: {  	_ =	swait.ge [sflag:s29], $0x1  }
0xb7: {  	[sflag:s29] =	ssyncadd.s32 $0xFFFFFFFF  }
0xb8: {  	_ =	strace $0x90000048  }
0xb9: {  	_ =	sfence  }
0xba: {  	s30 =	sld [smem:$0x0];
	_ =	sdelay $0x2  }
0xbb: {  	s31 =	sshll.u32 s1, $0xD;
	s1 =	sshrl.u32 s1, $0x2  }
0xbc: {  	s3 =	sand.u32 $0x4000, s31;
	s1 =	sadd.s32 s1, s30  }
0xbd: {  	s0 =	sor.u32 s3, s0;
	s1 =	sshll.u32 s1, $0x11  }
0xbe: {  	s0 =	sor.u32 s1, s0  }
0xbf: {  	s0 =	sadd.s32 $0x8F2B, s0  }
0xc0: {  	[sflag:s0] =	ssyncadd.remote.s32 $0x1  }
0xc1: {  	_ =	sfence.sel $0xFFFF  }
0xc2: {  	[dreg:$0x0] =	wrdreg $0xFFFFFFFF;
	(pc) =	sbr.abs _section_cstart, $3  }
0xc3: {  	[dreg:$0x1] =	wrdreg $0xFFFFFFFF  }
0xc4: {  	_ =	task.clear_ibuf [dreg:s8], $0x2FFFF;
	_ =	strace $0x9FFFFFFF  }
0xc5: {  	(tm) =	ssettm $0x7FFFFFFF  }
tec
execute0_lowered:
.L_overlay_start_1:
0x0: {  	(tag) =	ssettag $0x1  }
0x1: {  	s0 =	rddreg [dreg:$0x0]  }
0x2: {  	s3 =	rddreg [dreg:$0x1]  }
0x3: {  	s5 =	rddreg [dreg:$0x2]  }
0x4: {  	s1 =	rddreg [dreg:$0x3]  }
0x5: {  	s4 =	srdreg.scid;
	s2 =	simm.s32 $0x0;
	s6 =	stileid.u32  }
0x6: {  	s10 =	simm.s32 $0x80;
	s22 =	simm.s32 $0xA880;
	s23 =	simm.s32 $0x9D00  }
0x7: {  	s24 =	simm.s32 $0xA900;
	s25 =	simm.s32 $0x9D80;
	s28 =	simm.s32 $0x9E00  }
0x8: {  	s29 =	simm.s32 $0xAA00;
	s30 =	simm.s32 $0x9E80;
	s31 =	simm.s32 $0xAA80  }
0x9: {  	s11 =	simm.s32 $0x9F80;
	s12 =	simm.s32 $0xAB80;
	s13 =	simm.s32 $0xA000  }
0xa: {  	s14 =	simm.s32 $0xAC00;
	s15 =	simm.s32 $0x1;
	s16 =	simm.s32 $0xAC80  }
0xb: {  	s17 =	simm.s32 $0x0;
	s4 =	sand.u32 $0x1, s4;
	[smem:$0x7FF] =	sst s2  }
0xc: {  	s7 =	sshll.u32 s6, $0xA;
	s3 =	sadd.s32 $0x400, s3;
	s8 =	sshll.u32 s4, $0x9  }
0xd: {  	p0 =	sne.s32 s6, $0x0;
	s4 =	ssub.s32 $0x2, s4;
	s7 =	sor.u32 s8, s7  }
0xe: {  	v0 =	vlaneseq.u32;
	_ =	strace $0x80000047;
	s26 =	sshrl.u32 s4, $0x1;
	s9 =	sshrl.u32 s7, $0x3  }
0xf: {  	v1 =	vor.u32 $0x10, v0;
	s8 =	ssub.s32 s4, s26;
	s5 =	sadd.s32 s5, s7;
	s7 =	sshrl.u32 @!p0 s1, $0x3  }
0x10: {  	v2 =	vor.u32 $0x20, v0;
	v3 =	vor.u32 $0x30, v0;
	v4 =	vor.u32 $0x40, v0;
	s26 =	simm.s32 $0xA980;
	s4 =	sadd.s32 s0, s9;
	s6 =	smax.u32 s8, $0x1  }
0x11: {  	v5 =	vor.u32 $0x50, v0;
	v6 =	vor.u32 $0x60, v0;
	v7 =	vor.u32 $0x70, v0;
	s9 =	simm.s32 $0x2;
	s0 =	simm.s32 $0x9F00;
	s8 =	simm.s32 $0xAB00  }
.LBB2_1:
0x12: {  	s18 =	simm.s32 @!p0 $0x1C02  }
0x13: {  	[spmem:s7], [sflag:s18] =	dma.local @!p0 [hbm:s3], $0x12500  }
0x14: {  	s18 =	simm.s32 @!p0 $0x2  }
0x15: {  	_ =	swait.ge @!p0 [sflag:s18], $0x12500  }
0x16: {  	[sflag:s18] =	ssyncset.done @!p0 $0x0  }
0x17: {  	s20 =	simm.s32 $0x9280;
	[sflag:s18] =	ssyncadd.s32 @!p0 $0xFFFEDB00  }
0x18: {  	[tilespmem:s20], [sflag:$0x2] =	stream.linear.gather [hbm4b:s4+s2], $0x200, $0x38;
	[tilespmem:$0xBC80] =	vst v63  }
0x19: {  	_ =	swait.ge [sflag:s9], $0x200  }
0x1a: {  	[sflag:s9] =	ssyncset.done $0x0  }
0x1b: {  	[sflag:s9] =	ssyncadd.s32 $0xFFFFFE00  }
0x1c: {  	v8 =	vld [tilespmem:$0x9280]  }
0x1d: {  	v9 =	vld [tilespmem:$0x9290]  }
0x1e: {  	v10 =	vld [tilespmem:$0x92A0]  }
0x1f: {  	v11 =	vld [tilespmem:$0x92B0]  }
0x20: {  	v12 =	vld [tilespmem:$0x92C0]  }
0x21: {  	v13 =	vld [tilespmem:$0x92D0]  }
0x22: {  	[tilespmem:$0x9480] =	vst v8;
	v8 =	vld [tilespmem:$0x92E0]  }
0x23: {  	[tilespmem:$0x9490] =	vst v9;
	v9 =	vld [tilespmem:$0x92F0]  }
0x24: {  	[tilespmem:$0x94A0] =	vst v10;
	v10 =	vld [tilespmem:$0x9300]  }
0x25: {  	[tilespmem:$0x94B0] =	vst v11;
	v11 =	vld [tilespmem:$0x9310]  }
0x26: {  	[tilespmem:$0x94C0] =	vst v12;
	v12 =	vld [tilespmem:$0x9320]  }
0x27: {  	[tilespmem:$0x94D0] =	vst v13;
	v13 =	vld [tilespmem:$0x9330]  }
0x28: {  	[tilespmem:$0x94E0] =	vst v8;
	v8 =	vld [tilespmem:$0x9340]  }
0x29: {  	[tilespmem:$0x94F0] =	vst v9;
	v9 =	vld [tilespmem:$0x9350]  }
0x2a: {  	[tilespmem:$0x9500] =	vst v10;
	v10 =	vld [tilespmem:$0x9360]  }
0x2b: {  	[tilespmem:$0x9510] =	vst v11;
	v11 =	vld [tilespmem:$0x9370]  }
0x2c: {  	[tilespmem:$0x9520] =	vst v12;
	v12 =	vld [tilespmem:$0x9380]  }
0x2d: {  	[tilespmem:$0x9530] =	vst v13;
	v13 =	vld [tilespmem:$0x9390]  }
0x2e: {  	[tilespmem:$0x9540] =	vst v8;
	v8 =	vld [tilespmem:$0x93A0]  }
0x2f: {  	[tilespmem:$0x9550] =	vst v9;
	v9 =	vld [tilespmem:$0x93B0]  }
0x30: {  	[tilespmem:$0x9560] =	vst v10;
	v10 =	vld [tilespmem:$0x93C0]  }
0x31: {  	[tilespmem:$0x9570] =	vst v11;
	v11 =	vld [tilespmem:$0x93D0]  }
0x32: {  	[tilespmem:$0x9580] =	vst v12;
	v12 =	vld [tilespmem:$0x93E0]  }
0x33: {  	[tilespmem:$0x9590] =	vst v13;
	v13 =	vld [tilespmem:$0x93F0]  }
0x34: {  	[tilespmem:$0x95A0] =	vst v8;
	v8 =	vld [tilespmem:$0x9400]  }
0x35: {  	[tilespmem:$0x95B0] =	vst v9;
	v9 =	vld [tilespmem:$0x9410]  }
0x36: {  	[tilespmem:$0x95C0] =	vst v10;
	v10 =	vld [tilespmem:$0x9420]  }
0x37: {  	[tilespmem:$0x95D0] =	vst v11;
	v11 =	vld [tilespmem:$0x9430]  }
0x38: {  	[tilespmem:$0x95E0] =	vst v12;
	v12 =	vld [tilespmem:$0x9440]  }
0x39: {  	[tilespmem:$0x95F0] =	vst v13;
	v13 =	vld [tilespmem:$0x9450]  }
0x3a: {  	[tilespmem:$0x9600] =	vst v8;
	v8 =	vld [tilespmem:$0x9460]  }
0x3b: {  	[tilespmem:$0x9610] =	vst v9;
	v9 =	vld [tilespmem:$0x9470]  }
0x3c: {  	[tilespmem:$0x9620] =	vst v10;
	v10 =	vld [tilespmem:$0x9280]  }
0x3d: {  	[tilespmem:$0x9630] =	vst v11;
	v11 =	vld [tilespmem:$0x9290]  }
0x3e: {  	[tilespmem:$0x9640] =	vst v12;
	v12 =	vld [tilespmem:$0x92A0]  }
0x3f: {  	[tilespmem:$0x9650] =	vst v13;
	v13 =	vld [tilespmem:$0x92B0]  }
0x40: {  	[tilespmem:$0x9660] =	vst v8;
	v8 =	vld [tilespmem:$0x92C0]  }
0x41: {  	[tilespmem:$0x9670] =	vst v9;
	v9 =	vadd.s32 $0x186A0, v10;
	v10 =	vld [tilespmem:$0x92D0]  }
0x42: {  	[tilespmem:$0x9680] =	vst v9;
	v9 =	vadd.s32 $0x186A0, v11;
	v11 =	vld [tilespmem:$0x92E0]  }
0x43: {  	[tilespmem:$0x9690] =	vst v9;
	v9 =	vadd.s32 $0x186A0, v12;
	v12 =	vld [tilespmem:$0x92F0]  }
0x44: {  	[tilespmem:$0x96A0] =	vst v9;
	v9 =	vadd.s32 $0x186A0, v13;
	v13 =	vld [tilespmem:$0x9300]  }
0x45: {  	[tilespmem:$0x96B0] =	vst v9;
	v9 =	vld [tilespmem:$0x9310];
	v8 =	vadd.s32 $0x186A0, v8  }
0x46: {  	[tilespmem:$0x96C0] =	vst v8;
	v8 =	vadd.s32 $0x186A0, v10;
	v10 =	vld [tilespmem:$0x9320]  }
0x47: {  	[tilespmem:$0x96D0] =	vst v8;
	v8 =	vadd.s32 $0x186A0, v11;
	v11 =	vld [tilespmem:$0x9330]  }
0x48: {  	[tilespmem:$0x96E0] =	vst v8;
	v8 =	vadd.s32 $0x186A0, v12;
	v12 =	vld [tilespmem:$0x9340]  }
0x49: {  	[tilespmem:$0x96F0] =	vst v8;
	v8 =	vadd.s32 $0x186A0, v13;
	v13 =	vld [tilespmem:$0x9350]  }
0x4a: {  	[tilespmem:$0x9700] =	vst v8;
	v8 =	vadd.s32 $0x186A0, v9;
	v9 =	vld [tilespmem:$0x9360]  }
0x4b: {  	[tilespmem:$0x9710] =	vst v8;
	v8 =	vadd.s32 $0x186A0, v10;
	v10 =	vld [tilespmem:$0x9370]  }
0x4c: {  	[tilespmem:$0x9720] =	vst v8;
	v8 =	vadd.s32 $0x186A0, v11;
	v11 =	vld [tilespmem:$0x9380]  }
0x4d: {  	[tilespmem:$0x9730] =	vst v8;
	v8 =	vadd.s32 $0x186A0, v12;
	v12 =	vld [tilespmem:$0x9390]  }
0x4e: {  	[tilespmem:$0x9740] =	vst v8;
	v8 =	vadd.s32 $0x186A0, v13;
	v13 =	vld [tilespmem:$0x93A0]  }
0x4f: {  	[tilespmem:$0x9750] =	vst v8;
	v8 =	vadd.s32 $0x186A0, v9;
	v9 =	vld [tilespmem:$0x93B0]  }
0x50: {  	[tilespmem:$0x9760] =	vst v8;
	v8 =	vadd.s32 $0x186A0, v10;
	v10 =	vld [tilespmem:$0x93C0]  }
0x51: {  	[tilespmem:$0x9770] =	vst v8;
	v8 =	vadd.s32 $0x186A0, v11;
	v11 =	vld [tilespmem:$0x93D0]  }
0x52: {  	[tilespmem:$0x9780] =	vst v8;
	v8 =	vadd.s32 $0x186A0, v12;
	v12 =	vld [tilespmem:$0x93E0]  }
0x53: {  	[tilespmem:$0x9790] =	vst v8;
	v8 =	vadd.s32 $0x186A0, v13;
	v13 =	vld [tilespmem:$0x93F0]  }
0x54: {  	[tilespmem:$0x97A0] =	vst v8;
	v8 =	vadd.s32 $0x186A0, v9;
	v9 =	vld [tilespmem:$0x9400]  }
0x55: {  	[tilespmem:$0x97B0] =	vst v8;
	v8 =	vadd.s32 $0x186A0, v10;
	v10 =	vld [tilespmem:$0x9410]  }
0x56: {  	[tilespmem:$0x97C0] =	vst v8;
	v8 =	vadd.s32 $0x186A0, v11;
	v11 =	vld [tilespmem:$0x9420]  }
0x57: {  	[tilespmem:$0x97D0] =	vst v8;
	v8 =	vadd.s32 $0x186A0, v12;
	v12 =	vld [tilespmem:$0x9430]  }
0x58: {  	[tilespmem:$0x97E0] =	vst v8;
	v8 =	vadd.s32 $0x186A0, v13;
	v13 =	vld [tilespmem:$0x9440]  }
0x59: {  	[tilespmem:$0x97F0] =	vst v8;
	v8 =	vadd.s32 $0x186A0, v9;
	v9 =	vld [tilespmem:$0x9450]  }
0x5a: {  	[tilespmem:$0x9800] =	vst v8;
	v8 =	vadd.s32 $0x186A0, v10;
	v10 =	vld [tilespmem:$0x9460]  }
0x5b: {  	[tilespmem:$0x9810] =	vst v8;
	v8 =	vadd.s32 $0x186A0, v11;
	v11 =	vld [tilespmem:$0x9470]  }
0x5c: {  	[tilespmem:$0x9820] =	vst v8;
	v8 =	vadd.s32 $0x186A0, v12;
	v12 =	vld [tilespmem:$0x9280]  }
0x5d: {  	[tilespmem:$0x9830] =	vst v8;
	v8 =	vadd.s32 $0x186A0, v13;
	v13 =	vld [tilespmem:$0x9290]  }
0x5e: {  	[tilespmem:$0x9840] =	vst v8;
	v8 =	vadd.s32 $0x186A0, v9;
	v9 =	vld [tilespmem:$0x92A0]  }
0x5f: {  	[tilespmem:$0x9850] =	vst v8;
	v8 =	vadd.s32 $0x186A0, v10;
	v10 =	vld [tilespmem:$0x92B0]  }
0x60: {  	[tilespmem:$0x9860] =	vst v8;
	v8 =	vadd.s32 $0x186A0, v11;
	v11 =	vld [tilespmem:$0x92C0]  }
0x61: {  	[tilespmem:$0x9870] =	vst v8;
	v8 =	vadd.s32 $0x30D40, v12;
	v12 =	vld [tilespmem:$0x92D0]  }
0x62: {  	[tilespmem:$0x9880] =	vst v8;
	v8 =	vadd.s32 $0x30D40, v13;
	v13 =	vld [tilespmem:$0x92E0]  }
0x63: {  	[tilespmem:$0x9890] =	vst v8;
	v8 =	vadd.s32 $0x30D40, v9;
	v9 =	vld [tilespmem:$0x92F0]  }
0x64: {  	[tilespmem:$0x98A0] =	vst v8;
	v8 =	vadd.s32 $0x30D40, v10;
	v10 =	vld [tilespmem:$0x9300]  }
0x65: {  	[tilespmem:$0x98B0] =	vst v8;
	v8 =	vadd.s32 $0x30D40, v11;
	v11 =	vld [tilespmem:$0x9310]  }
0x66: {  	[tilespmem:$0x98C0] =	vst v8;
	v8 =	vadd.s32 $0x30D40, v12;
	v12 =	vld [tilespmem:$0x9320]  }
0x67: {  	[tilespmem:$0x98D0] =	vst v8;
	v8 =	vadd.s32 $0x30D40, v13;
	v13 =	vld [tilespmem:$0x9330]  }
0x68: {  	[tilespmem:$0x98E0] =	vst v8;
	v8 =	vadd.s32 $0x30D40, v9;
	v9 =	vld [tilespmem:$0x9340]  }
0x69: {  	[tilespmem:$0x98F0] =	vst v8;
	v8 =	vadd.s32 $0x30D40, v10;
	v10 =	vld [tilespmem:$0x9350]  }
0x6a: {  	[tilespmem:$0x9900] =	vst v8;
	v8 =	vadd.s32 $0x30D40, v11;
	v11 =	vld [tilespmem:$0x9360]  }
0x6b: {  	[tilespmem:$0x9910] =	vst v8;
	v8 =	vadd.s32 $0x30D40, v12;
	v12 =	vld [tilespmem:$0x9370]  }
0x6c: {  	[tilespmem:$0x9920] =	vst v8;
	v8 =	vadd.s32 $0x30D40, v13;
	v13 =	vld [tilespmem:$0x9380]  }
0x6d: {  	[tilespmem:$0x9930] =	vst v8;
	v8 =	vadd.s32 $0x30D40, v9;
	v9 =	vld [tilespmem:$0x9390]  }
0x6e: {  	[tilespmem:$0x9940] =	vst v8;
	v8 =	vadd.s32 $0x30D40, v10;
	v10 =	vld [tilespmem:$0x93A0]  }
0x6f: {  	[tilespmem:$0x9950] =	vst v8;
	v8 =	vadd.s32 $0x30D40, v11;
	v11 =	vld [tilespmem:$0x93B0]  }
0x70: {  	[tilespmem:$0x9960] =	vst v8;
	v8 =	vadd.s32 $0x30D40, v12;
	v12 =	vld [tilespmem:$0x93C0]  }
0x71: {  	[tilespmem:$0x9970] =	vst v8;
	v8 =	vadd.s32 $0x30D40, v13;
	v13 =	vld [tilespmem:$0x93D0]  }
0x72: {  	[tilespmem:$0x9980] =	vst v8;
	v8 =	vadd.s32 $0x30D40, v9;
	v9 =	vld [tilespmem:$0x93E0]  }
0x73: {  	[tilespmem:$0x9990] =	vst v8;
	v8 =	vadd.s32 $0x30D40, v10;
	v10 =	vld [tilespmem:$0x93F0]  }
0x74: {  	[tilespmem:$0x99A0] =	vst v8;
	v8 =	vadd.s32 $0x30D40, v11;
	v11 =	vld [tilespmem:$0x9400]  }
0x75: {  	[tilespmem:$0x99B0] =	vst v8;
	v8 =	vadd.s32 $0x30D40, v12;
	v12 =	vld [tilespmem:$0x9410]  }
0x76: {  	[tilespmem:$0x99C0] =	vst v8;
	v8 =	vadd.s32 $0x30D40, v13;
	v13 =	vld [tilespmem:$0x9420]  }
0x77: {  	[tilespmem:$0x99D0] =	vst v8;
	v8 =	vadd.s32 $0x30D40, v9;
	v9 =	vld [tilespmem:$0x9430]  }
0x78: {  	[tilespmem:$0x99E0] =	vst v8;
	v8 =	vadd.s32 $0x30D40, v10;
	v10 =	vld [tilespmem:$0x9440]  }
0x79: {  	[tilespmem:$0x99F0] =	vst v8;
	v8 =	vadd.s32 $0x30D40, v11;
	v11 =	vld [tilespmem:$0x9450]  }
0x7a: {  	[tilespmem:$0x9A00] =	vst v8;
	v8 =	vadd.s32 $0x30D40, v12;
	v12 =	vld [tilespmem:$0x9460]  }
0x7b: {  	[tilespmem:$0x9A10] =	vst v8;
	v8 =	vadd.s32 $0x30D40, v13;
	v13 =	vld [tilespmem:$0x9470]  }
0x7c: {  	[tilespmem:$0x9A20] =	vst v8;
	v8 =	vadd.s32 $0x30D40, v9;
	v9 =	vld [tilespmem:$0x9280]  }
0x7d: {  	[tilespmem:$0x9A30] =	vst v8;
	v8 =	vadd.s32 $0x30D40, v10;
	v10 =	vld [tilespmem:$0x9290]  }
0x7e: {  	[tilespmem:$0x9A40] =	vst v8;
	v8 =	vadd.s32 $0x30D40, v11;
	v11 =	vld [tilespmem:$0x92A0]  }
0x7f: {  	[tilespmem:$0x9A50] =	vst v8;
	v8 =	vadd.s32 $0x30D40, v12;
	v12 =	vld [tilespmem:$0x92B0]  }
0x80: {  	[tilespmem:$0x9A60] =	vst v8;
	v8 =	vadd.s32 $0x30D40, v13;
	v13 =	vld [tilespmem:$0x92C0]  }
0x81: {  	[tilespmem:$0x9A70] =	vst v8;
	v8 =	vadd.s32 $0x493E0, v9;
	v9 =	vld [tilespmem:$0x92D0]  }
0x82: {  	[tilespmem:$0x9A80] =	vst v8;
	v8 =	vadd.s32 $0x493E0, v10;
	v10 =	vld [tilespmem:$0x92E0]  }
0x83: {  	[tilespmem:$0x9A90] =	vst v8;
	v8 =	vadd.s32 $0x493E0, v11;
	v11 =	vld [tilespmem:$0x92F0]  }
0x84: {  	[tilespmem:$0x9AA0] =	vst v8;
	v8 =	vadd.s32 $0x493E0, v12;
	v12 =	vld [tilespmem:$0x9300]  }
0x85: {  	[tilespmem:$0x9AB0] =	vst v8;
	v8 =	vadd.s32 $0x493E0, v13;
	v13 =	vld [tilespmem:$0x9310]  }
0x86: {  	[tilespmem:$0x9AC0] =	vst v8;
	v8 =	vadd.s32 $0x493E0, v9;
	v9 =	vld [tilespmem:$0x9320]  }
0x87: {  	[tilespmem:$0x9AD0] =	vst v8;
	v8 =	vadd.s32 $0x493E0, v10;
	v10 =	vld [tilespmem:$0x9330]  }
0x88: {  	[tilespmem:$0x9AE0] =	vst v8;
	v8 =	vadd.s32 $0x493E0, v11;
	v11 =	vld [tilespmem:$0x9340]  }
0x89: {  	[tilespmem:$0x9AF0] =	vst v8;
	v8 =	vadd.s32 $0x493E0, v12;
	v12 =	vld [tilespmem:$0x9350]  }
0x8a: {  	[tilespmem:$0x9B00] =	vst v8;
	v8 =	vadd.s32 $0x493E0, v13;
	v13 =	vld [tilespmem:$0x9360]  }
0x8b: {  	[tilespmem:$0x9B10] =	vst v8;
	v8 =	vadd.s32 $0x493E0, v9;
	v9 =	vld [tilespmem:$0x9370]  }
0x8c: {  	[tilespmem:$0x9B20] =	vst v8;
	v8 =	vadd.s32 $0x493E0, v10;
	v10 =	vld [tilespmem:$0x9380]  }
0x8d: {  	[tilespmem:$0x9B30] =	vst v8;
	v8 =	vadd.s32 $0x493E0, v11;
	v11 =	vld [tilespmem:$0x9390]  }
0x8e: {  	[tilespmem:$0x9B40] =	vst v8;
	v8 =	vadd.s32 $0x493E0, v12;
	v12 =	vld [tilespmem:$0x93A0]  }
0x8f: {  	[tilespmem:$0x9B50] =	vst v8;
	v8 =	vadd.s32 $0x493E0, v13;
	v13 =	vld [tilespmem:$0x93B0]  }
0x90: {  	[tilespmem:$0x9B60] =	vst v8;
	v8 =	vadd.s32 $0x493E0, v9;
	v9 =	vld [tilespmem:$0x93C0]  }
0x91: {  	[tilespmem:$0x9B70] =	vst v8;
	v8 =	vadd.s32 $0x493E0, v10;
	v10 =	vld [tilespmem:$0x93D0]  }
0x92: {  	[tilespmem:$0x9B80] =	vst v8;
	v8 =	vadd.s32 $0x493E0, v11;
	v11 =	vld [tilespmem:$0x93E0]  }
0x93: {  	[tilespmem:$0x9B90] =	vst v8;
	v8 =	vadd.s32 $0x493E0, v12;
	v12 =	vld [tilespmem:$0x93F0]  }
0x94: {  	[tilespmem:$0x9BA0] =	vst v8;
	v8 =	vadd.s32 $0x493E0, v13;
	v13 =	vld [tilespmem:$0x9400]  }
0x95: {  	[tilespmem:$0x9BB0] =	vst v8;
	v8 =	vadd.s32 $0x493E0, v9;
	v9 =	vld [tilespmem:$0x9410]  }
0x96: {  	[tilespmem:$0x9BC0] =	vst v8;
	v8 =	vadd.s32 $0x493E0, v10;
	v10 =	vld [tilespmem:$0x9420]  }
0x97: {  	[tilespmem:$0x9BD0] =	vst v8;
	v8 =	vadd.s32 $0x493E0, v11;
	v11 =	vld [tilespmem:$0x9430]  }
0x98: {  	[tilespmem:$0x9BE0] =	vst v8;
	v8 =	vadd.s32 $0x493E0, v12;
	v12 =	vld [tilespmem:$0x9440]  }
0x99: {  	[tilespmem:$0x9BF0] =	vst v8;
	v8 =	vadd.s32 $0x493E0, v13;
	v13 =	vld [tilespmem:$0x9450]  }
0x9a: {  	[tilespmem:$0x9C00] =	vst v8;
	v8 =	vadd.s32 $0x493E0, v9;
	v9 =	vld [tilespmem:$0x9460]  }
0x9b: {  	[tilespmem:$0x9C10] =	vst v8;
	v8 =	vadd.s32 $0x493E0, v10;
	v10 =	vld [tilespmem:$0x9470]  }
0x9c: {  	[tilespmem:$0x9C20] =	vst v8;
	v8 =	vadd.s32 $0x493E0, v11;
	v11 =	vld [tilespmem:$0x9280]  }
0x9d: {  	[tilespmem:$0x9C30] =	vst v8;
	v8 =	vadd.s32 $0x493E0, v12;
	v12 =	vld [tilespmem:$0x9290]  }
0x9e: {  	[tilespmem:$0x9C40] =	vst v8;
	v8 =	vadd.s32 $0x493E0, v13;
	v13 =	vld [tilespmem:$0x92A0]  }
0x9f: {  	[tilespmem:$0x9C50] =	vst v8;
	v8 =	vadd.s32 $0x493E0, v9;
	v9 =	vld [tilespmem:$0x92B0]  }
0xa0: {  	[tilespmem:$0x9C60] =	vst v8;
	v8 =	vadd.s32 $0x493E0, v10;
	v10 =	vld [tilespmem:$0x92C0]  }
0xa1: {  	[tilespmem:$0x9C70] =	vst v8;
	v8 =	vadd.s32 $0x61A80, v11;
	v11 =	vld [tilespmem:$0x92D0]  }
0xa2: {  	[tilespmem:$0x9C80] =	vst v8;
	v8 =	vadd.s32 $0x61A80, v12;
	v12 =	vld [tilespmem:$0x92E0]  }
0xa3: {  	[tilespmem:$0x9C90] =	vst v8;
	v8 =	vadd.s32 $0x61A80, v13;
	v13 =	vld [tilespmem:$0x92F0]  }
0xa4: {  	[tilespmem:$0x9CA0] =	vst v8;
	v8 =	vadd.s32 $0x61A80, v9;
	v9 =	vld [tilespmem:$0x9300]  }
0xa5: {  	[tilespmem:$0x9CB0] =	vst v8;
	v8 =	vadd.s32 $0x61A80, v10;
	v10 =	vld [tilespmem:$0x9310]  }
0xa6: {  	[tilespmem:$0x9CC0] =	vst v8;
	v8 =	vadd.s32 $0x61A80, v11;
	v11 =	vld [tilespmem:$0x9320]  }
0xa7: {  	[tilespmem:$0x9CD0] =	vst v8;
	v8 =	vadd.s32 $0x61A80, v12;
	v12 =	vld [tilespmem:$0x9330]  }
0xa8: {  	[tilespmem:$0x9CE0] =	vst v8;
	v8 =	vadd.s32 $0x61A80, v13;
	v13 =	vld [tilespmem:$0x9340]  }
0xa9: {  	[tilespmem:$0x9CF0] =	vst v8;
	v8 =	vadd.s32 $0x61A80, v9;
	v9 =	vld [tilespmem:$0x9350]  }
0xaa: {  	[tilespmem:$0x9D00] =	vst v8;
	v8 =	vadd.s32 $0x61A80, v10;
	v10 =	vld [tilespmem:$0x9360]  }
0xab: {  	[tilespmem:$0x9D10] =	vst v8;
	v8 =	vadd.s32 $0x61A80, v11;
	v11 =	vld [tilespmem:$0x9370]  }
0xac: {  	[tilespmem:$0x9D20] =	vst v8;
	v8 =	vadd.s32 $0x61A80, v12;
	v12 =	vld [tilespmem:$0x9380]  }
0xad: {  	[tilespmem:$0x9D30] =	vst v8;
	v8 =	vadd.s32 $0x61A80, v13;
	v13 =	vld [tilespmem:$0x9390]  }
0xae: {  	[tilespmem:$0x9D40] =	vst v8;
	v8 =	vadd.s32 $0x61A80, v9;
	v9 =	vld [tilespmem:$0x93A0]  }
0xaf: {  	[tilespmem:$0x9D50] =	vst v8;
	v8 =	vadd.s32 $0x61A80, v10;
	v10 =	vld [tilespmem:$0x93B0]  }
0xb0: {  	[tilespmem:$0x9D60] =	vst v8;
	v8 =	vadd.s32 $0x61A80, v11;
	v11 =	vld [tilespmem:$0x93C0]  }
0xb1: {  	[tilespmem:$0x9D70] =	vst v8;
	v8 =	vadd.s32 $0x61A80, v12;
	v12 =	vld [tilespmem:$0x93D0]  }
0xb2: {  	[tilespmem:$0x9D80] =	vst v8;
	v8 =	vadd.s32 $0x61A80, v13;
	v13 =	vld [tilespmem:$0x93E0]  }
0xb3: {  	[tilespmem:$0x9D90] =	vst v8;
	v8 =	vadd.s32 $0x61A80, v9;
	v9 =	vld [tilespmem:$0x93F0]  }
0xb4: {  	[tilespmem:$0x9DA0] =	vst v8;
	v8 =	vadd.s32 $0x61A80, v10;
	v10 =	vld [tilespmem:$0x9400]  }
0xb5: {  	[tilespmem:$0x9DB0] =	vst v8;
	v8 =	vadd.s32 $0x61A80, v11;
	v11 =	vld [tilespmem:$0x9410]  }
0xb6: {  	[tilespmem:$0x9DC0] =	vst v8;
	v8 =	vadd.s32 $0x61A80, v12;
	v12 =	vld [tilespmem:$0x9420]  }
0xb7: {  	[tilespmem:$0x9DD0] =	vst v8;
	v8 =	vadd.s32 $0x61A80, v13;
	v13 =	vld [tilespmem:$0x9430]  }
0xb8: {  	[tilespmem:$0x9DE0] =	vst v8;
	v8 =	vadd.s32 $0x61A80, v9;
	v9 =	vld [tilespmem:$0x9440]  }
0xb9: {  	[tilespmem:$0x9DF0] =	vst v8;
	v8 =	vadd.s32 $0x61A80, v10;
	v10 =	vld [tilespmem:$0x9450]  }
0xba: {  	[tilespmem:$0x9E00] =	vst v8;
	v8 =	vadd.s32 $0x61A80, v11;
	v11 =	vld [tilespmem:$0x9460]  }
0xbb: {  	[tilespmem:$0x9E10] =	vst v8;
	v8 =	vadd.s32 $0x61A80, v12;
	v12 =	vld [tilespmem:$0x9470]  }
0xbc: {  	[tilespmem:$0x9E20] =	vst v8;
	v8 =	vadd.s32 $0x61A80, v13;
	v13 =	vld [tilespmem:$0x9280]  }
0xbd: {  	[tilespmem:$0x9E30] =	vst v8;
	v8 =	vadd.s32 $0x61A80, v9;
	v9 =	vld [tilespmem:$0x9290]  }
0xbe: {  	[tilespmem:$0x9E40] =	vst v8;
	v8 =	vadd.s32 $0x61A80, v10;
	v10 =	vld [tilespmem:$0x92A0]  }
0xbf: {  	[tilespmem:$0x9E50] =	vst v8;
	v8 =	vadd.s32 $0x61A80, v11;
	v11 =	vld [tilespmem:$0x92B0]  }
0xc0: {  	[tilespmem:$0x9E60] =	vst v8;
	v8 =	vadd.s32 $0x61A80, v12;
	v12 =	vld [tilespmem:$0x92C0]  }
0xc1: {  	[tilespmem:$0x9E70] =	vst v8;
	v8 =	vadd.s32 $0x7A120, v13;
	v13 =	vld [tilespmem:$0x92D0]  }
0xc2: {  	[tilespmem:$0x9E80] =	vst v8;
	v8 =	vadd.s32 $0x7A120, v9;
	v9 =	vld [tilespmem:$0x92E0]  }
0xc3: {  	[tilespmem:$0x9E90] =	vst v8;
	v8 =	vadd.s32 $0x7A120, v10;
	v10 =	vld [tilespmem:$0x92F0]  }
0xc4: {  	[tilespmem:$0x9EA0] =	vst v8;
	v8 =	vadd.s32 $0x7A120, v11;
	v11 =	vld [tilespmem:$0x9300]  }
0xc5: {  	[tilespmem:$0x9EB0] =	vst v8;
	v8 =	vadd.s32 $0x7A120, v12;
	v12 =	vld [tilespmem:$0x9310]  }
0xc6: {  	[tilespmem:$0x9EC0] =	vst v8;
	v8 =	vadd.s32 $0x7A120, v13;
	v13 =	vld [tilespmem:$0x9320]  }
0xc7: {  	[tilespmem:$0x9ED0] =	vst v8;
	v8 =	vadd.s32 $0x7A120, v9;
	v9 =	vld [tilespmem:$0x9330]  }
0xc8: {  	[tilespmem:$0x9EE0] =	vst v8;
	v8 =	vadd.s32 $0x7A120, v10;
	v10 =	vld [tilespmem:$0x9340]  }
0xc9: {  	[tilespmem:$0x9EF0] =	vst v8;
	v8 =	vadd.s32 $0x7A120, v11;
	v11 =	vld [tilespmem:$0x9350]  }
0xca: {  	[tilespmem:$0x9F00] =	vst v8;
	v8 =	vadd.s32 $0x7A120, v12;
	v12 =	vld [tilespmem:$0x9360]  }
0xcb: {  	[tilespmem:$0x9F10] =	vst v8;
	v8 =	vadd.s32 $0x7A120, v13;
	v13 =	vld [tilespmem:$0x9370]  }
0xcc: {  	[tilespmem:$0x9F20] =	vst v8;
	v8 =	vadd.s32 $0x7A120, v9;
	v9 =	vld [tilespmem:$0x9380]  }
0xcd: {  	[tilespmem:$0x9F30] =	vst v8;
	v8 =	vadd.s32 $0x7A120, v10;
	v10 =	vld [tilespmem:$0x9390]  }
0xce: {  	[tilespmem:$0x9F40] =	vst v8;
	v8 =	vadd.s32 $0x7A120, v11;
	v11 =	vld [tilespmem:$0x93A0]  }
0xcf: {  	[tilespmem:$0x9F50] =	vst v8;
	v8 =	vadd.s32 $0x7A120, v12;
	v12 =	vld [tilespmem:$0x93B0]  }
0xd0: {  	[tilespmem:$0x9F60] =	vst v8;
	v8 =	vadd.s32 $0x7A120, v13;
	v13 =	vld [tilespmem:$0x93C0]  }
0xd1: {  	[tilespmem:$0x9F70] =	vst v8;
	v8 =	vadd.s32 $0x7A120, v9;
	v9 =	vld [tilespmem:$0x93D0]  }
0xd2: {  	[tilespmem:$0x9F80] =	vst v8;
	v8 =	vadd.s32 $0x7A120, v10;
	v10 =	vld [tilespmem:$0x93E0]  }
0xd3: {  	[tilespmem:$0x9F90] =	vst v8;
	v8 =	vadd.s32 $0x7A120, v11;
	v11 =	vld [tilespmem:$0x93F0]  }
0xd4: {  	[tilespmem:$0x9FA0] =	vst v8;
	v8 =	vadd.s32 $0x7A120, v12;
	v12 =	vld [tilespmem:$0x9400]  }
0xd5: {  	[tilespmem:$0x9FB0] =	vst v8;
	v8 =	vadd.s32 $0x7A120, v13;
	v13 =	vld [tilespmem:$0x9410]  }
0xd6: {  	[tilespmem:$0x9FC0] =	vst v8;
	v8 =	vadd.s32 $0x7A120, v9;
	v9 =	vld [tilespmem:$0x9420]  }
0xd7: {  	[tilespmem:$0x9FD0] =	vst v8;
	v8 =	vadd.s32 $0x7A120, v10;
	v10 =	vld [tilespmem:$0x9430]  }
0xd8: {  	[tilespmem:$0x9FE0] =	vst v8;
	v8 =	vadd.s32 $0x7A120, v11;
	v11 =	vld [tilespmem:$0x9440]  }
0xd9: {  	[tilespmem:$0x9FF0] =	vst v8;
	v8 =	vadd.s32 $0x7A120, v12;
	v12 =	vld [tilespmem:$0x9450]  }
0xda: {  	[tilespmem:$0xA000] =	vst v8;
	v8 =	vadd.s32 $0x7A120, v13;
	v13 =	vld [tilespmem:$0x9460]  }
0xdb: {  	[tilespmem:$0xA010] =	vst v8;
	v8 =	vadd.s32 $0x7A120, v9;
	v9 =	vld [tilespmem:$0x9470]  }
0xdc: {  	[tilespmem:$0xA020] =	vst v8;
	v8 =	vadd.s32 $0x7A120, v10  }
0xdd: {  	[tilespmem:$0xA030] =	vst v8;
	v8 =	vadd.s32 $0x7A120, v11  }
0xde: {  	[tilespmem:$0xA040] =	vst v8;
	v8 =	vadd.s32 $0x7A120, v12  }
0xdf: {  	[tilespmem:$0xA050] =	vst v8;
	v8 =	vadd.s32 $0x7A120, v13  }
0xe0: {  	[tilespmem:$0xA060] =	vst v8;
	v8 =	vadd.s32 $0x7A120, v9  }
0xe1: {  	[tilespmem:$0xA070] =	vst v8  }
0xe2: {  	s21 =	simm.s32 $0x9480;
	s19 =	simm.s32 $0xA080;
	[bflag:$0x0] =	sbarrier.arrive $0xFFFF  }
0xe3: {  	[tilespmem:s19], [sflag:$0x1] =	stream.indirect.gather [spmem:s1], $0x1, s21, s10, $0xb8;
	[tilespmem:$0xBC80] =	vst v63  }
0xe4: {  	s20 =	simm.s32 $0x9500;
	s21 =	simm.s32 $0xA100  }
0xe5: {  	[tilespmem:s21], [sflag:$0x1] =	stream.indirect.gather [spmem:s1], $0x1, s20, s10, $0xb8;
	[tilespmem:$0xBC80] =	vst v63  }
0xe6: {  	s20 =	simm.s32 $0x9580;
	s21 =	simm.s32 $0xA180  }
0xe7: {  	[tilespmem:s21], [sflag:$0x1] =	stream.indirect.gather [spmem:s1], $0x1, s20, s10, $0xb8;
	[tilespmem:$0xBC80] =	vst v63  }
0xe8: {  	s20 =	simm.s32 $0x9600;
	s21 =	simm.s32 $0xA200  }
0xe9: {  	[tilespmem:s21], [sflag:$0x1] =	stream.indirect.gather [spmem:s1], $0x1, s20, s10, $0xb8;
	[tilespmem:$0xBC80] =	vst v63  }
0xea: {  	s20 =	simm.s32 $0x9680;
	s21 =	simm.s32 $0xA280  }
0xeb: {  	[tilespmem:s21], [sflag:$0x1] =	stream.indirect.gather [spmem:s1], $0x1, s20, s10, $0xb8;
	[tilespmem:$0xBC80] =	vst v63  }
0xec: {  	s20 =	simm.s32 $0x9700;
	s21 =	simm.s32 $0xA300  }
0xed: {  	[tilespmem:s21], [sflag:$0x1] =	stream.indirect.gather [spmem:s1], $0x1, s20, s10, $0xb8;
	[tilespmem:$0xBC80] =	vst v63  }
0xee: {  	s20 =	simm.s32 $0x9780;
	s21 =	simm.s32 $0xA380  }
0xef: {  	[tilespmem:s21], [sflag:$0x1] =	stream.indirect.gather [spmem:s1], $0x1, s20, s10, $0xb8;
	[tilespmem:$0xBC80] =	vst v63  }
0xf0: {  	s20 =	simm.s32 $0x9800;
	s21 =	simm.s32 $0xA400  }
0xf1: {  	[tilespmem:s21], [sflag:$0x1] =	stream.indirect.gather [spmem:s1], $0x1, s20, s10, $0xb8;
	[tilespmem:$0xBC80] =	vst v63  }
0xf2: {  	s20 =	simm.s32 $0x9880;
	s21 =	simm.s32 $0xA480  }
0xf3: {  	[tilespmem:s21], [sflag:$0x1] =	stream.indirect.gather [spmem:s1], $0x1, s20, s10, $0xb8;
	[tilespmem:$0xBC80] =	vst v63  }
0xf4: {  	s20 =	simm.s32 $0x9900;
	s21 =	simm.s32 $0xA500  }
0xf5: {  	[tilespmem:s21], [sflag:$0x1] =	stream.indirect.gather [spmem:s1], $0x1, s20, s10, $0xb8;
	[tilespmem:$0xBC80] =	vst v63  }
0xf6: {  	s20 =	simm.s32 $0x9980;
	s21 =	simm.s32 $0xA580  }
0xf7: {  	[tilespmem:s21], [sflag:$0x1] =	stream.indirect.gather [spmem:s1], $0x1, s20, s10, $0xb8;
	[tilespmem:$0xBC80] =	vst v63  }
0xf8: {  	s20 =	simm.s32 $0x9A00;
	s21 =	simm.s32 $0xA600  }
0xf9: {  	[tilespmem:s21], [sflag:$0x1] =	stream.indirect.gather [spmem:s1], $0x1, s20, s10, $0xb8;
	[tilespmem:$0xBC80] =	vst v63  }
0xfa: {  	s20 =	simm.s32 $0x9A80;
	s21 =	simm.s32 $0xA680  }
0xfb: {  	[tilespmem:s21], [sflag:$0x1] =	stream.indirect.gather [spmem:s1], $0x1, s20, s10, $0xb8;
	[tilespmem:$0xBC80] =	vst v63  }
0xfc: {  	s20 =	simm.s32 $0x9B00;
	s21 =	simm.s32 $0xA700  }
0xfd: {  	[tilespmem:s21], [sflag:$0x1] =	stream.indirect.gather [spmem:s1], $0x1, s20, s10, $0xb8;
	[tilespmem:$0xBC80] =	vst v63  }
0xfe: {  	s20 =	simm.s32 $0x9B80;
	s21 =	simm.s32 $0xA780  }
0xff: {  	[tilespmem:s21], [sflag:$0x1] =	stream.indirect.gather [spmem:s1], $0x1, s20, s10, $0xb8;
	[tilespmem:$0xBC80] =	vst v63  }
0x100: {  	s20 =	simm.s32 $0x9C00;
	s21 =	simm.s32 $0xA800  }
0x101: {  	[tilespmem:s21], [sflag:$0x1] =	stream.indirect.gather [spmem:s1], $0x1, s20, s10, $0xb8;
	[tilespmem:$0xBC80] =	vst v63  }
0x102: {  	s20 =	simm.s32 $0x9C80  }
0x103: {  	[tilespmem:s22], [sflag:$0x1] =	stream.indirect.gather [spmem:s1], $0x1, s20, s10, $0xb8;
	[tilespmem:$0xBC80] =	vst v63  }
0x104: {  	_ = 	snop  }
0x105: {  	[tilespmem:s24], [sflag:$0x1] =	stream.indirect.gather [spmem:s1], $0x1, s23, s10, $0xb8;
	[tilespmem:$0xBC80] =	vst v63  }
0x106: {  	_ = 	snop  }
0x107: {  	[tilespmem:s26], [sflag:$0x1] =	stream.indirect.gather [spmem:s1], $0x1, s25, s10, $0xb8;
	[tilespmem:$0xBC80] =	vst v63  }
0x108: {  	_ = 	snop  }
0x109: {  	[tilespmem:s29], [sflag:$0x1] =	stream.indirect.gather [spmem:s1], $0x1, s28, s10, $0xb8;
	[tilespmem:$0xBC80] =	vst v63  }
0x10a: {  	_ = 	snop  }
0x10b: {  	[tilespmem:s31], [sflag:$0x1] =	stream.indirect.gather [spmem:s1], $0x1, s30, s10, $0xb8;
	[tilespmem:$0xBC80] =	vst v63  }
0x10c: {  	_ = 	snop  }
0x10d: {  	[tilespmem:s8], [sflag:$0x1] =	stream.indirect.gather [spmem:s1], $0x1, s0, s10, $0xb8;
	[tilespmem:$0xBC80] =	vst v63  }
0x10e: {  	_ = 	snop  }
0x10f: {  	[tilespmem:s12], [sflag:$0x1] =	stream.indirect.gather [spmem:s1], $0x1, s11, s10, $0xb8;
	[tilespmem:$0xBC80] =	vst v63  }
0x110: {  	_ = 	snop  }
0x111: {  	[tilespmem:s14], [sflag:$0x1] =	stream.indirect.gather [spmem:s1], $0x1, s13, s10, $0xb8;
	[tilespmem:$0xBC80] =	vst v63  }
0x112: {  	_ =	swait.ge [sflag:s15], $0x80  }
0x113: {  	[sflag:s15] =	ssyncset.done $0x0  }
0x114: {  	[sflag:s15] =	ssyncadd.s32 $0xFFFFFF80  }
0x115: {  	_ =	swait.ge [sflag:s15], $0x80  }
0x116: {  	[sflag:s15] =	ssyncset.done $0x0  }
0x117: {  	[sflag:s15] =	ssyncadd.s32 $0xFFFFFF80  }
0x118: {  	_ =	swait.ge [sflag:s15], $0x80  }
0x119: {  	[sflag:s15] =	ssyncset.done $0x0  }
0x11a: {  	[sflag:s15] =	ssyncadd.s32 $0xFFFFFF80  }
0x11b: {  	_ =	swait.ge [sflag:s15], $0x80  }
0x11c: {  	[sflag:s15] =	ssyncset.done $0x0  }
0x11d: {  	[sflag:s15] =	ssyncadd.s32 $0xFFFFFF80  }
0x11e: {  	_ =	swait.ge [sflag:s15], $0x80  }
0x11f: {  	[sflag:s15] =	ssyncset.done $0x0  }
0x120: {  	[sflag:s15] =	ssyncadd.s32 $0xFFFFFF80  }
0x121: {  	_ =	swait.ge [sflag:s15], $0x80  }
0x122: {  	[sflag:s15] =	ssyncset.done $0x0  }
0x123: {  	[sflag:s15] =	ssyncadd.s32 $0xFFFFFF80  }
0x124: {  	_ =	swait.ge [sflag:s15], $0x80  }
0x125: {  	[sflag:s15] =	ssyncset.done $0x0  }
0x126: {  	[sflag:s15] =	ssyncadd.s32 $0xFFFFFF80  }
0x127: {  	_ =	swait.ge [sflag:s15], $0x80  }
0x128: {  	[sflag:s15] =	ssyncset.done $0x0  }
0x129: {  	[sflag:s15] =	ssyncadd.s32 $0xFFFFFF80  }
0x12a: {  	_ =	swait.ge [sflag:s15], $0x80  }
0x12b: {  	[sflag:s15] =	ssyncset.done $0x0  }
0x12c: {  	[sflag:s15] =	ssyncadd.s32 $0xFFFFFF80  }
0x12d: {  	_ =	swait.ge [sflag:s15], $0x80  }
0x12e: {  	[sflag:s15] =	ssyncset.done $0x0  }
0x12f: {  	[sflag:s15] =	ssyncadd.s32 $0xFFFFFF80  }
0x130: {  	_ =	swait.ge [sflag:s15], $0x80  }
0x131: {  	[sflag:s15] =	ssyncset.done $0x0  }
0x132: {  	[sflag:s15] =	ssyncadd.s32 $0xFFFFFF80  }
0x133: {  	_ =	swait.ge [sflag:s15], $0x80  }
0x134: {  	[sflag:s15] =	ssyncset.done $0x0  }
0x135: {  	[sflag:s15] =	ssyncadd.s32 $0xFFFFFF80  }
0x136: {  	_ =	swait.ge [sflag:s15], $0x80  }
0x137: {  	[sflag:s15] =	ssyncset.done $0x0  }
0x138: {  	[sflag:s15] =	ssyncadd.s32 $0xFFFFFF80  }
0x139: {  	_ =	swait.ge [sflag:s15], $0x80  }
0x13a: {  	[sflag:s15] =	ssyncset.done $0x0  }
0x13b: {  	[sflag:s15] =	ssyncadd.s32 $0xFFFFFF80  }
0x13c: {  	_ =	swait.ge [sflag:s15], $0x80  }
0x13d: {  	[sflag:s15] =	ssyncset.done $0x0  }
0x13e: {  	[sflag:s15] =	ssyncadd.s32 $0xFFFFFF80  }
0x13f: {  	_ =	swait.ge [sflag:s15], $0x80  }
0x140: {  	[sflag:s15] =	ssyncset.done $0x0  }
0x141: {  	[sflag:s15] =	ssyncadd.s32 $0xFFFFFF80  }
0x142: {  	_ =	swait.ge [sflag:s15], $0x80  }
0x143: {  	[sflag:s15] =	ssyncset.done $0x0  }
0x144: {  	[sflag:s15] =	ssyncadd.s32 $0xFFFFFF80  }
0x145: {  	_ =	swait.ge [sflag:s15], $0x80  }
0x146: {  	[sflag:s15] =	ssyncset.done $0x0  }
0x147: {  	[sflag:s15] =	ssyncadd.s32 $0xFFFFFF80  }
0x148: {  	_ =	swait.ge [sflag:s15], $0x80  }
0x149: {  	[sflag:s15] =	ssyncset.done $0x0  }
0x14a: {  	[sflag:s15] =	ssyncadd.s32 $0xFFFFFF80  }
0x14b: {  	_ =	swait.ge [sflag:s15], $0x80  }
0x14c: {  	[sflag:s15] =	ssyncset.done $0x0  }
0x14d: {  	[sflag:s15] =	ssyncadd.s32 $0xFFFFFF80  }
0x14e: {  	_ =	swait.ge [sflag:s15], $0x80  }
0x14f: {  	[sflag:s15] =	ssyncset.done $0x0  }
0x150: {  	[sflag:s15] =	ssyncadd.s32 $0xFFFFFF80  }
0x151: {  	_ =	swait.ge [sflag:s15], $0x80  }
0x152: {  	[sflag:s15] =	ssyncset.done $0x0  }
0x153: {  	[sflag:s15] =	ssyncadd.s32 $0xFFFFFF80  }
0x154: {  	_ =	swait.ge [sflag:s15], $0x80  }
0x155: {  	[sflag:s15] =	ssyncset.done $0x0  }
0x156: {  	[sflag:s15] =	ssyncadd.s32 $0xFFFFFF80  }
0x157: {  	v8 =	vmov s2;
	_ =	swait.ge [sflag:s15], $0x80  }
0x158: {  	v9 =	vshll.u32 v8, $0x3;
	v8 =	vshrl.u32 v8, $0x2;
	[sflag:s15] =	ssyncset.done $0x0  }
0x159: {  	v9 =	vand.u32 $0xC00, v9;
	v8 =	vand.u32 $0x380, v8;
	s21 =	simm.s32 $0xA0C0;
	[sflag:s15] =	ssyncadd.s32 $0xFFFFFF80  }
0x15a: {  	v12 =	vor.u32 v9, v8;
	v10 =	vld [tilespmem:s21+$0x0]  }
0x15b: {  	v11 =	vor.u32 v0, v12;
	v9 =	vld [tilespmem:s21+$0xFFFFFFC0]  }
0x15c: {  	v14 =	vor.u32 v1, v12;
	v13 =	vld [tilespmem:s21+$0xFFFFFFD0]  }
0x15d: {  	v18 =	vor.u32 v3, v12;
	v17 =	vld [tilespmem:s21+$0xFFFFFFF0]  }
0x15e: {  	s18 =	simm.s32 $0xA140;
	v16 =	vor.u32 v2, v12;
	s20 =	simm.s32 $0x80;
	v15 =	vld [tilespmem:s21+$0xFFFFFFE0]  }
0x15f: {  	v19 =	vor.u32 v4, v12;
	v20 =	vmov s20;
	v8 =	vld [tilespmem:s18+$0x0]  }
0x160: {  	v22 =	vor.u32 v5, v12;
	v21 =	vld [tilespmem:s21+$0x10];
	[tilespmem:v11+s16+$0x0] =	vst.idx.msk $0xffff, v9;
	v9 =	vshll.u32 v20, $0x3;
	v11 =	vshrl.u32 v20, $0x2  }
0x161: {  	v24 =	vor.u32 v6, v12;
	v23 =	vld [tilespmem:s21+$0x20];
	[tilespmem:v14+s16+$0x0] =	vst.idx.msk $0xffff, v13;
	v9 =	vand.u32 $0xC00, v9;
	v13 =	vand.u32 $0x380, v11  }
0x162: {  	[tilespmem:v18+s16+$0x0] =	vst.idx.msk $0xffff, v17;
	v17 =	vor.u32 v7, v12;
	v11 =	vld [tilespmem:s21+$0x30];
	v9 =	vor.u32 v9, v13  }
0x163: {  	[tilespmem:v16+s16+$0x0] =	vst.idx.msk $0xffff, v15;
	v13 =	vld [tilespmem:s18+$0xFFFFFFC0];
	v18 =	vor.u32 v0, v9  }
0x164: {  	v14 =	vld [tilespmem:s18+$0xFFFFFFD0];
	[tilespmem:v19+s16+$0x0] =	vst.idx.msk $0xffff, v10;
	v19 =	vor.u32 v1, v9  }
0x165: {  	v16 =	vld [tilespmem:s18+$0xFFFFFFE0];
	[tilespmem:v22+s16+$0x0] =	vst.idx.msk $0xffff, v21;
	v20 =	vor.u32 v2, v9  }
0x166: {  	s19 =	simm.s32 $0x8;
	s20 =	simm.s32 $0x100;
	v12 =	vld [tilespmem:s18+$0xFFFFFFF0];
	[tilespmem:v24+s16+$0x0] =	vst.idx.msk $0xffff, v23;
	s21 =	simm.s32 $0xA1C0;
	v10 =	vor.u32 v4, v9;
	v15 =	vor.u32 v3, v9  }
.LBB2_2:
0x167: {  	v21 =	vmov s20;
	v22 =	vld [tilespmem:s21+$0x0];
	s19 =	sadd.s32 $0x8, s19;
	[tilespmem:v17+s16+$0x0] =	vst.idx.msk $0xffff, v11  }
0x168: {  	v23 =	vor.u32 v5, v9;
	v11 =	vshll.u32 v21, $0x3;
	v17 =	vshrl.u32 v21, $0x2;
	p1 =	slt.u32 s19, $0xB8;
	[tilespmem:v18+s16+$0x0] =	vst.idx.msk $0xffff, v13;
	v21 =	vld [tilespmem:s18+$0x10]  }
0x169: {  	v25 =	vor.u32 v6, v9;
	v13 =	vand.u32 $0xC00, v11;
	v18 =	vand.u32 $0x380, v17;
	[tilespmem:v19+s16+$0x0] =	vst.idx.msk $0xffff, v14;
	v24 =	vld [tilespmem:s18+$0x20]  }
.Ltmp0:
0x16a: {  	v17 =	vor.u32 v7, v9;
	[tilespmem:v20+s16+$0x0] =	vst.idx.msk $0xffff, v16;
	v11 =	vld [tilespmem:s18+$0x30];
	v9 =	vor.u32 v13, v18;
	s18 =	smov.u32 s21;
	(pc) =	sbr.rel @p1 .LBB2_2-.Ltmp0, $4  }
0x16b: {  	v13 =	vld [tilespmem:s21+$0xFFFFFFC0];
	v18 =	vor.u32 v0, v9;
	v16 =	vor.u32 v4, v9;
	[tilespmem:v15+s16+$0x0] =	vst.idx.msk $0xffff, v12  }
0x16c: {  	v19 =	vor.u32 v1, v9;
	v14 =	vld [tilespmem:s21+$0xFFFFFFD0];
	[tilespmem:v10+s16+$0x0] =	vst.idx.msk $0xffff, v8;
	v8 =	vmov v22;
	v10 =	vmov v16  }
0x16d: {  	v20 =	vor.u32 v2, v9;
	v16 =	vld [tilespmem:s21+$0xFFFFFFE0];
	[tilespmem:v23+s16+$0x0] =	vst.idx.msk $0xffff, v21  }
0x16e: {  	s20 =	sadd.s32 $0x80, s20;
	v15 =	vor.u32 v3, v9;
	s21 =	sadd.s32 $0x80, s21;
	v12 =	vld [tilespmem:s18+$0xFFFFFFF0];
	[tilespmem:v25+s16+$0x0] =	vst.idx.msk $0xffff, v24  }
0x16f: {  	_ =	sdelay $0x3  }
0x170: {  	[tilespmem:v17+s16+$0x0] =	vst.idx.msk $0xffff, v11  }
0x171: {  	v58 =	vld [tilespmem:s18+$0x10];
	v59 =	vor.u32 v5, v9;
	[tilespmem:v10+s16+$0x0] =	vst.idx.msk $0xffff, v8  }
0x172: {  	v60 =	vld [tilespmem:s18+$0x20];
	v61 =	vor.u32 v6, v9;
	[tilespmem:v18+s16+$0x0] =	vst.idx.msk $0xffff, v13  }
0x173: {  	v62 =	vld [tilespmem:s18+$0x30];
	v63 =	vor.u32 v7, v9;
	[tilespmem:v19+s16+$0x0] =	vst.idx.msk $0xffff, v14  }
0x174: {  	[tilespmem:v20+s16+$0x0] =	vst.idx.msk $0xffff, v16  }
0x175: {  	[tilespmem:v15+s16+$0x0] =	vst.idx.msk $0xffff, v12  }
0x176: {  	s17 =	sadd.s32 $0x1, s17;
	[tilespmem:v59+s16+$0x0] =	vst.idx.msk $0xffff, v58  }
0x177: {  	p1 =	sne.s32 s17, s6;
	[tilespmem:v61+s16+$0x0] =	vst.idx.msk $0xffff, v60  }
.Ltmp1:
0x178: {  	[tilespmem:v63+s16+$0x0] =	vst.idx.msk $0xffff, v62;
	(pc) =	sbr.rel @p1 .LBB2_1-.Ltmp1, $4  }
0x179: {  	[hbm4b:s5+s2] =	stream.linear.scatter [tilespmem:s16], [sflag:$0x2], $0x1000, $0x38;
	[tilespmem:$0xBC80] =	vst v63  }
0x17a: {  	_ =	swait.ge [sflag:s9], $0x1000  }
0x17b: {  	[sflag:s9] =	ssyncset.done $0x0  }
0x17c: {  	[sflag:s9] =	ssyncadd.s32 $0xFFFFF000  }
0x17d: {  	_ =	sfence.sel $0x180000  }
0x17e: {  	[bflag:$0x0] =	sbarrier.arrive $0xFFFF  }
0x17f: {  	_ =	strace $0x90000047  }
0x180: {  	[bflag:$0x2] =	sbarrier.arrive $0xFFFF  }
0x181: {  	s0 =	rddreg [dreg:$0x4]  }
0x182: {  	s0 =	sadd.s32 @!p0 $0x100000, s0  }
0x183: {  	[sflag:s0] =	ssyncadd.tile.s32 @!p0 $0x1;
	_ =	shalt  }
.Lfunc_end2:
_tile_overlayer_lowered:
.L_overlay_start_2:
0x184: {  	(tag) =	ssettag $0x2  }
0x185: {  	s0 =	rddreg [dreg:$0x0];
	s2 =	stileid.u32  }
0x186: {  	s1 =	rddreg [dreg:$0x1];
	p0 =	sne.s32 s2, $0x0  }
0x187: {  	s3 =	rddreg [dreg:$0x2];
	[bflag:$0x3] =	sbarrier.arrive $0xFFFF;
	s2 =	simm.s32 @!p0 $0x1C02  }
0x188: {  	[timem:s3], [sflag:s2] =	dma.local @!p0 [hbm:s0], s1  }
0x189: {  	s0 =	simm.s32 @!p0 $0x2  }
0x18a: {  	_ =	swait.ge @!p0 [sflag:s0], s1  }
0x18b: {  	s1 =	ssub.s32 @!p0 $0x0, s1;
	[sflag:s0] =	ssyncset.done @!p0 $0x0  }
0x18c: {  	[sflag:s0] =	ssyncadd.s32 @!p0 s1  }
0x18d: {  	[bflag:$0x3] =	sbarrier.arrive $0xFFFF  }
0x18e: {  	_ =	shalt  }

</sc_bundles>
